<compile_context>
chip_gen: v7x
topology: tpu7x:2x2x1
jax: 0.10.2.dev20260603
libtpu: 0.0.44.dev20260713+nightly
codegen_flags: <defaults>
</compile_context>

<pallas_src>
import functools

import jax
import jax.numpy as jnp
from jax import lax
from jax.experimental import pallas as pl
from jax.experimental.pallas import tpu as pltpu
from jax.experimental.pallas import tpu_sc as plsc

N = 10000
D = 128
NC = 2
NS = 16
NW = NC * NS
C = 128
N_PAD = 10240
ROWS_PER_TILE = N_PAD // NS


def _sc_agg_body(n_chunks, with_deg, *refs):
    if with_deg:
        (x_hbm, pidx_hbm, agg_out, deg_out,
         agg_sh, deg_sh, pidx, sidx, didx, rows0, rows1, ones,
         sem0, sem1) = refs
    else:
        (x_hbm, pidx_hbm, agg_out,
         agg_sh, pidx, sidx, didx, rows0, rows1, sem0, sem1) = refs
    cid = lax.axis_index("c")
    sid = lax.axis_index("s")
    wid = cid * NS + sid

    pltpu.sync_copy(pidx_hbm.at[wid], pidx)

    zeros16 = jnp.zeros((16,), jnp.float32)

    def zrow(i, carry):
        for j in range(D // 16):
            rows0[i, pl.ds(j * 16, 16)] = zeros16
        return carry

    lax.fori_loop(0, C, zrow, 0)
    if with_deg:
        ones16 = jnp.full((16,), 1.0, jnp.float32)
        for j in range(C // 16):
            ones[pl.ds(j * 16, 16)] = ones16

    r0 = sid * ROWS_PER_TILE
    for k in range(ROWS_PER_TILE // C):
        pltpu.sync_copy(rows0, agg_sh.at[pl.ds(r0 + k * C, C)])
    if with_deg:
        for k in range(ROWS_PER_TILE // C):
            pltpu.sync_copy(rows0.at[0, pl.ds(0, C)],
                            deg_sh.at[pl.ds(r0 + k * C, C)])
    plsc.subcore_barrier()

    mask16 = jnp.full((16,), 0xFFFF, jnp.int32)
    sh16 = jnp.full((16,), 16, jnp.int32)

    def unpack(j, p):
        for t in range(C // 16):
            w = pidx[j, pl.ds(t * 16, 16)]
            sidx[p, pl.ds(t * 16, 16)] = lax.bitwise_and(w, mask16)
            didx[p, pl.ds(t * 16, 16)] = lax.shift_right_logical(w, sh16)

    unpack(0, 0)
    pltpu.async_copy(x_hbm.at[sidx.at[0]], rows0, sem0)

    def body(i, carry):
        j = 2 * i
        unpack(j + 1, 1)
        pltpu.async_copy(x_hbm.at[sidx.at[1]], rows1, sem1)
        pltpu.make_async_copy(x_hbm.at[sidx.at[0]], rows0, sem0).wait()
        pltpu.sync_copy(rows0, agg_sh.at[didx.at[0]], add=True)
        if with_deg:
            pltpu.sync_copy(ones, deg_sh.at[didx.at[0]], add=True)
        unpack(j + 2, 0)
        pltpu.async_copy(x_hbm.at[sidx.at[0]], rows0, sem0)
        pltpu.make_async_copy(x_hbm.at[sidx.at[1]], rows1, sem1).wait()
        pltpu.sync_copy(rows1, agg_sh.at[didx.at[1]], add=True)
        if with_deg:
            pltpu.sync_copy(ones, deg_sh.at[didx.at[1]], add=True)
        return carry

    lax.fori_loop(0, n_chunks // 2, body, 0)
    pltpu.make_async_copy(x_hbm.at[sidx.at[0]], rows0, sem0).wait()
    plsc.subcore_barrier()

    pltpu.sync_copy(agg_sh.at[pl.ds(r0, ROWS_PER_TILE)],
                    agg_out.at[cid, pl.ds(r0, ROWS_PER_TILE)])
    if with_deg:
        pltpu.sync_copy(deg_sh.at[pl.ds(r0, ROWS_PER_TILE)],
                        deg_out.at[cid, pl.ds(r0, ROWS_PER_TILE)])


def _make_sc_agg(n_chunks, with_deg):
    mesh = plsc.VectorSubcoreMesh(core_axis_name="c", subcore_axis_name="s",
                                  num_cores=NC, num_subcores=NS)
    out_type = [jax.ShapeDtypeStruct((NC, N_PAD, D), jnp.float32)]
    scratch = [
        pltpu.VMEM_SHARED((N_PAD, D), jnp.float32),
    ]
    if with_deg:
        out_type.append(jax.ShapeDtypeStruct((NC, N_PAD), jnp.float32))
        scratch.append(pltpu.VMEM_SHARED((N_PAD,), jnp.float32))
    scratch += [
        pltpu.VMEM((n_chunks + 1, C), jnp.int32),
        pltpu.VMEM((2, C), jnp.int32),
        pltpu.VMEM((2, C), jnp.int32),
        pltpu.VMEM((C, D), jnp.float32),
        pltpu.VMEM((C, D), jnp.float32),
    ]
    if with_deg:
        scratch.append(pltpu.VMEM((C,), jnp.float32))
    scratch += [pltpu.SemaphoreType.DMA, pltpu.SemaphoreType.DMA]

    body = functools.partial(_sc_agg_body, n_chunks, with_deg)
    return pl.kernel(body, out_type=out_type, mesh=mesh,
                     scratch_types=scratch,
                     name=f"sc_agg_deg{int(with_deg)}")


def _tc_xr(x, wr, o):
    o[...] = jnp.dot(x[...], wr[...], preferred_element_type=jnp.float32)


def _tc_layer1(aggp, degp, xr, wl, bl, h):
    deg = jnp.maximum(degp[0] + degp[1], 1.0)
    mean = (aggp[0] + aggp[1]) / deg
    acc = jnp.dot(mean, wl[...], preferred_element_type=jnp.float32)
    h[...] = jnp.maximum(acc + xr[...] + bl[...], 0.0)


def _tc_layer2(aggp, degp, h1, wl, bl, wr, wlin, blin, out, emb):
    deg = jnp.maximum(degp[0] + degp[1], 1.0)
    mean = (aggp[0] + aggp[1]) / deg
    acc = jnp.dot(mean, wl[...], preferred_element_type=jnp.float32)
    acc = acc + jnp.dot(h1[...], wr[...], preferred_element_type=jnp.float32)
    e = jnp.maximum(acc + bl[...], 0.0)
    emb[...] = e
    out[...] = jnp.dot(e, wlin[...], preferred_element_type=jnp.float32) + blin[...]


def kernel(x, edge_index, W1l, b1l, W1r, W2l, b2l, W2r, Wlin, blin):
    E = edge_index.shape[1]
    n_chunks = -(-E // (NW * C))
    if n_chunks % 2:
        n_chunks += 1
    e_pad = n_chunks * NW * C
    npad_e = e_pad + NW * C - E
    pad_i = jnp.arange(npad_e, dtype=jnp.int32)
    pad_word = (pad_i % N) + (N + pad_i % (N_PAD - N)) * 65536
    packed = jnp.concatenate(
        [edge_index[0] + edge_index[1] * 65536, pad_word[:e_pad - E]])
    pidx_r = jnp.concatenate(
        [packed.reshape(NW, n_chunks, C),
         pad_word[e_pad - E:].reshape(NW, 1, C)], axis=1)

    sc1 = _make_sc_agg(n_chunks, True)
    agg1, deg = sc1(x, pidx_r)
    deg3 = deg.reshape(NC, N_PAD, 1)

    R = 1000
    grid = (N // R,)
    w_spec = pl.BlockSpec((D, D), lambda i: (0, 0))
    b_spec = pl.BlockSpec((1, D), lambda i: (0, 0))
    agg_spec = pl.BlockSpec((NC, R, D), lambda i: (0, i, 0))
    deg_spec = pl.BlockSpec((NC, R, 1), lambda i: (0, i, 0))
    row_spec = pl.BlockSpec((R, D), lambda i: (i, 0))

    xr = pl.pallas_call(
        _tc_xr,
        grid=grid,
        in_specs=[row_spec, w_spec],
        out_specs=row_spec,
        out_shape=jax.ShapeDtypeStruct((N, D), jnp.float32),
    )(x, W1r)

    h1 = pl.pallas_call(
        _tc_layer1,
        grid=grid,
        in_specs=[agg_spec, deg_spec, row_spec, w_spec, b_spec],
        out_specs=row_spec,
        out_shape=jax.ShapeDtypeStruct((N, D), jnp.float32),
    )(agg1, deg3, xr, W1l, b1l.reshape(1, D))

    sc2 = _make_sc_agg(n_chunks, False)
    (agg2,) = sc2(h1, pidx_r)

    out, emb = pl.pallas_call(
        _tc_layer2,
        grid=grid,
        in_specs=[agg_spec, deg_spec, row_spec, w_spec, b_spec, w_spec,
                  w_spec, b_spec],
        out_specs=[row_spec, row_spec],
        out_shape=[jax.ShapeDtypeStruct((N, D), jnp.float32),
                   jax.ShapeDtypeStruct((N, D), jnp.float32)],
    )(agg2, deg3, h1, W2l, b2l.reshape(1, D), W2r, Wlin, blin.reshape(1, D))
    return (out, emb)

# --- scband reference (transcript-rebuilt; emitter-appended) ---
"""Pipeline reference for scband-graph-sagenet-54030688584326 (READ-ONLY COPY).

The authoritative reference and input builder live on the scoring server;
editing this copy changes nothing except your own understanding.
"""

import jax, jax.numpy as jnp
import numpy as np

N = 10000
E = 320000
D = 128
H = 128
O = 128


def setup_inputs(seed: int = 0) -> dict:
    key = jax.random.key(seed)
    ks = jax.random.split(key, 12)
    x = jax.random.normal(ks[0], (N, D), dtype=jnp.float32)
    edge_index = jax.random.randint(ks[1], (2, E), 0, N, dtype=jnp.int32)
    # SAGEConv params (PyG convention): lin_l applied to mean-aggregated neighbors (with bias),
    # lin_r applied to root/self features (no bias). Weights stored as [fan_in, fan_out].
    W1l = jax.random.normal(ks[2], (D, H), dtype=jnp.float32) * (1.0 / np.sqrt(D))
    b1l = jnp.zeros((H,), dtype=jnp.float32)
    W1r = jax.random.normal(ks[3], (D, H), dtype=jnp.float32) * (1.0 / np.sqrt(D))
    W2l = jax.random.normal(ks[4], (H, H), dtype=jnp.float32) * (1.0 / np.sqrt(H))
    b2l = jnp.zeros((H,), dtype=jnp.float32)
    W2r = jax.random.normal(ks[5], (H, H), dtype=jnp.float32) * (1.0 / np.sqrt(H))
    Wlin = jax.random.normal(ks[6], (H, O), dtype=jnp.float32) * (1.0 / np.sqrt(H))
    blin = jnp.zeros((O,), dtype=jnp.float32)
    return {"x": x, "edge_index": edge_index,
            "W1l": W1l, "b1l": b1l, "W1r": W1r,
            "W2l": W2l, "b2l": b2l, "W2r": W2r,
            "Wlin": Wlin, "blin": blin}


def _sage_conv(x, src, dst, Wl, bl, Wr, n_nodes):
    # message: gather source-node features along edges
    msg = jnp.take(x, src, axis=0)                                  # [E, d]
    # mean aggregation onto destination nodes (scatter-add + degree normalize)
    agg = jax.ops.segment_sum(msg, dst, num_segments=n_nodes)       # [N, d]
    ones = jnp.ones((src.shape[0], 1), dtype=x.dtype)
    deg = jax.ops.segment_sum(ones, dst, num_segments=n_nodes)      # [N, 1]
    mean = agg / jnp.clip(deg, 1.0)
    return mean @ Wl + bl + x @ Wr


def reference(x, edge_index, W1l, b1l, W1r, W2l, b2l, W2r, Wlin, blin):
    src = edge_index[0]
    dst = edge_index[1]
    h = _sage_conv(x, src, dst, W1l, b1l, W1r, N)
    h = jax.nn.relu(h)
    # dropout is identity in eval mode
    h = _sage_conv(h, src, dst, W2l, b2l, W2r, N)
    embeddings = jax.nn.relu(h)
    out = embeddings @ Wlin + blin
    return (out, embeddings)

if __name__ == "__main__":
    import jax
    _d = setup_inputs()
    print(jax.jit(kernel)(*tuple(_d.values())))

</pallas_src>

<mosaic_0001>
#map = affine_map<(d0, d1) -> (0, 0)>
#map1 = affine_map<(d0, d1) -> (0, 0, 0)>
module attributes {stable_mosaic.version = 14 : i64} {
  func.func @sc_agg_deg1(%arg0: i32, %arg1: i32, %arg2: memref<10000x128xf32, #tpu.memory_space<hbm>>, %arg3: memref<32x81x128xi32, #tpu.memory_space<hbm>>, %arg4: memref<2x10240x128xf32, #tpu.memory_space<hbm>>, %arg5: memref<2x10240xf32, #tpu.memory_space<hbm>>, %arg6: memref<10240x128xf32, #tpu.memory_space<vmem_shared>>, %arg7: memref<10240xf32, #tpu.memory_space<vmem_shared>>, %arg8: memref<81x128xi32, #tpu.memory_space<vmem>>, %arg9: memref<2x128xi32, #tpu.memory_space<vmem>>, %arg10: memref<2x128xi32, #tpu.memory_space<vmem>>, %arg11: memref<128x128xf32, #tpu.memory_space<vmem>>, %arg12: memref<128x128xf32, #tpu.memory_space<vmem>>, %arg13: memref<128xf32, #tpu.memory_space<vmem>>, %arg14: memref<!tpu.dma_semaphore, #tpu.memory_space<semaphore_mem>>, %arg15: memref<!tpu.dma_semaphore, #tpu.memory_space<semaphore_mem>>) attributes {dimension_semantics = [#tpu.dimension_semantics<core_parallel>, #tpu.dimension_semantics<subcore_parallel>], iteration_bounds = array<i64: 2, 16>, scalar_prefetch = 0 : i64, scratch_operands = 10 : i64, tpu.core_type = #tpu.core_type<sc_vector_subcore>, window_params = [{transform_indices = #map}, {transform_indices = #map1}, {transform_indices = #map1}, {transform_indices = #map}]} {
    %mul3A = arith.constant 16 : i32
    %mul3A_0 = arith.muli %arg0, %mul3A : i32
    %add3A = arith.addi %mul3A_0, %arg1 : i32
    "tpu.region"() ({
      %run_scoped3A_238 = tpu.sem_alloc : memref<!tpu.dma_semaphore, #tpu.memory_space<semaphore_mem>>
      %dma_start3A_239 = arith.constant 0 : i32
      %dma_start3A_240 = arith.constant 0 : i32
      %dma_start3A_241 = tpu.memref_slice %arg3[%add3A, %dma_start3A_239, %dma_start3A_240] : memref<32x81x128xi32, #tpu.memory_space<hbm>> -> memref<1x81x128xi32, #tpu.memory_space<hbm>>
      %dma_start3A_242 = tpu.memref_squeeze %dma_start3A_241 : memref<1x81x128xi32, #tpu.memory_space<hbm>> -> memref<81x128xi32, #tpu.memory_space<hbm>>
      %dma_start3A_243 = arith.constant 0 : i32
      %dma_start3A_244 = arith.constant 0 : i32
      %dma_start3A_245 = tpu.memref_slice %arg3[%add3A, %dma_start3A_243, %dma_start3A_244] : memref<32x81x128xi32, #tpu.memory_space<hbm>> -> memref<1x81x128xi32, #tpu.memory_space<hbm>>
      %dma_start3A_246 = tpu.memref_squeeze %dma_start3A_245 : memref<1x81x128xi32, #tpu.memory_space<hbm>> -> memref<81x128xi32, #tpu.memory_space<hbm>>
      tpu.enqueue_dma source(%dma_start3A_246 : memref<81x128xi32, #tpu.memory_space<hbm>>) target(%arg8 : memref<81x128xi32, #tpu.memory_space<vmem>>) target_semaphore(%run_scoped3A_238 : memref<!tpu.dma_semaphore, #tpu.memory_space<semaphore_mem>>)
      %dma_wait3A_247 = arith.constant 0 : i32
      %dma_wait3A_248 = arith.constant 0 : i32
      %dma_wait3A_249 = tpu.memref_slice %arg3[%add3A, %dma_wait3A_247, %dma_wait3A_248] : memref<32x81x128xi32, #tpu.memory_space<hbm>> -> memref<1x81x128xi32, #tpu.memory_space<hbm>>
      %dma_wait3A_250 = tpu.memref_squeeze %dma_wait3A_249 : memref<1x81x128xi32, #tpu.memory_space<hbm>> -> memref<81x128xi32, #tpu.memory_space<hbm>>
      %dma_wait3A_251 = arith.constant 0 : i32
      %dma_wait3A_252 = arith.constant 0 : i32
      %dma_wait3A_253 = tpu.memref_slice %arg3[%add3A, %dma_wait3A_251, %dma_wait3A_252] : memref<32x81x128xi32, #tpu.memory_space<hbm>> -> memref<1x81x128xi32, #tpu.memory_space<hbm>>
      %dma_wait3A_254 = tpu.memref_squeeze %dma_wait3A_253 : memref<1x81x128xi32, #tpu.memory_space<hbm>> -> memref<81x128xi32, #tpu.memory_space<hbm>>
      tpu.wait_dma2 semaphore(%run_scoped3A_238 : memref<!tpu.dma_semaphore, #tpu.memory_space<semaphore_mem>>) src(%dma_wait3A_254 : memref<81x128xi32, #tpu.memory_space<hbm>>) dst(%arg8 : memref<81x128xi32, #tpu.memory_space<vmem>>)
      tpu.yield
    }) : () -> ()
    %broadcast_in_dim3A = arith.constant 0.000000e+00 : f32
    %broadcast_in_dim3A_1 = vector.broadcast %broadcast_in_dim3A : f32 to vector<16xf32>
    %scan3A = arith.constant 0 : i32
    %scan3A_2 = arith.constant 0 : i32
    %scan3A_3 = arith.constant 128 : i32
    %scan3A_4 = arith.addi %scan3A_2, %scan3A_3 : i32
    %scan3A_5 = arith.constant 1 : i32
    scf.for %scan3A_238 = %scan3A_2 to %scan3A_4 step %scan3A_5  : i32 {
      %swap3A_239 = arith.index_cast %scan3A_238 : i32 to index
      %swap3A_240 = arith.constant 0 : index
      %swap3A_241 = tpu.vector_load %arg11[%swap3A_239, %swap3A_240] {strides = array<i32>} : memref<128x128xf32, #tpu.memory_space<vmem>>, vector<1x16xf32>,
      %swap3A_242 = vector.shape_cast %swap3A_241 : vector<1x16xf32> to vector<16xf32>
      %swap3A_243 = vector.shape_cast %broadcast_in_dim3A_1 : vector<16xf32> to vector<1x16xf32>
      tpu.vector_store %arg11[%swap3A_239, %swap3A_240], %swap3A_243 {strides = array<i32>} : memref<128x128xf32, #tpu.memory_space<vmem>>, vector<1x16xf32>,
      %swap3A_244 = arith.index_cast %scan3A_238 : i32 to index
      %swap3A_245 = arith.constant 16 : index
      %swap3A_246 = tpu.vector_load %arg11[%swap3A_244, %swap3A_245] {strides = array<i32>} : memref<128x128xf32, #tpu.memory_space<vmem>>, vector<1x16xf32>,
      %swap3A_247 = vector.shape_cast %swap3A_246 : vector<1x16xf32> to vector<16xf32>
      %swap3A_248 = vector.shape_cast %broadcast_in_dim3A_1 : vector<16xf32> to vector<1x16xf32>
      tpu.vector_store %arg11[%swap3A_244, %swap3A_245], %swap3A_248 {strides = array<i32>} : memref<128x128xf32, #tpu.memory_space<vmem>>, vector<1x16xf32>,
      %swap3A_249 = arith.index_cast %scan3A_238 : i32 to index
      %swap3A_250 = arith.constant 32 : index
      %swap3A_251 = tpu.vector_load %arg11[%swap3A_249, %swap3A_250] {strides = array<i32>} : memref<128x128xf32, #tpu.memory_space<vmem>>, vector<1x16xf32>,
      %swap3A_252 = vector.shape_cast %swap3A_251 : vector<1x16xf32> to vector<16xf32>
      %swap3A_253 = vector.shape_cast %broadcast_in_dim3A_1 : vector<16xf32> to vector<1x16xf32>
      tpu.vector_store %arg11[%swap3A_249, %swap3A_250], %swap3A_253 {strides = array<i32>} : memref<128x128xf32, #tpu.memory_space<vmem>>, vector<1x16xf32>,
      %swap3A_254 = arith.index_cast %scan3A_238 : i32 to index
      %swap3A_255 = arith.constant 48 : index
      %swap3A_256 = tpu.vector_load %arg11[%swap3A_254, %swap3A_255] {strides = array<i32>} : memref<128x128xf32, #tpu.memory_space<vmem>>, vector<1x16xf32>,
      %swap3A_257 = vector.shape_cast %swap3A_256 : vector<1x16xf32> to vector<16xf32>
      %swap3A_258 = vector.shape_cast %broadcast_in_dim3A_1 : vector<16xf32> to vector<1x16xf32>
      tpu.vector_store %arg11[%swap3A_254, %swap3A_255], %swap3A_258 {strides = array<i32>} : memref<128x128xf32, #tpu.memory_space<vmem>>, vector<1x16xf32>,
      %swap3A_259 = arith.index_cast %scan3A_238 : i32 to index
      %swap3A_260 = arith.constant 64 : index
      %swap3A_261 = tpu.vector_load %arg11[%swap3A_259, %swap3A_260] {strides = array<i32>} : memref<128x128xf32, #tpu.memory_space<vmem>>, vector<1x16xf32>,
      %swap3A_262 = vector.shape_cast %swap3A_261 : vector<1x16xf32> to vector<16xf32>
      %swap3A_263 = vector.shape_cast %broadcast_in_dim3A_1 : vector<16xf32> to vector<1x16xf32>
      tpu.vector_store %arg11[%swap3A_259, %swap3A_260], %swap3A_263 {strides = array<i32>} : memref<128x128xf32, #tpu.memory_space<vmem>>, vector<1x16xf32>,
      %swap3A_264 = arith.index_cast %scan3A_238 : i32 to index
      %swap3A_265 = arith.constant 80 : index
      %swap3A_266 = tpu.vector_load %arg11[%swap3A_264, %swap3A_265] {strides = array<i32>} : memref<128x128xf32, #tpu.memory_space<vmem>>, vector<1x16xf32>,
      %swap3A_267 = vector.shape_cast %swap3A_266 : vector<1x16xf32> to vector<16xf32>
      %swap3A_268 = vector.shape_cast %broadcast_in_dim3A_1 : vector<16xf32> to vector<1x16xf32>
      tpu.vector_store %arg11[%swap3A_264, %swap3A_265], %swap3A_268 {strides = array<i32>} : memref<128x128xf32, #tpu.memory_space<vmem>>, vector<1x16xf32>,
      %swap3A_269 = arith.index_cast %scan3A_238 : i32 to index
      %swap3A_270 = arith.constant 96 : index
      %swap3A_271 = tpu.vector_load %arg11[%swap3A_269, %swap3A_270] {strides = array<i32>} : memref<128x128xf32, #tpu.memory_space<vmem>>, vector<1x16xf32>,
      %swap3A_272 = vector.shape_cast %swap3A_271 : vector<1x16xf32> to vector<16xf32>
      %swap3A_273 = vector.shape_cast %broadcast_in_dim3A_1 : vector<16xf32> to vector<1x16xf32>
      tpu.vector_store %arg11[%swap3A_269, %swap3A_270], %swap3A_273 {strides = array<i32>} : memref<128x128xf32, #tpu.memory_space<vmem>>, vector<1x16xf32>,
      %swap3A_274 = arith.index_cast %scan3A_238 : i32 to index
      %swap3A_275 = arith.constant 112 : index
      %swap3A_276 = tpu.vector_load %arg11[%swap3A_274, %swap3A_275] {strides = array<i32>} : memref<128x128xf32, #tpu.memory_space<vmem>>, vector<1x16xf32>,
      %swap3A_277 = vector.shape_cast %swap3A_276 : vector<1x16xf32> to vector<16xf32>
      %swap3A_278 = vector.shape_cast %broadcast_in_dim3A_1 : vector<16xf32> to vector<1x16xf32>
      tpu.vector_store %arg11[%swap3A_274, %swap3A_275], %swap3A_278 {strides = array<i32>} : memref<128x128xf32, #tpu.memory_space<vmem>>, vector<1x16xf32>,
    }
    %scan3A_6 = arith.constant 128 : i32
    %broadcast_in_dim3A_7 = arith.constant 1.000000e+00 : f32
    %broadcast_in_dim3A_8 = vector.broadcast %broadcast_in_dim3A_7 : f32 to vector<16xf32>
    %swap3A = arith.constant 0 : index
    %swap3A_9 = tpu.vector_load %arg13[%swap3A] {strides = array<i32>} : memref<128xf32, #tpu.memory_space<vmem>>, vector<16xf32>,
    %swap3A_10 = vector.shape_cast %swap3A_9 : vector<16xf32> to vector<16xf32>
    %swap3A_11 = vector.shape_cast %broadcast_in_dim3A_8 : vector<16xf32> to vector<16xf32>
    tpu.vector_store %arg13[%swap3A], %swap3A_11 {strides = array<i32>} : memref<128xf32, #tpu.memory_space<vmem>>, vector<16xf32>,
    %swap3A_12 = arith.constant 16 : index
    %swap3A_13 = tpu.vector_load %arg13[%swap3A_12] {strides = array<i32>} : memref<128xf32, #tpu.memory_space<vmem>>, vector<16xf32>,
    %swap3A_14 = vector.shape_cast %swap3A_13 : vector<16xf32> to vector<16xf32>
    %swap3A_15 = vector.shape_cast %broadcast_in_dim3A_8 : vector<16xf32> to vector<16xf32>
    tpu.vector_store %arg13[%swap3A_12], %swap3A_15 {strides = array<i32>} : memref<128xf32, #tpu.memory_space<vmem>>, vector<16xf32>,
    %swap3A_16 = arith.constant 32 : index
    %swap3A_17 = tpu.vector_load %arg13[%swap3A_16] {strides = array<i32>} : memref<128xf32, #tpu.memory_space<vmem>>, vector<16xf32>,
    %swap3A_18 = vector.shape_cast %swap3A_17 : vector<16xf32> to vector<16xf32>
    %swap3A_19 = vector.shape_cast %broadcast_in_dim3A_8 : vector<16xf32> to vector<16xf32>
    tpu.vector_store %arg13[%swap3A_16], %swap3A_19 {strides = array<i32>} : memref<128xf32, #tpu.memory_space<vmem>>, vector<16xf32>,
    %swap3A_20 = arith.constant 48 : index
    %swap3A_21 = tpu.vector_load %arg13[%swap3A_20] {strides = array<i32>} : memref<128xf32, #tpu.memory_space<vmem>>, vector<16xf32>,
    %swap3A_22 = vector.shape_cast %swap3A_21 : vector<16xf32> to vector<16xf32>
    %swap3A_23 = vector.shape_cast %broadcast_in_dim3A_8 : vector<16xf32> to vector<16xf32>
    tpu.vector_store %arg13[%swap3A_20], %swap3A_23 {strides = array<i32>} : memref<128xf32, #tpu.memory_space<vmem>>, vector<16xf32>,
    %swap3A_24 = arith.constant 64 : index
    %swap3A_25 = tpu.vector_load %arg13[%swap3A_24] {strides = array<i32>} : memref<128xf32, #tpu.memory_space<vmem>>, vector<16xf32>,
    %swap3A_26 = vector.shape_cast %swap3A_25 : vector<16xf32> to vector<16xf32>
    %swap3A_27 = vector.shape_cast %broadcast_in_dim3A_8 : vector<16xf32> to vector<16xf32>
    tpu.vector_store %arg13[%swap3A_24], %swap3A_27 {strides = array<i32>} : memref<128xf32, #tpu.memory_space<vmem>>, vector<16xf32>,
    %swap3A_28 = arith.constant 80 : index
    %swap3A_29 = tpu.vector_load %arg13[%swap3A_28] {strides = array<i32>} : memref<128xf32, #tpu.memory_space<vmem>>, vector<16xf32>,
    %swap3A_30 = vector.shape_cast %swap3A_29 : vector<16xf32> to vector<16xf32>
    %swap3A_31 = vector.shape_cast %broadcast_in_dim3A_8 : vector<16xf32> to vector<16xf32>
    tpu.vector_store %arg13[%swap3A_28], %swap3A_31 {strides = array<i32>} : memref<128xf32, #tpu.memory_space<vmem>>, vector<16xf32>,
    %swap3A_32 = arith.constant 96 : index
    %swap3A_33 = tpu.vector_load %arg13[%swap3A_32] {strides = array<i32>} : memref<128xf32, #tpu.memory_space<vmem>>, vector<16xf32>,
    %swap3A_34 = vector.shape_cast %swap3A_33 : vector<16xf32> to vector<16xf32>
    %swap3A_35 = vector.shape_cast %broadcast_in_dim3A_8 : vector<16xf32> to vector<16xf32>
    tpu.vector_store %arg13[%swap3A_32], %swap3A_35 {strides = array<i32>} : memref<128xf32, #tpu.memory_space<vmem>>, vector<16xf32>,
    %swap3A_36 = arith.constant 112 : index
    %swap3A_37 = tpu.vector_load %arg13[%swap3A_36] {strides = array<i32>} : memref<128xf32, #tpu.memory_space<vmem>>, vector<16xf32>,
    %swap3A_38 = vector.shape_cast %swap3A_37 : vector<16xf32> to vector<16xf32>
    %swap3A_39 = vector.shape_cast %broadcast_in_dim3A_8 : vector<16xf32> to vector<16xf32>
    tpu.vector_store %arg13[%swap3A_36], %swap3A_39 {strides = array<i32>} : memref<128xf32, #tpu.memory_space<vmem>>, vector<16xf32>,
    %mul3A_40 = arith.constant 640 : i32
    %mul3A_41 = arith.muli %arg1, %mul3A_40 : i32
    %add3A_42 = arith.constant 0 : i32
    %add3A_43 = arith.addi %mul3A_41, %add3A_42 : i32
    "tpu.region"() ({
      %run_scoped3A_238 = tpu.sem_alloc : memref<!tpu.dma_semaphore, #tpu.memory_space<semaphore_mem>>
      %dma_start3A_239 = arith.constant 0 : i32
      %dma_start3A_240 = tpu.memref_slice %arg6[%add3A_43, %dma_start3A_239] : memref<10240x128xf32, #tpu.memory_space<vmem_shared>> -> memref<128x128xf32, #tpu.memory_space<vmem_shared>>
      %dma_start3A_241 = arith.constant 0 : i32
      %dma_start3A_242 = tpu.memref_slice %arg6[%add3A_43, %dma_start3A_241] : memref<10240x128xf32, #tpu.memory_space<vmem_shared>> -> memref<128x128xf32, #tpu.memory_space<vmem_shared>>
      tpu.enqueue_dma source(%arg11 : memref<128x128xf32, #tpu.memory_space<vmem>>) target(%dma_start3A_242 : memref<128x128xf32, #tpu.memory_space<vmem_shared>>) target_semaphore(%run_scoped3A_238 : memref<!tpu.dma_semaphore, #tpu.memory_space<semaphore_mem>>)
      %dma_wait3A_243 = arith.constant 0 : i32
      %dma_wait3A_244 = tpu.memref_slice %arg6[%add3A_43, %dma_wait3A_243] : memref<10240x128xf32, #tpu.memory_space<vmem_shared>> -> memref<128x128xf32, #tpu.memory_space<vmem_shared>>
      %dma_wait3A_245 = arith.constant 0 : i32
      %dma_wait3A_246 = tpu.memref_slice %arg6[%add3A_43, %dma_wait3A_245] : memref<10240x128xf32, #tpu.memory_space<vmem_shared>> -> memref<128x128xf32, #tpu.memory_space<vmem_shared>>
      tpu.wait_dma2 semaphore(%run_scoped3A_238 : memref<!tpu.dma_semaphore, #tpu.memory_space<semaphore_mem>>) src(%arg11 : memref<128x128xf32, #tpu.memory_space<vmem>>) dst(%dma_wait3A_246 : memref<128x128xf32, #tpu.memory_space<vmem_shared>>)
      tpu.yield
    }) : () -> ()
    %add3A_44 = arith.constant 128 : i32
    %add3A_45 = arith.addi %mul3A_41, %add3A_44 : i32
    "tpu.region"() ({
      %run_scoped3A_238 = tpu.sem_alloc : memref<!tpu.dma_semaphore, #tpu.memory_space<semaphore_mem>>
      %dma_start3A_239 = arith.constant 0 : i32
      %dma_start3A_240 = tpu.memref_slice %arg6[%add3A_45, %dma_start3A_239] : memref<10240x128xf32, #tpu.memory_space<vmem_shared>> -> memref<128x128xf32, #tpu.memory_space<vmem_shared>>
      %dma_start3A_241 = arith.constant 0 : i32
      %dma_start3A_242 = tpu.memref_slice %arg6[%add3A_45, %dma_start3A_241] : memref<10240x128xf32, #tpu.memory_space<vmem_shared>> -> memref<128x128xf32, #tpu.memory_space<vmem_shared>>
      tpu.enqueue_dma source(%arg11 : memref<128x128xf32, #tpu.memory_space<vmem>>) target(%dma_start3A_242 : memref<128x128xf32, #tpu.memory_space<vmem_shared>>) target_semaphore(%run_scoped3A_238 : memref<!tpu.dma_semaphore, #tpu.memory_space<semaphore_mem>>)
      %dma_wait3A_243 = arith.constant 0 : i32
      %dma_wait3A_244 = tpu.memref_slice %arg6[%add3A_45, %dma_wait3A_243] : memref<10240x128xf32, #tpu.memory_space<vmem_shared>> -> memref<128x128xf32, #tpu.memory_space<vmem_shared>>
      %dma_wait3A_245 = arith.constant 0 : i32
      %dma_wait3A_246 = tpu.memref_slice %arg6[%add3A_45, %dma_wait3A_245] : memref<10240x128xf32, #tpu.memory_space<vmem_shared>> -> memref<128x128xf32, #tpu.memory_space<vmem_shared>>
      tpu.wait_dma2 semaphore(%run_scoped3A_238 : memref<!tpu.dma_semaphore, #tpu.memory_space<semaphore_mem>>) src(%arg11 : memref<128x128xf32, #tpu.memory_space<vmem>>) dst(%dma_wait3A_246 : memref<128x128xf32, #tpu.memory_space<vmem_shared>>)
      tpu.yield
    }) : () -> ()
    %add3A_46 = arith.constant 256 : i32
    %add3A_47 = arith.addi %mul3A_41, %add3A_46 : i32
    "tpu.region"() ({
      %run_scoped3A_238 = tpu.sem_alloc : memref<!tpu.dma_semaphore, #tpu.memory_space<semaphore_mem>>
      %dma_start3A_239 = arith.constant 0 : i32
      %dma_start3A_240 = tpu.memref_slice %arg6[%add3A_47, %dma_start3A_239] : memref<10240x128xf32, #tpu.memory_space<vmem_shared>> -> memref<128x128xf32, #tpu.memory_space<vmem_shared>>
      %dma_start3A_241 = arith.constant 0 : i32
      %dma_start3A_242 = tpu.memref_slice %arg6[%add3A_47, %dma_start3A_241] : memref<10240x128xf32, #tpu.memory_space<vmem_shared>> -> memref<128x128xf32, #tpu.memory_space<vmem_shared>>
      tpu.enqueue_dma source(%arg11 : memref<128x128xf32, #tpu.memory_space<vmem>>) target(%dma_start3A_242 : memref<128x128xf32, #tpu.memory_space<vmem_shared>>) target_semaphore(%run_scoped3A_238 : memref<!tpu.dma_semaphore, #tpu.memory_space<semaphore_mem>>)
      %dma_wait3A_243 = arith.constant 0 : i32
      %dma_wait3A_244 = tpu.memref_slice %arg6[%add3A_47, %dma_wait3A_243] : memref<10240x128xf32, #tpu.memory_space<vmem_shared>> -> memref<128x128xf32, #tpu.memory_space<vmem_shared>>
      %dma_wait3A_245 = arith.constant 0 : i32
      %dma_wait3A_246 = tpu.memref_slice %arg6[%add3A_47, %dma_wait3A_245] : memref<10240x128xf32, #tpu.memory_space<vmem_shared>> -> memref<128x128xf32, #tpu.memory_space<vmem_shared>>
      tpu.wait_dma2 semaphore(%run_scoped3A_238 : memref<!tpu.dma_semaphore, #tpu.memory_space<semaphore_mem>>) src(%arg11 : memref<128x128xf32, #tpu.memory_space<vmem>>) dst(%dma_wait3A_246 : memref<128x128xf32, #tpu.memory_space<vmem_shared>>)
      tpu.yield
    }) : () -> ()
    %add3A_48 = arith.constant 384 : i32
    %add3A_49 = arith.addi %mul3A_41, %add3A_48 : i32
    "tpu.region"() ({
      %run_scoped3A_238 = tpu.sem_alloc : memref<!tpu.dma_semaphore, #tpu.memory_space<semaphore_mem>>
      %dma_start3A_239 = arith.constant 0 : i32
      %dma_start3A_240 = tpu.memref_slice %arg6[%add3A_49, %dma_start3A_239] : memref<10240x128xf32, #tpu.memory_space<vmem_shared>> -> memref<128x128xf32, #tpu.memory_space<vmem_shared>>
      %dma_start3A_241 = arith.constant 0 : i32
      %dma_start3A_242 = tpu.memref_slice %arg6[%add3A_49, %dma_start3A_241] : memref<10240x128xf32, #tpu.memory_space<vmem_shared>> -> memref<128x128xf32, #tpu.memory_space<vmem_shared>>
      tpu.enqueue_dma source(%arg11 : memref<128x128xf32, #tpu.memory_space<vmem>>) target(%dma_start3A_242 : memref<128x128xf32, #tpu.memory_space<vmem_shared>>) target_semaphore(%run_scoped3A_238 : memref<!tpu.dma_semaphore, #tpu.memory_space<semaphore_mem>>)
      %dma_wait3A_243 = arith.constant 0 : i32
      %dma_wait3A_244 = tpu.memref_slice %arg6[%add3A_49, %dma_wait3A_243] : memref<10240x128xf32, #tpu.memory_space<vmem_shared>> -> memref<128x128xf32, #tpu.memory_space<vmem_shared>>
      %dma_wait3A_245 = arith.constant 0 : i32
      %dma_wait3A_246 = tpu.memref_slice %arg6[%add3A_49, %dma_wait3A_245] : memref<10240x128xf32, #tpu.memory_space<vmem_shared>> -> memref<128x128xf32, #tpu.memory_space<vmem_shared>>
      tpu.wait_dma2 semaphore(%run_scoped3A_238 : memref<!tpu.dma_semaphore, #tpu.memory_space<semaphore_mem>>) src(%arg11 : memref<128x128xf32, #tpu.memory_space<vmem>>) dst(%dma_wait3A_246 : memref<128x128xf32, #tpu.memory_space<vmem_shared>>)
      tpu.yield
    }) : () -> ()
    %add3A_50 = arith.constant 512 : i32
    %add3A_51 = arith.addi %mul3A_41, %add3A_50 : i32
    "tpu.region"() ({
      %run_scoped3A_238 = tpu.sem_alloc : memref<!tpu.dma_semaphore, #tpu.memory_space<semaphore_mem>>
      %dma_start3A_239 = arith.constant 0 : i32
      %dma_start3A_240 = tpu.memref_slice %arg6[%add3A_51, %dma_start3A_239] : memref<10240x128xf32, #tpu.memory_space<vmem_shared>> -> memref<128x128xf32, #tpu.memory_space<vmem_shared>>
      %dma_start3A_241 = arith.constant 0 : i32
      %dma_start3A_242 = tpu.memref_slice %arg6[%add3A_51, %dma_start3A_241] : memref<10240x128xf32, #tpu.memory_space<vmem_shared>> -> memref<128x128xf32, #tpu.memory_space<vmem_shared>>
      tpu.enqueue_dma source(%arg11 : memref<128x128xf32, #tpu.memory_space<vmem>>) target(%dma_start3A_242 : memref<128x128xf32, #tpu.memory_space<vmem_shared>>) target_semaphore(%run_scoped3A_238 : memref<!tpu.dma_semaphore, #tpu.memory_space<semaphore_mem>>)
      %dma_wait3A_243 = arith.constant 0 : i32
      %dma_wait3A_244 = tpu.memref_slice %arg6[%add3A_51, %dma_wait3A_243] : memref<10240x128xf32, #tpu.memory_space<vmem_shared>> -> memref<128x128xf32, #tpu.memory_space<vmem_shared>>
      %dma_wait3A_245 = arith.constant 0 : i32
      %dma_wait3A_246 = tpu.memref_slice %arg6[%add3A_51, %dma_wait3A_245] : memref<10240x128xf32, #tpu.memory_space<vmem_shared>> -> memref<128x128xf32, #tpu.memory_space<vmem_shared>>
      tpu.wait_dma2 semaphore(%run_scoped3A_238 : memref<!tpu.dma_semaphore, #tpu.memory_space<semaphore_mem>>) src(%arg11 : memref<128x128xf32, #tpu.memory_space<vmem>>) dst(%dma_wait3A_246 : memref<128x128xf32, #tpu.memory_space<vmem_shared>>)
      tpu.yield
    }) : () -> ()
    %add3A_52 = arith.constant 0 : i32
    %add3A_53 = arith.addi %mul3A_41, %add3A_52 : i32
    %run_scoped3A = arith.constant 0 : i32
    "tpu.region"() ({
      %run_scoped3A_238 = tpu.sem_alloc : memref<!tpu.dma_semaphore, #tpu.memory_space<semaphore_mem>>
      %dma_start3A_239 = arith.constant 0 : i32
      %dma_start3A_240 = tpu.memref_slice %arg11[%run_scoped3A, %dma_start3A_239] : memref<128x128xf32, #tpu.memory_space<vmem>> -> memref<1x128xf32, #tpu.memory_space<vmem>>
      %dma_start3A_241 = tpu.memref_squeeze %dma_start3A_240 : memref<1x128xf32, #tpu.memory_space<vmem>> -> memref<128xf32, #tpu.memory_space<vmem>>
      %dma_start3A_242 = tpu.memref_slice %arg7[%add3A_53] : memref<10240xf32, #tpu.memory_space<vmem_shared>> -> memref<128xf32, #tpu.memory_space<vmem_shared>>
      %dma_start3A_243 = tpu.memref_slice %arg7[%add3A_53] : memref<10240xf32, #tpu.memory_space<vmem_shared>> -> memref<128xf32, #tpu.memory_space<vmem_shared>>
      %dma_start3A_244 = arith.constant 0 : i32
      %dma_start3A_245 = tpu.memref_slice %arg11[%run_scoped3A, %dma_start3A_244] : memref<128x128xf32, #tpu.memory_space<vmem>> -> memref<1x128xf32, #tpu.memory_space<vmem>>
      %dma_start3A_246 = tpu.memref_squeeze %dma_start3A_245 : memref<1x128xf32, #tpu.memory_space<vmem>> -> memref<128xf32, #tpu.memory_space<vmem>>
      tpu.enqueue_dma source(%dma_start3A_246 : memref<128xf32, #tpu.memory_space<vmem>>) target(%dma_start3A_243 : memref<128xf32, #tpu.memory_space<vmem_shared>>) target_semaphore(%run_scoped3A_238 : memref<!tpu.dma_semaphore, #tpu.memory_space<semaphore_mem>>)
      %dma_wait3A_247 = arith.constant 0 : i32
      %dma_wait3A_248 = tpu.memref_slice %arg11[%run_scoped3A, %dma_wait3A_247] : memref<128x128xf32, #tpu.memory_space<vmem>> -> memref<1x128xf32, #tpu.memory_space<vmem>>
      %dma_wait3A_249 = tpu.memref_squeeze %dma_wait3A_248 : memref<1x128xf32, #tpu.memory_space<vmem>> -> memref<128xf32, #tpu.memory_space<vmem>>
      %dma_wait3A_250 = tpu.memref_slice %arg7[%add3A_53] : memref<10240xf32, #tpu.memory_space<vmem_shared>> -> memref<128xf32, #tpu.memory_space<vmem_shared>>
      %dma_wait3A_251 = tpu.memref_slice %arg7[%add3A_53] : memref<10240xf32, #tpu.memory_space<vmem_shared>> -> memref<128xf32, #tpu.memory_space<vmem_shared>>
      %dma_wait3A_252 = arith.constant 0 : i32
      %dma_wait3A_253 = tpu.memref_slice %arg11[%run_scoped3A, %dma_wait3A_252] : memref<128x128xf32, #tpu.memory_space<vmem>> -> memref<1x128xf32, #tpu.memory_space<vmem>>
      %dma_wait3A_254 = tpu.memref_squeeze %dma_wait3A_253 : memref<1x128xf32, #tpu.memory_space<vmem>> -> memref<128xf32, #tpu.memory_space<vmem>>
      tpu.wait_dma2 semaphore(%run_scoped3A_238 : memref<!tpu.dma_semaphore, #tpu.memory_space<semaphore_mem>>) src(%dma_wait3A_254 : memref<128xf32, #tpu.memory_space<vmem>>) dst(%dma_wait3A_251 : memref<128xf32, #tpu.memory_space<vmem_shared>>)
      tpu.yield
    }) : () -> ()
    %add3A_54 = arith.constant 128 : i32
    %add3A_55 = arith.addi %mul3A_41, %add3A_54 : i32
    %run_scoped3A_56 = arith.constant 0 : i32
    "tpu.region"() ({
      %run_scoped3A_238 = tpu.sem_alloc : memref<!tpu.dma_semaphore, #tpu.memory_space<semaphore_mem>>
      %dma_start3A_239 = arith.constant 0 : i32
      %dma_start3A_240 = tpu.memref_slice %arg11[%run_scoped3A_56, %dma_start3A_239] : memref<128x128xf32, #tpu.memory_space<vmem>> -> memref<1x128xf32, #tpu.memory_space<vmem>>
      %dma_start3A_241 = tpu.memref_squeeze %dma_start3A_240 : memref<1x128xf32, #tpu.memory_space<vmem>> -> memref<128xf32, #tpu.memory_space<vmem>>
      %dma_start3A_242 = tpu.memref_slice %arg7[%add3A_55] : memref<10240xf32, #tpu.memory_space<vmem_shared>> -> memref<128xf32, #tpu.memory_space<vmem_shared>>
      %dma_start3A_243 = tpu.memref_slice %arg7[%add3A_55] : memref<10240xf32, #tpu.memory_space<vmem_shared>> -> memref<128xf32, #tpu.memory_space<vmem_shared>>
      %dma_start3A_244 = arith.constant 0 : i32
      %dma_start3A_245 = tpu.memref_slice %arg11[%run_scoped3A_56, %dma_start3A_244] : memref<128x128xf32, #tpu.memory_space<vmem>> -> memref<1x128xf32, #tpu.memory_space<vmem>>
      %dma_start3A_246 = tpu.memref_squeeze %dma_start3A_245 : memref<1x128xf32, #tpu.memory_space<vmem>> -> memref<128xf32, #tpu.memory_space<vmem>>
      tpu.enqueue_dma source(%dma_start3A_246 : memref<128xf32, #tpu.memory_space<vmem>>) target(%dma_start3A_243 : memref<128xf32, #tpu.memory_space<vmem_shared>>) target_semaphore(%run_scoped3A_238 : memref<!tpu.dma_semaphore, #tpu.memory_space<semaphore_mem>>)
      %dma_wait3A_247 = arith.constant 0 : i32
      %dma_wait3A_248 = tpu.memref_slice %arg11[%run_scoped3A_56, %dma_wait3A_247] : memref<128x128xf32, #tpu.memory_space<vmem>> -> memref<1x128xf32, #tpu.memory_space<vmem>>
      %dma_wait3A_249 = tpu.memref_squeeze %dma_wait3A_248 : memref<1x128xf32, #tpu.memory_space<vmem>> -> memref<128xf32, #tpu.memory_space<vmem>>
      %dma_wait3A_250 = tpu.memref_slice %arg7[%add3A_55] : memref<10240xf32, #tpu.memory_space<vmem_shared>> -> memref<128xf32, #tpu.memory_space<vmem_shared>>
      %dma_wait3A_251 = tpu.memref_slice %arg7[%add3A_55] : memref<10240xf32, #tpu.memory_space<vmem_shared>> -> memref<128xf32, #tpu.memory_space<vmem_shared>>
      %dma_wait3A_252 = arith.constant 0 : i32
      %dma_wait3A_253 = tpu.memref_slice %arg11[%run_scoped3A_56, %dma_wait3A_252] : memref<128x128xf32, #tpu.memory_space<vmem>> -> memref<1x128xf32, #tpu.memory_space<vmem>>
      %dma_wait3A_254 = tpu.memref_squeeze %dma_wait3A_253 : memref<1x128xf32, #tpu.memory_space<vmem>> -> memref<128xf32, #tpu.memory_space<vmem>>
      tpu.wait_dma2 semaphore(%run_scoped3A_238 : memref<!tpu.dma_semaphore, #tpu.memory_space<semaphore_mem>>) src(%dma_wait3A_254 : memref<128xf32, #tpu.memory_space<vmem>>) dst(%dma_wait3A_251 : memref<128xf32, #tpu.memory_space<vmem_shared>>)
      tpu.yield
    }) : () -> ()
    %add3A_57 = arith.constant 256 : i32
    %add3A_58 = arith.addi %mul3A_41, %add3A_57 : i32
    %run_scoped3A_59 = arith.constant 0 : i32
    "tpu.region"() ({
      %run_scoped3A_238 = tpu.sem_alloc : memref<!tpu.dma_semaphore, #tpu.memory_space<semaphore_mem>>
      %dma_start3A_239 = arith.constant 0 : i32
      %dma_start3A_240 = tpu.memref_slice %arg11[%run_scoped3A_59, %dma_start3A_239] : memref<128x128xf32, #tpu.memory_space<vmem>> -> memref<1x128xf32, #tpu.memory_space<vmem>>
      %dma_start3A_241 = tpu.memref_squeeze %dma_start3A_240 : memref<1x128xf32, #tpu.memory_space<vmem>> -> memref<128xf32, #tpu.memory_space<vmem>>
      %dma_start3A_242 = tpu.memref_slice %arg7[%add3A_58] : memref<10240xf32, #tpu.memory_space<vmem_shared>> -> memref<128xf32, #tpu.memory_space<vmem_shared>>
      %dma_start3A_243 = tpu.memref_slice %arg7[%add3A_58] : memref<10240xf32, #tpu.memory_space<vmem_shared>> -> memref<128xf32, #tpu.memory_space<vmem_shared>>
      %dma_start3A_244 = arith.constant 0 : i32
      %dma_start3A_245 = tpu.memref_slice %arg11[%run_scoped3A_59, %dma_start3A_244] : memref<128x128xf32, #tpu.memory_space<vmem>> -> memref<1x128xf32, #tpu.memory_space<vmem>>
      %dma_start3A_246 = tpu.memref_squeeze %dma_start3A_245 : memref<1x128xf32, #tpu.memory_space<vmem>> -> memref<128xf32, #tpu.memory_space<vmem>>
      tpu.enqueue_dma source(%dma_start3A_246 : memref<128xf32, #tpu.memory_space<vmem>>) target(%dma_start3A_243 : memref<128xf32, #tpu.memory_space<vmem_shared>>) target_semaphore(%run_scoped3A_238 : memref<!tpu.dma_semaphore, #tpu.memory_space<semaphore_mem>>)
      %dma_wait3A_247 = arith.constant 0 : i32
      %dma_wait3A_248 = tpu.memref_slice %arg11[%run_scoped3A_59, %dma_wait3A_247] : memref<128x128xf32, #tpu.memory_space<vmem>> -> memref<1x128xf32, #tpu.memory_space<vmem>>
      %dma_wait3A_249 = tpu.memref_squeeze %dma_wait3A_248 : memref<1x128xf32, #tpu.memory_space<vmem>> -> memref<128xf32, #tpu.memory_space<vmem>>
      %dma_wait3A_250 = tpu.memref_slice %arg7[%add3A_58] : memref<10240xf32, #tpu.memory_space<vmem_shared>> -> memref<128xf32, #tpu.memory_space<vmem_shared>>
      %dma_wait3A_251 = tpu.memref_slice %arg7[%add3A_58] : memref<10240xf32, #tpu.memory_space<vmem_shared>> -> memref<128xf32, #tpu.memory_space<vmem_shared>>
      %dma_wait3A_252 = arith.constant 0 : i32
      %dma_wait3A_253 = tpu.memref_slice %arg11[%run_scoped3A_59, %dma_wait3A_252] : memref<128x128xf32, #tpu.memory_space<vmem>> -> memref<1x128xf32, #tpu.memory_space<vmem>>
      %dma_wait3A_254 = tpu.memref_squeeze %dma_wait3A_253 : memref<1x128xf32, #tpu.memory_space<vmem>> -> memref<128xf32, #tpu.memory_space<vmem>>
      tpu.wait_dma2 semaphore(%run_scoped3A_238 : memref<!tpu.dma_semaphore, #tpu.memory_space<semaphore_mem>>) src(%dma_wait3A_254 : memref<128xf32, #tpu.memory_space<vmem>>) dst(%dma_wait3A_251 : memref<128xf32, #tpu.memory_space<vmem_shared>>)
      tpu.yield
    }) : () -> ()
    %add3A_60 = arith.constant 384 : i32
    %add3A_61 = arith.addi %mul3A_41, %add3A_60 : i32
    %run_scoped3A_62 = arith.constant 0 : i32
    "tpu.region"() ({
      %run_scoped3A_238 = tpu.sem_alloc : memref<!tpu.dma_semaphore, #tpu.memory_space<semaphore_mem>>
      %dma_start3A_239 = arith.constant 0 : i32
      %dma_start3A_240 = tpu.memref_slice %arg11[%run_scoped3A_62, %dma_start3A_239] : memref<128x128xf32, #tpu.memory_space<vmem>> -> memref<1x128xf32, #tpu.memory_space<vmem>>
      %dma_start3A_241 = tpu.memref_squeeze %dma_start3A_240 : memref<1x128xf32, #tpu.memory_space<vmem>> -> memref<128xf32, #tpu.memory_space<vmem>>
      %dma_start3A_242 = tpu.memref_slice %arg7[%add3A_61] : memref<10240xf32, #tpu.memory_space<vmem_shared>> -> memref<128xf32, #tpu.memory_space<vmem_shared>>
      %dma_start3A_243 = tpu.memref_slice %arg7[%add3A_61] : memref<10240xf32, #tpu.memory_space<vmem_shared>> -> memref<128xf32, #tpu.memory_space<vmem_shared>>
      %dma_start3A_244 = arith.constant 0 : i32
      %dma_start3A_245 = tpu.memref_slice %arg11[%run_scoped3A_62, %dma_start3A_244] : memref<128x128xf32, #tpu.memory_space<vmem>> -> memref<1x128xf32, #tpu.memory_space<vmem>>
      %dma_start3A_246 = tpu.memref_squeeze %dma_start3A_245 : memref<1x128xf32, #tpu.memory_space<vmem>> -> memref<128xf32, #tpu.memory_space<vmem>>
      tpu.enqueue_dma source(%dma_start3A_246 : memref<128xf32, #tpu.memory_space<vmem>>) target(%dma_start3A_243 : memref<128xf32, #tpu.memory_space<vmem_shared>>) target_semaphore(%run_scoped3A_238 : memref<!tpu.dma_semaphore, #tpu.memory_space<semaphore_mem>>)
      %dma_wait3A_247 = arith.constant 0 : i32
      %dma_wait3A_248 = tpu.memref_slice %arg11[%run_scoped3A_62, %dma_wait3A_247] : memref<128x128xf32, #tpu.memory_space<vmem>> -> memref<1x128xf32, #tpu.memory_space<vmem>>
      %dma_wait3A_249 = tpu.memref_squeeze %dma_wait3A_248 : memref<1x128xf32, #tpu.memory_space<vmem>> -> memref<128xf32, #tpu.memory_space<vmem>>
      %dma_wait3A_250 = tpu.memref_slice %arg7[%add3A_61] : memref<10240xf32, #tpu.memory_space<vmem_shared>> -> memref<128xf32, #tpu.memory_space<vmem_shared>>
      %dma_wait3A_251 = tpu.memref_slice %arg7[%add3A_61] : memref<10240xf32, #tpu.memory_space<vmem_shared>> -> memref<128xf32, #tpu.memory_space<vmem_shared>>
      %dma_wait3A_252 = arith.constant 0 : i32
      %dma_wait3A_253 = tpu.memref_slice %arg11[%run_scoped3A_62, %dma_wait3A_252] : memref<128x128xf32, #tpu.memory_space<vmem>> -> memref<1x128xf32, #tpu.memory_space<vmem>>
      %dma_wait3A_254 = tpu.memref_squeeze %dma_wait3A_253 : memref<1x128xf32, #tpu.memory_space<vmem>> -> memref<128xf32, #tpu.memory_space<vmem>>
      tpu.wait_dma2 semaphore(%run_scoped3A_238 : memref<!tpu.dma_semaphore, #tpu.memory_space<semaphore_mem>>) src(%dma_wait3A_254 : memref<128xf32, #tpu.memory_space<vmem>>) dst(%dma_wait3A_251 : memref<128xf32, #tpu.memory_space<vmem_shared>>)
      tpu.yield
    }) : () -> ()
    %add3A_63 = arith.constant 512 : i32
    %add3A_64 = arith.addi %mul3A_41, %add3A_63 : i32
    %run_scoped3A_65 = arith.constant 0 : i32
    "tpu.region"() ({
      %run_scoped3A_238 = tpu.sem_alloc : memref<!tpu.dma_semaphore, #tpu.memory_space<semaphore_mem>>
      %dma_start3A_239 = arith.constant 0 : i32
      %dma_start3A_240 = tpu.memref_slice %arg11[%run_scoped3A_65, %dma_start3A_239] : memref<128x128xf32, #tpu.memory_space<vmem>> -> memref<1x128xf32, #tpu.memory_space<vmem>>
      %dma_start3A_241 = tpu.memref_squeeze %dma_start3A_240 : memref<1x128xf32, #tpu.memory_space<vmem>> -> memref<128xf32, #tpu.memory_space<vmem>>
      %dma_start3A_242 = tpu.memref_slice %arg7[%add3A_64] : memref<10240xf32, #tpu.memory_space<vmem_shared>> -> memref<128xf32, #tpu.memory_space<vmem_shared>>
      %dma_start3A_243 = tpu.memref_slice %arg7[%add3A_64] : memref<10240xf32, #tpu.memory_space<vmem_shared>> -> memref<128xf32, #tpu.memory_space<vmem_shared>>
      %dma_start3A_244 = arith.constant 0 : i32
      %dma_start3A_245 = tpu.memref_slice %arg11[%run_scoped3A_65, %dma_start3A_244] : memref<128x128xf32, #tpu.memory_space<vmem>> -> memref<1x128xf32, #tpu.memory_space<vmem>>
      %dma_start3A_246 = tpu.memref_squeeze %dma_start3A_245 : memref<1x128xf32, #tpu.memory_space<vmem>> -> memref<128xf32, #tpu.memory_space<vmem>>
      tpu.enqueue_dma source(%dma_start3A_246 : memref<128xf32, #tpu.memory_space<vmem>>) target(%dma_start3A_243 : memref<128xf32, #tpu.memory_space<vmem_shared>>) target_semaphore(%run_scoped3A_238 : memref<!tpu.dma_semaphore, #tpu.memory_space<semaphore_mem>>)
      %dma_wait3A_247 = arith.constant 0 : i32
      %dma_wait3A_248 = tpu.memref_slice %arg11[%run_scoped3A_65, %dma_wait3A_247] : memref<128x128xf32, #tpu.memory_space<vmem>> -> memref<1x128xf32, #tpu.memory_space<vmem>>
      %dma_wait3A_249 = tpu.memref_squeeze %dma_wait3A_248 : memref<1x128xf32, #tpu.memory_space<vmem>> -> memref<128xf32, #tpu.memory_space<vmem>>
      %dma_wait3A_250 = tpu.memref_slice %arg7[%add3A_64] : memref<10240xf32, #tpu.memory_space<vmem_shared>> -> memref<128xf32, #tpu.memory_space<vmem_shared>>
      %dma_wait3A_251 = tpu.memref_slice %arg7[%add3A_64] : memref<10240xf32, #tpu.memory_space<vmem_shared>> -> memref<128xf32, #tpu.memory_space<vmem_shared>>
      %dma_wait3A_252 = arith.constant 0 : i32
      %dma_wait3A_253 = tpu.memref_slice %arg11[%run_scoped3A_65, %dma_wait3A_252] : memref<128x128xf32, #tpu.memory_space<vmem>> -> memref<1x128xf32, #tpu.memory_space<vmem>>
      %dma_wait3A_254 = tpu.memref_squeeze %dma_wait3A_253 : memref<1x128xf32, #tpu.memory_space<vmem>> -> memref<128xf32, #tpu.memory_space<vmem>>
      tpu.wait_dma2 semaphore(%run_scoped3A_238 : memref<!tpu.dma_semaphore, #tpu.memory_space<semaphore_mem>>) src(%dma_wait3A_254 : memref<128xf32, #tpu.memory_space<vmem>>) dst(%dma_wait3A_251 : memref<128xf32, #tpu.memory_space<vmem_shared>>)
      tpu.yield
    }) : () -> ()
    %barrier3A = arith.constant 0 : index
    tpu.barrier barrier_id(%barrier3A)
    %broadcast_in_dim3A_66 = arith.constant 65535 : i32
    %broadcast_in_dim3A_67 = vector.broadcast %broadcast_in_dim3A_66 : i32 to vector<16xi32>
    %broadcast_in_dim3A_68 = arith.constant 16 : i32
    %broadcast_in_dim3A_69 = vector.broadcast %broadcast_in_dim3A_68 : i32 to vector<16xi32>
    %get3A = arith.constant 0 : i32
    %get3A_70 = arith.index_cast %get3A : i32 to index
    %get3A_71 = arith.constant 0 : index
    %get3A_72 = tpu.vector_load %arg8[%get3A_70, %get3A_71] {strides = array<i32>} : memref<81x128xi32, #tpu.memory_space<vmem>>, vector<1x16xi32>,
    %get3A_73 = vector.shape_cast %get3A_72 : vector<1x16xi32> to vector<16xi32>
    %and3A = arith.andi %get3A_73, %broadcast_in_dim3A_67 : vector<16xi32>
    %swap3A_74 = arith.constant 0 : i32
    %swap3A_75 = arith.index_cast %swap3A_74 : i32 to index
    %swap3A_76 = arith.constant 0 : index
    %swap3A_77 = tpu.vector_load %arg9[%swap3A_75, %swap3A_76] {strides = array<i32>} : memref<2x128xi32, #tpu.memory_space<vmem>>, vector<1x16xi32>,
    %swap3A_78 = vector.shape_cast %swap3A_77 : vector<1x16xi32> to vector<16xi32>
    %swap3A_79 = vector.shape_cast %and3A : vector<16xi32> to vector<1x16xi32>
    tpu.vector_store %arg9[%swap3A_75, %swap3A_76], %swap3A_79 {strides = array<i32>} : memref<2x128xi32, #tpu.memory_space<vmem>>, vector<1x16xi32>,
    %shift_right_logical3A = arith.shrui %get3A_73, %broadcast_in_dim3A_69 : vector<16xi32>
    %swap3A_80 = arith.constant 0 : i32
    %swap3A_81 = arith.index_cast %swap3A_80 : i32 to index
    %swap3A_82 = arith.constant 0 : index
    %swap3A_83 = tpu.vector_load %arg10[%swap3A_81, %swap3A_82] {strides = array<i32>} : memref<2x128xi32, #tpu.memory_space<vmem>>, vector<1x16xi32>,
    %swap3A_84 = vector.shape_cast %swap3A_83 : vector<1x16xi32> to vector<16xi32>
    %swap3A_85 = vector.shape_cast %shift_right_logical3A : vector<16xi32> to vector<1x16xi32>
    tpu.vector_store %arg10[%swap3A_81, %swap3A_82], %swap3A_85 {strides = array<i32>} : memref<2x128xi32, #tpu.memory_space<vmem>>, vector<1x16xi32>,
    %get3A_86 = arith.constant 0 : i32
    %get3A_87 = arith.index_cast %get3A_86 : i32 to index
    %get3A_88 = arith.constant 16 : index
    %get3A_89 = tpu.vector_load %arg8[%get3A_87, %get3A_88] {strides = array<i32>} : memref<81x128xi32, #tpu.memory_space<vmem>>, vector<1x16xi32>,
    %get3A_90 = vector.shape_cast %get3A_89 : vector<1x16xi32> to vector<16xi32>
    %and3A_91 = arith.andi %get3A_90, %broadcast_in_dim3A_67 : vector<16xi32>
    %swap3A_92 = arith.constant 0 : i32
    %swap3A_93 = arith.index_cast %swap3A_92 : i32 to index
    %swap3A_94 = arith.constant 16 : index
    %swap3A_95 = tpu.vector_load %arg9[%swap3A_93, %swap3A_94] {strides = array<i32>} : memref<2x128xi32, #tpu.memory_space<vmem>>, vector<1x16xi32>,
    %swap3A_96 = vector.shape_cast %swap3A_95 : vector<1x16xi32> to vector<16xi32>
    %swap3A_97 = vector.shape_cast %and3A_91 : vector<16xi32> to vector<1x16xi32>
    tpu.vector_store %arg9[%swap3A_93, %swap3A_94], %swap3A_97 {strides = array<i32>} : memref<2x128xi32, #tpu.memory_space<vmem>>, vector<1x16xi32>,
    %shift_right_logical3A_98 = arith.shrui %get3A_90, %broadcast_in_dim3A_69 : vector<16xi32>
    %swap3A_99 = arith.constant 0 : i32
    %swap3A_100 = arith.index_cast %swap3A_99 : i32 to index
    %swap3A_101 = arith.constant 16 : index
    %swap3A_102 = tpu.vector_load %arg10[%swap3A_100, %swap3A_101] {strides = array<i32>} : memref<2x128xi32, #tpu.memory_space<vmem>>, vector<1x16xi32>,
    %swap3A_103 = vector.shape_cast %swap3A_102 : vector<1x16xi32> to vector<16xi32>
    %swap3A_104 = vector.shape_cast %shift_right_logical3A_98 : vector<16xi32> to vector<1x16xi32>
    tpu.vector_store %arg10[%swap3A_100, %swap3A_101], %swap3A_104 {strides = array<i32>} : memref<2x128xi32, #tpu.memory_space<vmem>>, vector<1x16xi32>,
    %get3A_105 = arith.constant 0 : i32
    %get3A_106 = arith.index_cast %get3A_105 : i32 to index
    %get3A_107 = arith.constant 32 : index
    %get3A_108 = tpu.vector_load %arg8[%get3A_106, %get3A_107] {strides = array<i32>} : memref<81x128xi32, #tpu.memory_space<vmem>>, vector<1x16xi32>,
    %get3A_109 = vector.shape_cast %get3A_108 : vector<1x16xi32> to vector<16xi32>
    %and3A_110 = arith.andi %get3A_109, %broadcast_in_dim3A_67 : vector<16xi32>
    %swap3A_111 = arith.constant 0 : i32
    %swap3A_112 = arith.index_cast %swap3A_111 : i32 to index
    %swap3A_113 = arith.constant 32 : index
    %swap3A_114 = tpu.vector_load %arg9[%swap3A_112, %swap3A_113] {strides = array<i32>} : memref<2x128xi32, #tpu.memory_space<vmem>>, vector<1x16xi32>,
    %swap3A_115 = vector.shape_cast %swap3A_114 : vector<1x16xi32> to vector<16xi32>
    %swap3A_116 = vector.shape_cast %and3A_110 : vector<16xi32> to vector<1x16xi32>
    tpu.vector_store %arg9[%swap3A_112, %swap3A_113], %swap3A_116 {strides = array<i32>} : memref<2x128xi32, #tpu.memory_space<vmem>>, vector<1x16xi32>,
    %shift_right_logical3A_117 = arith.shrui %get3A_109, %broadcast_in_dim3A_69 : vector<16xi32>
    %swap3A_118 = arith.constant 0 : i32
    %swap3A_119 = arith.index_cast %swap3A_118 : i32 to index
    %swap3A_120 = arith.constant 32 : index
    %swap3A_121 = tpu.vector_load %arg10[%swap3A_119, %swap3A_120] {strides = array<i32>} : memref<2x128xi32, #tpu.memory_space<vmem>>, vector<1x16xi32>,
    %swap3A_122 = vector.shape_cast %swap3A_121 : vector<1x16xi32> to vector<16xi32>
    %swap3A_123 = vector.shape_cast %shift_right_logical3A_117 : vector<16xi32> to vector<1x16xi32>
    tpu.vector_store %arg10[%swap3A_119, %swap3A_120], %swap3A_123 {strides = array<i32>} : memref<2x128xi32, #tpu.memory_space<vmem>>, vector<1x16xi32>,
    %get3A_124 = arith.constant 0 : i32
    %get3A_125 = arith.index_cast %get3A_124 : i32 to index
    %get3A_126 = arith.constant 48 : index
    %get3A_127 = tpu.vector_load %arg8[%get3A_125, %get3A_126] {strides = array<i32>} : memref<81x128xi32, #tpu.memory_space<vmem>>, vector<1x16xi32>,
    %get3A_128 = vector.shape_cast %get3A_127 : vector<1x16xi32> to vector<16xi32>
    %and3A_129 = arith.andi %get3A_128, %broadcast_in_dim3A_67 : vector<16xi32>
    %swap3A_130 = arith.constant 0 : i32
    %swap3A_131 = arith.index_cast %swap3A_130 : i32 to index
    %swap3A_132 = arith.constant 48 : index
    %swap3A_133 = tpu.vector_load %arg9[%swap3A_131, %swap3A_132] {strides = array<i32>} : memref<2x128xi32, #tpu.memory_space<vmem>>, vector<1x16xi32>,
    %swap3A_134 = vector.shape_cast %swap3A_133 : vector<1x16xi32> to vector<16xi32>
    %swap3A_135 = vector.shape_cast %and3A_129 : vector<16xi32> to vector<1x16xi32>
    tpu.vector_store %arg9[%swap3A_131, %swap3A_132], %swap3A_135 {strides = array<i32>} : memref<2x128xi32, #tpu.memory_space<vmem>>, vector<1x16xi32>,
    %shift_right_logical3A_136 = arith.shrui %get3A_128, %broadcast_in_dim3A_69 : vector<16xi32>
    %swap3A_137 = arith.constant 0 : i32
    %swap3A_138 = arith.index_cast %swap3A_137 : i32 to index
    %swap3A_139 = arith.constant 48 : index
    %swap3A_140 = tpu.vector_load %arg10[%swap3A_138, %swap3A_139] {strides = array<i32>} : memref<2x128xi32, #tpu.memory_space<vmem>>, vector<1x16xi32>,
    %swap3A_141 = vector.shape_cast %swap3A_140 : vector<1x16xi32> to vector<16xi32>
    %swap3A_142 = vector.shape_cast %shift_right_logical3A_136 : vector<16xi32> to vector<1x16xi32>
    tpu.vector_store %arg10[%swap3A_138, %swap3A_139], %swap3A_142 {strides = array<i32>} : memref<2x128xi32, #tpu.memory_space<vmem>>, vector<1x16xi32>,
    %get3A_143 = arith.constant 0 : i32
    %get3A_144 = arith.index_cast %get3A_143 : i32 to index
    %get3A_145 = arith.constant 64 : index
    %get3A_146 = tpu.vector_load %arg8[%get3A_144, %get3A_145] {strides = array<i32>} : memref<81x128xi32, #tpu.memory_space<vmem>>, vector<1x16xi32>,
    %get3A_147 = vector.shape_cast %get3A_146 : vector<1x16xi32> to vector<16xi32>
    %and3A_148 = arith.andi %get3A_147, %broadcast_in_dim3A_67 : vector<16xi32>
    %swap3A_149 = arith.constant 0 : i32
    %swap3A_150 = arith.index_cast %swap3A_149 : i32 to index
    %swap3A_151 = arith.constant 64 : index
    %swap3A_152 = tpu.vector_load %arg9[%swap3A_150, %swap3A_151] {strides = array<i32>} : memref<2x128xi32, #tpu.memory_space<vmem>>, vector<1x16xi32>,
    %swap3A_153 = vector.shape_cast %swap3A_152 : vector<1x16xi32> to vector<16xi32>
    %swap3A_154 = vector.shape_cast %and3A_148 : vector<16xi32> to vector<1x16xi32>
    tpu.vector_store %arg9[%swap3A_150, %swap3A_151], %swap3A_154 {strides = array<i32>} : memref<2x128xi32, #tpu.memory_space<vmem>>, vector<1x16xi32>,
    %shift_right_logical3A_155 = arith.shrui %get3A_147, %broadcast_in_dim3A_69 : vector<16xi32>
    %swap3A_156 = arith.constant 0 : i32
    %swap3A_157 = arith.index_cast %swap3A_156 : i32 to index
    %swap3A_158 = arith.constant 64 : index
    %swap3A_159 = tpu.vector_load %arg10[%swap3A_157, %swap3A_158] {strides = array<i32>} : memref<2x128xi32, #tpu.memory_space<vmem>>, vector<1x16xi32>,
    %swap3A_160 = vector.shape_cast %swap3A_159 : vector<1x16xi32> to vector<16xi32>
    %swap3A_161 = vector.shape_cast %shift_right_logical3A_155 : vector<16xi32> to vector<1x16xi32>
    tpu.vector_store %arg10[%swap3A_157, %swap3A_158], %swap3A_161 {strides = array<i32>} : memref<2x128xi32, #tpu.memory_space<vmem>>, vector<1x16xi32>,
    %get3A_162 = arith.constant 0 : i32
    %get3A_163 = arith.index_cast %get3A_162 : i32 to index
    %get3A_164 = arith.constant 80 : index
    %get3A_165 = tpu.vector_load %arg8[%get3A_163, %get3A_164] {strides = array<i32>} : memref<81x128xi32, #tpu.memory_space<vmem>>, vector<1x16xi32>,
    %get3A_166 = vector.shape_cast %get3A_165 : vector<1x16xi32> to vector<16xi32>
    %and3A_167 = arith.andi %get3A_166, %broadcast_in_dim3A_67 : vector<16xi32>
    %swap3A_168 = arith.constant 0 : i32
    %swap3A_169 = arith.index_cast %swap3A_168 : i32 to index
    %swap3A_170 = arith.constant 80 : index
    %swap3A_171 = tpu.vector_load %arg9[%swap3A_169, %swap3A_170] {strides = array<i32>} : memref<2x128xi32, #tpu.memory_space<vmem>>, vector<1x16xi32>,
    %swap3A_172 = vector.shape_cast %swap3A_171 : vector<1x16xi32> to vector<16xi32>
    %swap3A_173 = vector.shape_cast %and3A_167 : vector<16xi32> to vector<1x16xi32>
    tpu.vector_store %arg9[%swap3A_169, %swap3A_170], %swap3A_173 {strides = array<i32>} : memref<2x128xi32, #tpu.memory_space<vmem>>, vector<1x16xi32>,
    %shift_right_logical3A_174 = arith.shrui %get3A_166, %broadcast_in_dim3A_69 : vector<16xi32>
    %swap3A_175 = arith.constant 0 : i32
    %swap3A_176 = arith.index_cast %swap3A_175 : i32 to index
    %swap3A_177 = arith.constant 80 : index
    %swap3A_178 = tpu.vector_load %arg10[%swap3A_176, %swap3A_177] {strides = array<i32>} : memref<2x128xi32, #tpu.memory_space<vmem>>, vector<1x16xi32>,
    %swap3A_179 = vector.shape_cast %swap3A_178 : vector<1x16xi32> to vector<16xi32>
    %swap3A_180 = vector.shape_cast %shift_right_logical3A_174 : vector<16xi32> to vector<1x16xi32>
    tpu.vector_store %arg10[%swap3A_176, %swap3A_177], %swap3A_180 {strides = array<i32>} : memref<2x128xi32, #tpu.memory_space<vmem>>, vector<1x16xi32>,
    %get3A_181 = arith.constant 0 : i32
    %get3A_182 = arith.index_cast %get3A_181 : i32 to index
    %get3A_183 = arith.constant 96 : index
    %get3A_184 = tpu.vector_load %arg8[%get3A_182, %get3A_183] {strides = array<i32>} : memref<81x128xi32, #tpu.memory_space<vmem>>, vector<1x16xi32>,
    %get3A_185 = vector.shape_cast %get3A_184 : vector<1x16xi32> to vector<16xi32>
    %and3A_186 = arith.andi %get3A_185, %broadcast_in_dim3A_67 : vector<16xi32>
    %swap3A_187 = arith.constant 0 : i32
    %swap3A_188 = arith.index_cast %swap3A_187 : i32 to index
    %swap3A_189 = arith.constant 96 : index
    %swap3A_190 = tpu.vector_load %arg9[%swap3A_188, %swap3A_189] {strides = array<i32>} : memref<2x128xi32, #tpu.memory_space<vmem>>, vector<1x16xi32>,
    %swap3A_191 = vector.shape_cast %swap3A_190 : vector<1x16xi32> to vector<16xi32>
    %swap3A_192 = vector.shape_cast %and3A_186 : vector<16xi32> to vector<1x16xi32>
    tpu.vector_store %arg9[%swap3A_188, %swap3A_189], %swap3A_192 {strides = array<i32>} : memref<2x128xi32, #tpu.memory_space<vmem>>, vector<1x16xi32>,
    %shift_right_logical3A_193 = arith.shrui %get3A_185, %broadcast_in_dim3A_69 : vector<16xi32>
    %swap3A_194 = arith.constant 0 : i32
    %swap3A_195 = arith.index_cast %swap3A_194 : i32 to index
    %swap3A_196 = arith.constant 96 : index
    %swap3A_197 = tpu.vector_load %arg10[%swap3A_195, %swap3A_196] {strides = array<i32>} : memref<2x128xi32, #tpu.memory_space<vmem>>, vector<1x16xi32>,
    %swap3A_198 = vector.shape_cast %swap3A_197 : vector<1x16xi32> to vector<16xi32>
    %swap3A_199 = vector.shape_cast %shift_right_logical3A_193 : vector<16xi32> to vector<1x16xi32>
    tpu.vector_store %arg10[%swap3A_195, %swap3A_196], %swap3A_199 {strides = array<i32>} : memref<2x128xi32, #tpu.memory_space<vmem>>, vector<1x16xi32>,
    %get3A_200 = arith.constant 0 : i32
    %get3A_201 = arith.index_cast %get3A_200 : i32 to index
    %get3A_202 = arith.constant 112 : index
    %get3A_203 = tpu.vector_load %arg8[%get3A_201, %get3A_202] {strides = array<i32>} : memref<81x128xi32, #tpu.memory_space<vmem>>, vector<1x16xi32>,
    %get3A_204 = vector.shape_cast %get3A_203 : vector<1x16xi32> to vector<16xi32>
    %and3A_205 = arith.andi %get3A_204, %broadcast_in_dim3A_67 : vector<16xi32>
    %swap3A_206 = arith.constant 0 : i32
    %swap3A_207 = arith.index_cast %swap3A_206 : i32 to index
    %swap3A_208 = arith.constant 112 : index
    %swap3A_209 = tpu.vector_load %arg9[%swap3A_207, %swap3A_208] {strides = array<i32>} : memref<2x128xi32, #tpu.memory_space<vmem>>, vector<1x16xi32>,
    %swap3A_210 = vector.shape_cast %swap3A_209 : vector<1x16xi32> to vector<16xi32>
    %swap3A_211 = vector.shape_cast %and3A_205 : vector<16xi32> to vector<1x16xi32>
    tpu.vector_store %arg9[%swap3A_207, %swap3A_208], %swap3A_211 {strides = array<i32>} : memref<2x128xi32, #tpu.memory_space<vmem>>, vector<1x16xi32>,
    %shift_right_logical3A_212 = arith.shrui %get3A_204, %broadcast_in_dim3A_69 : vector<16xi32>
    %swap3A_213 = arith.constant 0 : i32
    %swap3A_214 = arith.index_cast %swap3A_213 : i32 to index
    %swap3A_215 = arith.constant 112 : index
    %swap3A_216 = tpu.vector_load %arg10[%swap3A_214, %swap3A_215] {strides = array<i32>} : memref<2x128xi32, #tpu.memory_space<vmem>>, vector<1x16xi32>,
    %swap3A_217 = vector.shape_cast %swap3A_216 : vector<1x16xi32> to vector<16xi32>
    %swap3A_218 = vector.shape_cast %shift_right_logical3A_212 : vector<16xi32> to vector<1x16xi32>
    tpu.vector_store %arg10[%swap3A_214, %swap3A_215], %swap3A_218 {strides = array<i32>} : memref<2x128xi32, #tpu.memory_space<vmem>>, vector<1x16xi32>,
    %dma_start3A = arith.constant 0 : i32
    %dma_start3A_219 = arith.constant 0 : i32
    %dma_start3A_220 = tpu.memref_slice %arg9[%dma_start3A, %dma_start3A_219] : memref<2x128xi32, #tpu.memory_space<vmem>> -> memref<1x128xi32, #tpu.memory_space<vmem>>
    %dma_start3A_221 = tpu.memref_squeeze %dma_start3A_220 : memref<1x128xi32, #tpu.memory_space<vmem>> -> memref<128xi32, #tpu.memory_space<vmem>>
    %dma_start3A_222 = arith.constant 0 : i32
    %dma_start3A_223 = arith.constant 0 : i32
    %dma_start3A_224 = tpu.memref_slice %arg2[%dma_start3A_222, %dma_start3A_223] : memref<10000x128xf32, #tpu.memory_space<hbm>> -> memref<10000x128xf32, #tpu.memory_space<hbm>>
    tpu.enqueue_indirect_dma source(%dma_start3A_224 : memref<10000x128xf32, #tpu.memory_space<hbm>>) target(%arg11 : memref<128x128xf32, #tpu.memory_space<vmem>>) offsets(%dma_start3A_221 : memref<128xi32, #tpu.memory_space<vmem>>) semaphore(%arg14 : memref<!tpu.dma_semaphore, #tpu.memory_space<semaphore_mem>>)
    %scan3A_225 = arith.constant 0 : i32
    %scan3A_226 = arith.constant 0 : i32
    %scan3A_227 = arith.constant 40 : i32
    %scan3A_228 = arith.addi %scan3A_226, %scan3A_227 : i32
    %scan3A_229 = arith.constant 1 : i32
    scf.for %scan3A_238 = %scan3A_226 to %scan3A_228 step %scan3A_229  : i32 {
      %mul3A_239 = arith.constant 2 : i32
      %mul3A_240 = arith.muli %mul3A_239, %scan3A_238 : i32
      %add3A_241 = arith.constant 1 : i32
      %add3A_242 = arith.addi %mul3A_240, %add3A_241 : i32
      %get3A_243 = arith.index_cast %add3A_242 : i32 to index
      %get3A_244 = arith.constant 0 : index
      %get3A_245 = tpu.vector_load %arg8[%get3A_243, %get3A_244] {strides = array<i32>} : memref<81x128xi32, #tpu.memory_space<vmem>>, vector<1x16xi32>,
      %get3A_246 = vector.shape_cast %get3A_245 : vector<1x16xi32> to vector<16xi32>
      %and3A_247 = arith.andi %get3A_246, %broadcast_in_dim3A_67 : vector<16xi32>
      %swap3A_248 = arith.constant 1 : i32
      %swap3A_249 = arith.index_cast %swap3A_248 : i32 to index
      %swap3A_250 = arith.constant 0 : index
      %swap3A_251 = tpu.vector_load %arg9[%swap3A_249, %swap3A_250] {strides = array<i32>} : memref<2x128xi32, #tpu.memory_space<vmem>>, vector<1x16xi32>,
      %swap3A_252 = vector.shape_cast %swap3A_251 : vector<1x16xi32> to vector<16xi32>
      %swap3A_253 = vector.shape_cast %and3A_247 : vector<16xi32> to vector<1x16xi32>
      tpu.vector_store %arg9[%swap3A_249, %swap3A_250], %swap3A_253 {strides = array<i32>} : memref<2x128xi32, #tpu.memory_space<vmem>>, vector<1x16xi32>,
      %shift_right_logical3A_254 = arith.shrui %get3A_246, %broadcast_in_dim3A_69 : vector<16xi32>
      %swap3A_255 = arith.constant 1 : i32
      %swap3A_256 = arith.index_cast %swap3A_255 : i32 to index
      %swap3A_257 = arith.constant 0 : index
      %swap3A_258 = tpu.vector_load %arg10[%swap3A_256, %swap3A_257] {strides = array<i32>} : memref<2x128xi32, #tpu.memory_space<vmem>>, vector<1x16xi32>,
      %swap3A_259 = vector.shape_cast %swap3A_258 : vector<1x16xi32> to vector<16xi32>
      %swap3A_260 = vector.shape_cast %shift_right_logical3A_254 : vector<16xi32> to vector<1x16xi32>
      tpu.vector_store %arg10[%swap3A_256, %swap3A_257], %swap3A_260 {strides = array<i32>} : memref<2x128xi32, #tpu.memory_space<vmem>>, vector<1x16xi32>,
      %get3A_261 = arith.index_cast %add3A_242 : i32 to index
      %get3A_262 = arith.constant 16 : index
      %get3A_263 = tpu.vector_load %arg8[%get3A_261, %get3A_262] {strides = array<i32>} : memref<81x128xi32, #tpu.memory_space<vmem>>, vector<1x16xi32>,
      %get3A_264 = vector.shape_cast %get3A_263 : vector<1x16xi32> to vector<16xi32>
      %and3A_265 = arith.andi %get3A_264, %broadcast_in_dim3A_67 : vector<16xi32>
      %swap3A_266 = arith.constant 1 : i32
      %swap3A_267 = arith.index_cast %swap3A_266 : i32 to index
      %swap3A_268 = arith.constant 16 : index
      %swap3A_269 = tpu.vector_load %arg9[%swap3A_267, %swap3A_268] {strides = array<i32>} : memref<2x128xi32, #tpu.memory_space<vmem>>, vector<1x16xi32>,
      %swap3A_270 = vector.shape_cast %swap3A_269 : vector<1x16xi32> to vector<16xi32>
      %swap3A_271 = vector.shape_cast %and3A_265 : vector<16xi32> to vector<1x16xi32>
      tpu.vector_store %arg9[%swap3A_267, %swap3A_268], %swap3A_271 {strides = array<i32>} : memref<2x128xi32, #tpu.memory_space<vmem>>, vector<1x16xi32>,
      %shift_right_logical3A_272 = arith.shrui %get3A_264, %broadcast_in_dim3A_69 : vector<16xi32>
      %swap3A_273 = arith.constant 1 : i32
      %swap3A_274 = arith.index_cast %swap3A_273 : i32 to index
      %swap3A_275 = arith.constant 16 : index
      %swap3A_276 = tpu.vector_load %arg10[%swap3A_274, %swap3A_275] {strides = array<i32>} : memref<2x128xi32, #tpu.memory_space<vmem>>, vector<1x16xi32>,
      %swap3A_277 = vector.shape_cast %swap3A_276 : vector<1x16xi32> to vector<16xi32>
      %swap3A_278 = vector.shape_cast %shift_right_logical3A_272 : vector<16xi32> to vector<1x16xi32>
      tpu.vector_store %arg10[%swap3A_274, %swap3A_275], %swap3A_278 {strides = array<i32>} : memref<2x128xi32, #tpu.memory_space<vmem>>, vector<1x16xi32>,
      %get3A_279 = arith.index_cast %add3A_242 : i32 to index
      %get3A_280 = arith.constant 32 : index
      %get3A_281 = tpu.vector_load %arg8[%get3A_279, %get3A_280] {strides = array<i32>} : memref<81x128xi32, #tpu.memory_space<vmem>>, vector<1x16xi32>,
      %get3A_282 = vector.shape_cast %get3A_281 : vector<1x16xi32> to vector<16xi32>
      %and3A_283 = arith.andi %get3A_282, %broadcast_in_dim3A_67 : vector<16xi32>
      %swap3A_284 = arith.constant 1 : i32
      %swap3A_285 = arith.index_cast %swap3A_284 : i32 to index
      %swap3A_286 = arith.constant 32 : index
      %swap3A_287 = tpu.vector_load %arg9[%swap3A_285, %swap3A_286] {strides = array<i32>} : memref<2x128xi32, #tpu.memory_space<vmem>>, vector<1x16xi32>,
      %swap3A_288 = vector.shape_cast %swap3A_287 : vector<1x16xi32> to vector<16xi32>
      %swap3A_289 = vector.shape_cast %and3A_283 : vector<16xi32> to vector<1x16xi32>
      tpu.vector_store %arg9[%swap3A_285, %swap3A_286], %swap3A_289 {strides = array<i32>} : memref<2x128xi32, #tpu.memory_space<vmem>>, vector<1x16xi32>,
      %shift_right_logical3A_290 = arith.shrui %get3A_282, %broadcast_in_dim3A_69 : vector<16xi32>
      %swap3A_291 = arith.constant 1 : i32
      %swap3A_292 = arith.index_cast %swap3A_291 : i32 to index
      %swap3A_293 = arith.constant 32 : index
      %swap3A_294 = tpu.vector_load %arg10[%swap3A_292, %swap3A_293] {strides = array<i32>} : memref<2x128xi32, #tpu.memory_space<vmem>>, vector<1x16xi32>,
      %swap3A_295 = vector.shape_cast %swap3A_294 : vector<1x16xi32> to vector<16xi32>
      %swap3A_296 = vector.shape_cast %shift_right_logical3A_290 : vector<16xi32> to vector<1x16xi32>
      tpu.vector_store %arg10[%swap3A_292, %swap3A_293], %swap3A_296 {strides = array<i32>} : memref<2x128xi32, #tpu.memory_space<vmem>>, vector<1x16xi32>,
      %get3A_297 = arith.index_cast %add3A_242 : i32 to index
      %get3A_298 = arith.constant 48 : index
      %get3A_299 = tpu.vector_load %arg8[%get3A_297, %get3A_298] {strides = array<i32>} : memref<81x128xi32, #tpu.memory_space<vmem>>, vector<1x16xi32>,
      %get3A_300 = vector.shape_cast %get3A_299 : vector<1x16xi32> to vector<16xi32>
      %and3A_301 = arith.andi %get3A_300, %broadcast_in_dim3A_67 : vector<16xi32>
      %swap3A_302 = arith.constant 1 : i32
      %swap3A_303 = arith.index_cast %swap3A_302 : i32 to index
      %swap3A_304 = arith.constant 48 : index
      %swap3A_305 = tpu.vector_load %arg9[%swap3A_303, %swap3A_304] {strides = array<i32>} : memref<2x128xi32, #tpu.memory_space<vmem>>, vector<1x16xi32>,
      %swap3A_306 = vector.shape_cast %swap3A_305 : vector<1x16xi32> to vector<16xi32>
      %swap3A_307 = vector.shape_cast %and3A_301 : vector<16xi32> to vector<1x16xi32>
      tpu.vector_store %arg9[%swap3A_303, %swap3A_304], %swap3A_307 {strides = array<i32>} : memref<2x128xi32, #tpu.memory_space<vmem>>, vector<1x16xi32>,
      %shift_right_logical3A_308 = arith.shrui %get3A_300, %broadcast_in_dim3A_69 : vector<16xi32>
      %swap3A_309 = arith.constant 1 : i32
      %swap3A_310 = arith.index_cast %swap3A_309 : i32 to index
      %swap3A_311 = arith.constant 48 : index
      %swap3A_312 = tpu.vector_load %arg10[%swap3A_310, %swap3A_311] {strides = array<i32>} : memref<2x128xi32, #tpu.memory_space<vmem>>, vector<1x16xi32>,
      %swap3A_313 = vector.shape_cast %swap3A_312 : vector<1x16xi32> to vector<16xi32>
      %swap3A_314 = vector.shape_cast %shift_right_logical3A_308 : vector<16xi32> to vector<1x16xi32>
      tpu.vector_store %arg10[%swap3A_310, %swap3A_311], %swap3A_314 {strides = array<i32>} : memref<2x128xi32, #tpu.memory_space<vmem>>, vector<1x16xi32>,
      %get3A_315 = arith.index_cast %add3A_242 : i32 to index
      %get3A_316 = arith.constant 64 : index
      %get3A_317 = tpu.vector_load %arg8[%get3A_315, %get3A_316] {strides = array<i32>} : memref<81x128xi32, #tpu.memory_space<vmem>>, vector<1x16xi32>,
      %get3A_318 = vector.shape_cast %get3A_317 : vector<1x16xi32> to vector<16xi32>
      %and3A_319 = arith.andi %get3A_318, %broadcast_in_dim3A_67 : vector<16xi32>
      %swap3A_320 = arith.constant 1 : i32
      %swap3A_321 = arith.index_cast %swap3A_320 : i32 to index
      %swap3A_322 = arith.constant 64 : index
      %swap3A_323 = tpu.vector_load %arg9[%swap3A_321, %swap3A_322] {strides = array<i32>} : memref<2x128xi32, #tpu.memory_space<vmem>>, vector<1x16xi32>,
      %swap3A_324 = vector.shape_cast %swap3A_323 : vector<1x16xi32> to vector<16xi32>
      %swap3A_325 = vector.shape_cast %and3A_319 : vector<16xi32> to vector<1x16xi32>
      tpu.vector_store %arg9[%swap3A_321, %swap3A_322], %swap3A_325 {strides = array<i32>} : memref<2x128xi32, #tpu.memory_space<vmem>>, vector<1x16xi32>,
      %shift_right_logical3A_326 = arith.shrui %get3A_318, %broadcast_in_dim3A_69 : vector<16xi32>
      %swap3A_327 = arith.constant 1 : i32
      %swap3A_328 = arith.index_cast %swap3A_327 : i32 to index
      %swap3A_329 = arith.constant 64 : index
      %swap3A_330 = tpu.vector_load %arg10[%swap3A_328, %swap3A_329] {strides = array<i32>} : memref<2x128xi32, #tpu.memory_space<vmem>>, vector<1x16xi32>,
      %swap3A_331 = vector.shape_cast %swap3A_330 : vector<1x16xi32> to vector<16xi32>
      %swap3A_332 = vector.shape_cast %shift_right_logical3A_326 : vector<16xi32> to vector<1x16xi32>
      tpu.vector_store %arg10[%swap3A_328, %swap3A_329], %swap3A_332 {strides = array<i32>} : memref<2x128xi32, #tpu.memory_space<vmem>>, vector<1x16xi32>,
      %get3A_333 = arith.index_cast %add3A_242 : i32 to index
      %get3A_334 = arith.constant 80 : index
      %get3A_335 = tpu.vector_load %arg8[%get3A_333, %get3A_334] {strides = array<i32>} : memref<81x128xi32, #tpu.memory_space<vmem>>, vector<1x16xi32>,
      %get3A_336 = vector.shape_cast %get3A_335 : vector<1x16xi32> to vector<16xi32>
      %and3A_337 = arith.andi %get3A_336, %broadcast_in_dim3A_67 : vector<16xi32>
      %swap3A_338 = arith.constant 1 : i32
      %swap3A_339 = arith.index_cast %swap3A_338 : i32 to index
      %swap3A_340 = arith.constant 80 : index
      %swap3A_341 = tpu.vector_load %arg9[%swap3A_339, %swap3A_340] {strides = array<i32>} : memref<2x128xi32, #tpu.memory_space<vmem>>, vector<1x16xi32>,
      %swap3A_342 = vector.shape_cast %swap3A_341 : vector<1x16xi32> to vector<16xi32>
      %swap3A_343 = vector.shape_cast %and3A_337 : vector<16xi32> to vector<1x16xi32>
      tpu.vector_store %arg9[%swap3A_339, %swap3A_340], %swap3A_343 {strides = array<i32>} : memref<2x128xi32, #tpu.memory_space<vmem>>, vector<1x16xi32>,
      %shift_right_logical3A_344 = arith.shrui %get3A_336, %broadcast_in_dim3A_69 : vector<16xi32>
      %swap3A_345 = arith.constant 1 : i32
      %swap3A_346 = arith.index_cast %swap3A_345 : i32 to index
      %swap3A_347 = arith.constant 80 : index
      %swap3A_348 = tpu.vector_load %arg10[%swap3A_346, %swap3A_347] {strides = array<i32>} : memref<2x128xi32, #tpu.memory_space<vmem>>, vector<1x16xi32>,
      %swap3A_349 = vector.shape_cast %swap3A_348 : vector<1x16xi32> to vector<16xi32>
      %swap3A_350 = vector.shape_cast %shift_right_logical3A_344 : vector<16xi32> to vector<1x16xi32>
      tpu.vector_store %arg10[%swap3A_346, %swap3A_347], %swap3A_350 {strides = array<i32>} : memref<2x128xi32, #tpu.memory_space<vmem>>, vector<1x16xi32>,
      %get3A_351 = arith.index_cast %add3A_242 : i32 to index
      %get3A_352 = arith.constant 96 : index
      %get3A_353 = tpu.vector_load %arg8[%get3A_351, %get3A_352] {strides = array<i32>} : memref<81x128xi32, #tpu.memory_space<vmem>>, vector<1x16xi32>,
      %get3A_354 = vector.shape_cast %get3A_353 : vector<1x16xi32> to vector<16xi32>
      %and3A_355 = arith.andi %get3A_354, %broadcast_in_dim3A_67 : vector<16xi32>
      %swap3A_356 = arith.constant 1 : i32
      %swap3A_357 = arith.index_cast %swap3A_356 : i32 to index
      %swap3A_358 = arith.constant 96 : index
      %swap3A_359 = tpu.vector_load %arg9[%swap3A_357, %swap3A_358] {strides = array<i32>} : memref<2x128xi32, #tpu.memory_space<vmem>>, vector<1x16xi32>,
      %swap3A_360 = vector.shape_cast %swap3A_359 : vector<1x16xi32> to vector<16xi32>
      %swap3A_361 = vector.shape_cast %and3A_355 : vector<16xi32> to vector<1x16xi32>
      tpu.vector_store %arg9[%swap3A_357, %swap3A_358], %swap3A_361 {strides = array<i32>} : memref<2x128xi32, #tpu.memory_space<vmem>>, vector<1x16xi32>,
      %shift_right_logical3A_362 = arith.shrui %get3A_354, %broadcast_in_dim3A_69 : vector<16xi32>
      %swap3A_363 = arith.constant 1 : i32
      %swap3A_364 = arith.index_cast %swap3A_363 : i32 to index
      %swap3A_365 = arith.constant 96 : index
      %swap3A_366 = tpu.vector_load %arg10[%swap3A_364, %swap3A_365] {strides = array<i32>} : memref<2x128xi32, #tpu.memory_space<vmem>>, vector<1x16xi32>,
      %swap3A_367 = vector.shape_cast %swap3A_366 : vector<1x16xi32> to vector<16xi32>
      %swap3A_368 = vector.shape_cast %shift_right_logical3A_362 : vector<16xi32> to vector<1x16xi32>
      tpu.vector_store %arg10[%swap3A_364, %swap3A_365], %swap3A_368 {strides = array<i32>} : memref<2x128xi32, #tpu.memory_space<vmem>>, vector<1x16xi32>,
      %get3A_369 = arith.index_cast %add3A_242 : i32 to index
      %get3A_370 = arith.constant 112 : index
      %get3A_371 = tpu.vector_load %arg8[%get3A_369, %get3A_370] {strides = array<i32>} : memref<81x128xi32, #tpu.memory_space<vmem>>, vector<1x16xi32>,
      %get3A_372 = vector.shape_cast %get3A_371 : vector<1x16xi32> to vector<16xi32>
      %and3A_373 = arith.andi %get3A_372, %broadcast_in_dim3A_67 : vector<16xi32>
      %swap3A_374 = arith.constant 1 : i32
      %swap3A_375 = arith.index_cast %swap3A_374 : i32 to index
      %swap3A_376 = arith.constant 112 : index
      %swap3A_377 = tpu.vector_load %arg9[%swap3A_375, %swap3A_376] {strides = array<i32>} : memref<2x128xi32, #tpu.memory_space<vmem>>, vector<1x16xi32>,
      %swap3A_378 = vector.shape_cast %swap3A_377 : vector<1x16xi32> to vector<16xi32>
      %swap3A_379 = vector.shape_cast %and3A_373 : vector<16xi32> to vector<1x16xi32>
      tpu.vector_store %arg9[%swap3A_375, %swap3A_376], %swap3A_379 {strides = array<i32>} : memref<2x128xi32, #tpu.memory_space<vmem>>, vector<1x16xi32>,
      %shift_right_logical3A_380 = arith.shrui %get3A_372, %broadcast_in_dim3A_69 : vector<16xi32>
      %swap3A_381 = arith.constant 1 : i32
      %swap3A_382 = arith.index_cast %swap3A_381 : i32 to index
      %swap3A_383 = arith.constant 112 : index
      %swap3A_384 = tpu.vector_load %arg10[%swap3A_382, %swap3A_383] {strides = array<i32>} : memref<2x128xi32, #tpu.memory_space<vmem>>, vector<1x16xi32>,
      %swap3A_385 = vector.shape_cast %swap3A_384 : vector<1x16xi32> to vector<16xi32>
      %swap3A_386 = vector.shape_cast %shift_right_logical3A_380 : vector<16xi32> to vector<1x16xi32>
      tpu.vector_store %arg10[%swap3A_382, %swap3A_383], %swap3A_386 {strides = array<i32>} : memref<2x128xi32, #tpu.memory_space<vmem>>, vector<1x16xi32>,
      %dma_start3A_387 = arith.constant 1 : i32
      %dma_start3A_388 = arith.constant 0 : i32
      %dma_start3A_389 = tpu.memref_slice %arg9[%dma_start3A_387, %dma_start3A_388] : memref<2x128xi32, #tpu.memory_space<vmem>> -> memref<1x128xi32, #tpu.memory_space<vmem>>
      %dma_start3A_390 = tpu.memref_squeeze %dma_start3A_389 : memref<1x128xi32, #tpu.memory_space<vmem>> -> memref<128xi32, #tpu.memory_space<vmem>>
      %dma_start3A_391 = arith.constant 0 : i32
      %dma_start3A_392 = arith.constant 0 : i32
      %dma_start3A_393 = tpu.memref_slice %arg2[%dma_start3A_391, %dma_start3A_392] : memref<10000x128xf32, #tpu.memory_space<hbm>> -> memref<10000x128xf32, #tpu.memory_space<hbm>>
      tpu.enqueue_indirect_dma source(%dma_start3A_393 : memref<10000x128xf32, #tpu.memory_space<hbm>>) target(%arg12 : memref<128x128xf32, #tpu.memory_space<vmem>>) offsets(%dma_start3A_390 : memref<128xi32, #tpu.memory_space<vmem>>) semaphore(%arg15 : memref<!tpu.dma_semaphore, #tpu.memory_space<semaphore_mem>>)
      %dma_wait3A_394 = arith.constant 0 : i32
      %dma_wait3A_395 = arith.constant 0 : i32
      %dma_wait3A_396 = tpu.memref_slice %arg9[%dma_wait3A_394, %dma_wait3A_395] : memref<2x128xi32, #tpu.memory_space<vmem>> -> memref<1x128xi32, #tpu.memory_space<vmem>>
      %dma_wait3A_397 = tpu.memref_squeeze %dma_wait3A_396 : memref<1x128xi32, #tpu.memory_space<vmem>> -> memref<128xi32, #tpu.memory_space<vmem>>
      %dma_wait3A_398 = arith.constant 0 : i32
      %dma_wait3A_399 = arith.constant 0 : i32
      %dma_wait3A_400 = tpu.memref_slice %arg2[%dma_wait3A_398, %dma_wait3A_399] : memref<10000x128xf32, #tpu.memory_space<hbm>> -> memref<10000x128xf32, #tpu.memory_space<hbm>>
      tpu.wait_indirect_dma semaphore(%arg14 : memref<!tpu.dma_semaphore, #tpu.memory_space<semaphore_mem>>) src(%dma_wait3A_400 : memref<10000x128xf32, #tpu.memory_space<hbm>>) dst(%arg11 : memref<128x128xf32, #tpu.memory_space<vmem>>)
      %run_scoped3A_401 = arith.constant 0 : i32
      "tpu.region"() ({
        %run_scoped3A_565 = tpu.sem_alloc : memref<!tpu.dma_semaphore, #tpu.memory_space<semaphore_mem>>
        %dma_start3A_566 = arith.constant 0 : i32
        %dma_start3A_567 = tpu.memref_slice %arg10[%run_scoped3A_401, %dma_start3A_566] : memref<2x128xi32, #tpu.memory_space<vmem>> -> memref<1x128xi32, #tpu.memory_space<vmem>>
        %dma_start3A_568 = tpu.memref_squeeze %dma_start3A_567 : memref<1x128xi32, #tpu.memory_space<vmem>> -> memref<128xi32, #tpu.memory_space<vmem>>
        %dma_start3A_569 = arith.constant 0 : i32
        %dma_start3A_570 = arith.constant 0 : i32
        %dma_start3A_571 = tpu.memref_slice %arg6[%dma_start3A_569, %dma_start3A_570] : memref<10240x128xf32, #tpu.memory_space<vmem_shared>> -> memref<10240x128xf32, #tpu.memory_space<vmem_shared>>
        tpu.enqueue_indirect_dma source(%arg11 : memref<128x128xf32, #tpu.memory_space<vmem>>) target(%dma_start3A_571 : memref<10240x128xf32, #tpu.memory_space<vmem_shared>>) offsets(%dma_start3A_568 : memref<128xi32, #tpu.memory_space<vmem>>) semaphore(%run_scoped3A_565 : memref<!tpu.dma_semaphore, #tpu.memory_space<semaphore_mem>>) {add = true}
        %dma_wait3A_572 = arith.constant 0 : i32
        %dma_wait3A_573 = tpu.memref_slice %arg10[%run_scoped3A_401, %dma_wait3A_572] : memref<2x128xi32, #tpu.memory_space<vmem>> -> memref<1x128xi32, #tpu.memory_space<vmem>>
        %dma_wait3A_574 = tpu.memref_squeeze %dma_wait3A_573 : memref<1x128xi32, #tpu.memory_space<vmem>> -> memref<128xi32, #tpu.memory_space<vmem>>
        %dma_wait3A_575 = arith.constant 0 : i32
        %dma_wait3A_576 = arith.constant 0 : i32
        %dma_wait3A_577 = tpu.memref_slice %arg6[%dma_wait3A_575, %dma_wait3A_576] : memref<10240x128xf32, #tpu.memory_space<vmem_shared>> -> memref<10240x128xf32, #tpu.memory_space<vmem_shared>>
        tpu.wait_indirect_dma semaphore(%run_scoped3A_565 : memref<!tpu.dma_semaphore, #tpu.memory_space<semaphore_mem>>) src(%arg11 : memref<128x128xf32, #tpu.memory_space<vmem>>) dst(%dma_wait3A_577 : memref<10240x128xf32, #tpu.memory_space<vmem_shared>>)
        tpu.yield
      }) : () -> ()
      %run_scoped3A_402 = arith.constant 0 : i32
      "tpu.region"() ({
        %run_scoped3A_565 = tpu.sem_alloc : memref<!tpu.dma_semaphore, #tpu.memory_space<semaphore_mem>>
        %dma_start3A_566 = arith.constant 0 : i32
        %dma_start3A_567 = tpu.memref_slice %arg10[%run_scoped3A_402, %dma_start3A_566] : memref<2x128xi32, #tpu.memory_space<vmem>> -> memref<1x128xi32, #tpu.memory_space<vmem>>
        %dma_start3A_568 = tpu.memref_squeeze %dma_start3A_567 : memref<1x128xi32, #tpu.memory_space<vmem>> -> memref<128xi32, #tpu.memory_space<vmem>>
        %dma_start3A_569 = arith.constant 0 : i32
        %dma_start3A_570 = tpu.memref_slice %arg7[%dma_start3A_569] : memref<10240xf32, #tpu.memory_space<vmem_shared>> -> memref<10240xf32, #tpu.memory_space<vmem_shared>>
        tpu.enqueue_indirect_dma source(%arg13 : memref<128xf32, #tpu.memory_space<vmem>>) target(%dma_start3A_570 : memref<10240xf32, #tpu.memory_space<vmem_shared>>) offsets(%dma_start3A_568 : memref<128xi32, #tpu.memory_space<vmem>>) semaphore(%run_scoped3A_565 : memref<!tpu.dma_semaphore, #tpu.memory_space<semaphore_mem>>) {add = true}
        %dma_wait3A_571 = arith.constant 0 : i32
        %dma_wait3A_572 = tpu.memref_slice %arg10[%run_scoped3A_402, %dma_wait3A_571] : memref<2x128xi32, #tpu.memory_space<vmem>> -> memref<1x128xi32, #tpu.memory_space<vmem>>
        %dma_wait3A_573 = tpu.memref_squeeze %dma_wait3A_572 : memref<1x128xi32, #tpu.memory_space<vmem>> -> memref<128xi32, #tpu.memory_space<vmem>>
        %dma_wait3A_574 = arith.constant 0 : i32
        %dma_wait3A_575 = tpu.memref_slice %arg7[%dma_wait3A_574] : memref<10240xf32, #tpu.memory_space<vmem_shared>> -> memref<10240xf32, #tpu.memory_space<vmem_shared>>
        tpu.wait_indirect_dma semaphore(%run_scoped3A_565 : memref<!tpu.dma_semaphore, #tpu.memory_space<semaphore_mem>>) src(%arg13 : memref<128xf32, #tpu.memory_space<vmem>>) dst(%dma_wait3A_575 : memref<10240xf32, #tpu.memory_space<vmem_shared>>)
        tpu.yield
      }) : () -> ()
      %add3A_403 = arith.constant 2 : i32
      %add3A_404 = arith.addi %mul3A_240, %add3A_403 : i32
      %get3A_405 = arith.index_cast %add3A_404 : i32 to index
      %get3A_406 = arith.constant 0 : index
      %get3A_407 = tpu.vector_load %arg8[%get3A_405, %get3A_406] {strides = array<i32>} : memref<81x128xi32, #tpu.memory_space<vmem>>, vector<1x16xi32>,
      %get3A_408 = vector.shape_cast %get3A_407 : vector<1x16xi32> to vector<16xi32>
      %and3A_409 = arith.andi %get3A_408, %broadcast_in_dim3A_67 : vector<16xi32>
      %swap3A_410 = arith.constant 0 : i32
      %swap3A_411 = arith.index_cast %swap3A_410 : i32 to index
      %swap3A_412 = arith.constant 0 : index
      %swap3A_413 = tpu.vector_load %arg9[%swap3A_411, %swap3A_412] {strides = array<i32>} : memref<2x128xi32, #tpu.memory_space<vmem>>, vector<1x16xi32>,
      %swap3A_414 = vector.shape_cast %swap3A_413 : vector<1x16xi32> to vector<16xi32>
      %swap3A_415 = vector.shape_cast %and3A_409 : vector<16xi32> to vector<1x16xi32>
      tpu.vector_store %arg9[%swap3A_411, %swap3A_412], %swap3A_415 {strides = array<i32>} : memref<2x128xi32, #tpu.memory_space<vmem>>, vector<1x16xi32>,
      %shift_right_logical3A_416 = arith.shrui %get3A_408, %broadcast_in_dim3A_69 : vector<16xi32>
      %swap3A_417 = arith.constant 0 : i32
      %swap3A_418 = arith.index_cast %swap3A_417 : i32 to index
      %swap3A_419 = arith.constant 0 : index
      %swap3A_420 = tpu.vector_load %arg10[%swap3A_418, %swap3A_419] {strides = array<i32>} : memref<2x128xi32, #tpu.memory_space<vmem>>, vector<1x16xi32>,
      %swap3A_421 = vector.shape_cast %swap3A_420 : vector<1x16xi32> to vector<16xi32>
      %swap3A_422 = vector.shape_cast %shift_right_logical3A_416 : vector<16xi32> to vector<1x16xi32>
      tpu.vector_store %arg10[%swap3A_418, %swap3A_419], %swap3A_422 {strides = array<i32>} : memref<2x128xi32, #tpu.memory_space<vmem>>, vector<1x16xi32>,
      %get3A_423 = arith.index_cast %add3A_404 : i32 to index
      %get3A_424 = arith.constant 16 : index
      %get3A_425 = tpu.vector_load %arg8[%get3A_423, %get3A_424] {strides = array<i32>} : memref<81x128xi32, #tpu.memory_space<vmem>>, vector<1x16xi32>,
      %get3A_426 = vector.shape_cast %get3A_425 : vector<1x16xi32> to vector<16xi32>
      %and3A_427 = arith.andi %get3A_426, %broadcast_in_dim3A_67 : vector<16xi32>
      %swap3A_428 = arith.constant 0 : i32
      %swap3A_429 = arith.index_cast %swap3A_428 : i32 to index
      %swap3A_430 = arith.constant 16 : index
      %swap3A_431 = tpu.vector_load %arg9[%swap3A_429, %swap3A_430] {strides = array<i32>} : memref<2x128xi32, #tpu.memory_space<vmem>>, vector<1x16xi32>,
      %swap3A_432 = vector.shape_cast %swap3A_431 : vector<1x16xi32> to vector<16xi32>
      %swap3A_433 = vector.shape_cast %and3A_427 : vector<16xi32> to vector<1x16xi32>
      tpu.vector_store %arg9[%swap3A_429, %swap3A_430], %swap3A_433 {strides = array<i32>} : memref<2x128xi32, #tpu.memory_space<vmem>>, vector<1x16xi32>,
      %shift_right_logical3A_434 = arith.shrui %get3A_426, %broadcast_in_dim3A_69 : vector<16xi32>
      %swap3A_435 = arith.constant 0 : i32
      %swap3A_436 = arith.index_cast %swap3A_435 : i32 to index
      %swap3A_437 = arith.constant 16 : index
      %swap3A_438 = tpu.vector_load %arg10[%swap3A_436, %swap3A_437] {strides = array<i32>} : memref<2x128xi32, #tpu.memory_space<vmem>>, vector<1x16xi32>,
      %swap3A_439 = vector.shape_cast %swap3A_438 : vector<1x16xi32> to vector<16xi32>
      %swap3A_440 = vector.shape_cast %shift_right_logical3A_434 : vector<16xi32> to vector<1x16xi32>
      tpu.vector_store %arg10[%swap3A_436, %swap3A_437], %swap3A_440 {strides = array<i32>} : memref<2x128xi32, #tpu.memory_space<vmem>>, vector<1x16xi32>,
      %get3A_441 = arith.index_cast %add3A_404 : i32 to index
      %get3A_442 = arith.constant 32 : index
      %get3A_443 = tpu.vector_load %arg8[%get3A_441, %get3A_442] {strides = array<i32>} : memref<81x128xi32, #tpu.memory_space<vmem>>, vector<1x16xi32>,
      %get3A_444 = vector.shape_cast %get3A_443 : vector<1x16xi32> to vector<16xi32>
      %and3A_445 = arith.andi %get3A_444, %broadcast_in_dim3A_67 : vector<16xi32>
      %swap3A_446 = arith.constant 0 : i32
      %swap3A_447 = arith.index_cast %swap3A_446 : i32 to index
      %swap3A_448 = arith.constant 32 : index
      %swap3A_449 = tpu.vector_load %arg9[%swap3A_447, %swap3A_448] {strides = array<i32>} : memref<2x128xi32, #tpu.memory_space<vmem>>, vector<1x16xi32>,
      %swap3A_450 = vector.shape_cast %swap3A_449 : vector<1x16xi32> to vector<16xi32>
      %swap3A_451 = vector.shape_cast %and3A_445 : vector<16xi32> to vector<1x16xi32>
      tpu.vector_store %arg9[%swap3A_447, %swap3A_448], %swap3A_451 {strides = array<i32>} : memref<2x128xi32, #tpu.memory_space<vmem>>, vector<1x16xi32>,
      %shift_right_logical3A_452 = arith.shrui %get3A_444, %broadcast_in_dim3A_69 : vector<16xi32>
      %swap3A_453 = arith.constant 0 : i32
      %swap3A_454 = arith.index_cast %swap3A_453 : i32 to index
      %swap3A_455 = arith.constant 32 : index
      %swap3A_456 = tpu.vector_load %arg10[%swap3A_454, %swap3A_455] {strides = array<i32>} : memref<2x128xi32, #tpu.memory_space<vmem>>, vector<1x16xi32>,
      %swap3A_457 = vector.shape_cast %swap3A_456 : vector<1x16xi32> to vector<16xi32>
      %swap3A_458 = vector.shape_cast %shift_right_logical3A_452 : vector<16xi32> to vector<1x16xi32>
      tpu.vector_store %arg10[%swap3A_454, %swap3A_455], %swap3A_458 {strides = array<i32>} : memref<2x128xi32, #tpu.memory_space<vmem>>, vector<1x16xi32>,
      %get3A_459 = arith.index_cast %add3A_404 : i32 to index
      %get3A_460 = arith.constant 48 : index
      %get3A_461 = tpu.vector_load %arg8[%get3A_459, %get3A_460] {strides = array<i32>} : memref<81x128xi32, #tpu.memory_space<vmem>>, vector<1x16xi32>,
      %get3A_462 = vector.shape_cast %get3A_461 : vector<1x16xi32> to vector<16xi32>
      %and3A_463 = arith.andi %get3A_462, %broadcast_in_dim3A_67 : vector<16xi32>
      %swap3A_464 = arith.constant 0 : i32
      %swap3A_465 = arith.index_cast %swap3A_464 : i32 to index
      %swap3A_466 = arith.constant 48 : index
      %swap3A_467 = tpu.vector_load %arg9[%swap3A_465, %swap3A_466] {strides = array<i32>} : memref<2x128xi32, #tpu.memory_space<vmem>>, vector<1x16xi32>,
      %swap3A_468 = vector.shape_cast %swap3A_467 : vector<1x16xi32> to vector<16xi32>
      %swap3A_469 = vector.shape_cast %and3A_463 : vector<16xi32> to vector<1x16xi32>
      tpu.vector_store %arg9[%swap3A_465, %swap3A_466], %swap3A_469 {strides = array<i32>} : memref<2x128xi32, #tpu.memory_space<vmem>>, vector<1x16xi32>,
      %shift_right_logical3A_470 = arith.shrui %get3A_462, %broadcast_in_dim3A_69 : vector<16xi32>
      %swap3A_471 = arith.constant 0 : i32
      %swap3A_472 = arith.index_cast %swap3A_471 : i32 to index
      %swap3A_473 = arith.constant 48 : index
      %swap3A_474 = tpu.vector_load %arg10[%swap3A_472, %swap3A_473] {strides = array<i32>} : memref<2x128xi32, #tpu.memory_space<vmem>>, vector<1x16xi32>,
      %swap3A_475 = vector.shape_cast %swap3A_474 : vector<1x16xi32> to vector<16xi32>
      %swap3A_476 = vector.shape_cast %shift_right_logical3A_470 : vector<16xi32> to vector<1x16xi32>
      tpu.vector_store %arg10[%swap3A_472, %swap3A_473], %swap3A_476 {strides = array<i32>} : memref<2x128xi32, #tpu.memory_space<vmem>>, vector<1x16xi32>,
      %get3A_477 = arith.index_cast %add3A_404 : i32 to index
      %get3A_478 = arith.constant 64 : index
      %get3A_479 = tpu.vector_load %arg8[%get3A_477, %get3A_478] {strides = array<i32>} : memref<81x128xi32, #tpu.memory_space<vmem>>, vector<1x16xi32>,
      %get3A_480 = vector.shape_cast %get3A_479 : vector<1x16xi32> to vector<16xi32>
      %and3A_481 = arith.andi %get3A_480, %broadcast_in_dim3A_67 : vector<16xi32>
      %swap3A_482 = arith.constant 0 : i32
      %swap3A_483 = arith.index_cast %swap3A_482 : i32 to index
      %swap3A_484 = arith.constant 64 : index
      %swap3A_485 = tpu.vector_load %arg9[%swap3A_483, %swap3A_484] {strides = array<i32>} : memref<2x128xi32, #tpu.memory_space<vmem>>, vector<1x16xi32>,
      %swap3A_486 = vector.shape_cast %swap3A_485 : vector<1x16xi32> to vector<16xi32>
      %swap3A_487 = vector.shape_cast %and3A_481 : vector<16xi32> to vector<1x16xi32>
      tpu.vector_store %arg9[%swap3A_483, %swap3A_484], %swap3A_487 {strides = array<i32>} : memref<2x128xi32, #tpu.memory_space<vmem>>, vector<1x16xi32>,
      %shift_right_logical3A_488 = arith.shrui %get3A_480, %broadcast_in_dim3A_69 : vector<16xi32>
      %swap3A_489 = arith.constant 0 : i32
      %swap3A_490 = arith.index_cast %swap3A_489 : i32 to index
      %swap3A_491 = arith.constant 64 : index
      %swap3A_492 = tpu.vector_load %arg10[%swap3A_490, %swap3A_491] {strides = array<i32>} : memref<2x128xi32, #tpu.memory_space<vmem>>, vector<1x16xi32>,
      %swap3A_493 = vector.shape_cast %swap3A_492 : vector<1x16xi32> to vector<16xi32>
      %swap3A_494 = vector.shape_cast %shift_right_logical3A_488 : vector<16xi32> to vector<1x16xi32>
      tpu.vector_store %arg10[%swap3A_490, %swap3A_491], %swap3A_494 {strides = array<i32>} : memref<2x128xi32, #tpu.memory_space<vmem>>, vector<1x16xi32>,
      %get3A_495 = arith.index_cast %add3A_404 : i32 to index
      %get3A_496 = arith.constant 80 : index
      %get3A_497 = tpu.vector_load %arg8[%get3A_495, %get3A_496] {strides = array<i32>} : memref<81x128xi32, #tpu.memory_space<vmem>>, vector<1x16xi32>,
      %get3A_498 = vector.shape_cast %get3A_497 : vector<1x16xi32> to vector<16xi32>
      %and3A_499 = arith.andi %get3A_498, %broadcast_in_dim3A_67 : vector<16xi32>
      %swap3A_500 = arith.constant 0 : i32
      %swap3A_501 = arith.index_cast %swap3A_500 : i32 to index
      %swap3A_502 = arith.constant 80 : index
      %swap3A_503 = tpu.vector_load %arg9[%swap3A_501, %swap3A_502] {strides = array<i32>} : memref<2x128xi32, #tpu.memory_space<vmem>>, vector<1x16xi32>,
      %swap3A_504 = vector.shape_cast %swap3A_503 : vector<1x16xi32> to vector<16xi32>
      %swap3A_505 = vector.shape_cast %and3A_499 : vector<16xi32> to vector<1x16xi32>
      tpu.vector_store %arg9[%swap3A_501, %swap3A_502], %swap3A_505 {strides = array<i32>} : memref<2x128xi32, #tpu.memory_space<vmem>>, vector<1x16xi32>,
      %shift_right_logical3A_506 = arith.shrui %get3A_498, %broadcast_in_dim3A_69 : vector<16xi32>
      %swap3A_507 = arith.constant 0 : i32
      %swap3A_508 = arith.index_cast %swap3A_507 : i32 to index
      %swap3A_509 = arith.constant 80 : index
      %swap3A_510 = tpu.vector_load %arg10[%swap3A_508, %swap3A_509] {strides = array<i32>} : memref<2x128xi32, #tpu.memory_space<vmem>>, vector<1x16xi32>,
      %swap3A_511 = vector.shape_cast %swap3A_510 : vector<1x16xi32> to vector<16xi32>
      %swap3A_512 = vector.shape_cast %shift_right_logical3A_506 : vector<16xi32> to vector<1x16xi32>
      tpu.vector_store %arg10[%swap3A_508, %swap3A_509], %swap3A_512 {strides = array<i32>} : memref<2x128xi32, #tpu.memory_space<vmem>>, vector<1x16xi32>,
      %get3A_513 = arith.index_cast %add3A_404 : i32 to index
      %get3A_514 = arith.constant 96 : index
      %get3A_515 = tpu.vector_load %arg8[%get3A_513, %get3A_514] {strides = array<i32>} : memref<81x128xi32, #tpu.memory_space<vmem>>, vector<1x16xi32>,
      %get3A_516 = vector.shape_cast %get3A_515 : vector<1x16xi32> to vector<16xi32>
      %and3A_517 = arith.andi %get3A_516, %broadcast_in_dim3A_67 : vector<16xi32>
      %swap3A_518 = arith.constant 0 : i32
      %swap3A_519 = arith.index_cast %swap3A_518 : i32 to index
      %swap3A_520 = arith.constant 96 : index
      %swap3A_521 = tpu.vector_load %arg9[%swap3A_519, %swap3A_520] {strides = array<i32>} : memref<2x128xi32, #tpu.memory_space<vmem>>, vector<1x16xi32>,
      %swap3A_522 = vector.shape_cast %swap3A_521 : vector<1x16xi32> to vector<16xi32>
      %swap3A_523 = vector.shape_cast %and3A_517 : vector<16xi32> to vector<1x16xi32>
      tpu.vector_store %arg9[%swap3A_519, %swap3A_520], %swap3A_523 {strides = array<i32>} : memref<2x128xi32, #tpu.memory_space<vmem>>, vector<1x16xi32>,
      %shift_right_logical3A_524 = arith.shrui %get3A_516, %broadcast_in_dim3A_69 : vector<16xi32>
      %swap3A_525 = arith.constant 0 : i32
      %swap3A_526 = arith.index_cast %swap3A_525 : i32 to index
      %swap3A_527 = arith.constant 96 : index
      %swap3A_528 = tpu.vector_load %arg10[%swap3A_526, %swap3A_527] {strides = array<i32>} : memref<2x128xi32, #tpu.memory_space<vmem>>, vector<1x16xi32>,
      %swap3A_529 = vector.shape_cast %swap3A_528 : vector<1x16xi32> to vector<16xi32>
      %swap3A_530 = vector.shape_cast %shift_right_logical3A_524 : vector<16xi32> to vector<1x16xi32>
      tpu.vector_store %arg10[%swap3A_526, %swap3A_527], %swap3A_530 {strides = array<i32>} : memref<2x128xi32, #tpu.memory_space<vmem>>, vector<1x16xi32>,
      %get3A_531 = arith.index_cast %add3A_404 : i32 to index
      %get3A_532 = arith.constant 112 : index
      %get3A_533 = tpu.vector_load %arg8[%get3A_531, %get3A_532] {strides = array<i32>} : memref<81x128xi32, #tpu.memory_space<vmem>>, vector<1x16xi32>,
      %get3A_534 = vector.shape_cast %get3A_533 : vector<1x16xi32> to vector<16xi32>
      %and3A_535 = arith.andi %get3A_534, %broadcast_in_dim3A_67 : vector<16xi32>
      %swap3A_536 = arith.constant 0 : i32
      %swap3A_537 = arith.index_cast %swap3A_536 : i32 to index
      %swap3A_538 = arith.constant 112 : index
      %swap3A_539 = tpu.vector_load %arg9[%swap3A_537, %swap3A_538] {strides = array<i32>} : memref<2x128xi32, #tpu.memory_space<vmem>>, vector<1x16xi32>,
      %swap3A_540 = vector.shape_cast %swap3A_539 : vector<1x16xi32> to vector<16xi32>
      %swap3A_541 = vector.shape_cast %and3A_535 : vector<16xi32> to vector<1x16xi32>
      tpu.vector_store %arg9[%swap3A_537, %swap3A_538], %swap3A_541 {strides = array<i32>} : memref<2x128xi32, #tpu.memory_space<vmem>>, vector<1x16xi32>,
      %shift_right_logical3A_542 = arith.shrui %get3A_534, %broadcast_in_dim3A_69 : vector<16xi32>
      %swap3A_543 = arith.constant 0 : i32
      %swap3A_544 = arith.index_cast %swap3A_543 : i32 to index
      %swap3A_545 = arith.constant 112 : index
      %swap3A_546 = tpu.vector_load %arg10[%swap3A_544, %swap3A_545] {strides = array<i32>} : memref<2x128xi32, #tpu.memory_space<vmem>>, vector<1x16xi32>,
      %swap3A_547 = vector.shape_cast %swap3A_546 : vector<1x16xi32> to vector<16xi32>
      %swap3A_548 = vector.shape_cast %shift_right_logical3A_542 : vector<16xi32> to vector<1x16xi32>
      tpu.vector_store %arg10[%swap3A_544, %swap3A_545], %swap3A_548 {strides = array<i32>} : memref<2x128xi32, #tpu.memory_space<vmem>>, vector<1x16xi32>,
      %dma_start3A_549 = arith.constant 0 : i32
      %dma_start3A_550 = arith.constant 0 : i32
      %dma_start3A_551 = tpu.memref_slice %arg9[%dma_start3A_549, %dma_start3A_550] : memref<2x128xi32, #tpu.memory_space<vmem>> -> memref<1x128xi32, #tpu.memory_space<vmem>>
      %dma_start3A_552 = tpu.memref_squeeze %dma_start3A_551 : memref<1x128xi32, #tpu.memory_space<vmem>> -> memref<128xi32, #tpu.memory_space<vmem>>
      %dma_start3A_553 = arith.constant 0 : i32
      %dma_start3A_554 = arith.constant 0 : i32
      %dma_start3A_555 = tpu.memref_slice %arg2[%dma_start3A_553, %dma_start3A_554] : memref<10000x128xf32, #tpu.memory_space<hbm>> -> memref<10000x128xf32, #tpu.memory_space<hbm>>
      tpu.enqueue_indirect_dma source(%dma_start3A_555 : memref<10000x128xf32, #tpu.memory_space<hbm>>) target(%arg11 : memref<128x128xf32, #tpu.memory_space<vmem>>) offsets(%dma_start3A_552 : memref<128xi32, #tpu.memory_space<vmem>>) semaphore(%arg14 : memref<!tpu.dma_semaphore, #tpu.memory_space<semaphore_mem>>)
      %dma_wait3A_556 = arith.constant 1 : i32
      %dma_wait3A_557 = arith.constant 0 : i32
      %dma_wait3A_558 = tpu.memref_slice %arg9[%dma_wait3A_556, %dma_wait3A_557] : memref<2x128xi32, #tpu.memory_space<vmem>> -> memref<1x128xi32, #tpu.memory_space<vmem>>
      %dma_wait3A_559 = tpu.memref_squeeze %dma_wait3A_558 : memref<1x128xi32, #tpu.memory_space<vmem>> -> memref<128xi32, #tpu.memory_space<vmem>>
      %dma_wait3A_560 = arith.constant 0 : i32
      %dma_wait3A_561 = arith.constant 0 : i32
      %dma_wait3A_562 = tpu.memref_slice %arg2[%dma_wait3A_560, %dma_wait3A_561] : memref<10000x128xf32, #tpu.memory_space<hbm>> -> memref<10000x128xf32, #tpu.memory_space<hbm>>
      tpu.wait_indirect_dma semaphore(%arg15 : memref<!tpu.dma_semaphore, #tpu.memory_space<semaphore_mem>>) src(%dma_wait3A_562 : memref<10000x128xf32, #tpu.memory_space<hbm>>) dst(%arg12 : memref<128x128xf32, #tpu.memory_space<vmem>>)
      %run_scoped3A_563 = arith.constant 1 : i32
      "tpu.region"() ({
        %run_scoped3A_565 = tpu.sem_alloc : memref<!tpu.dma_semaphore, #tpu.memory_space<semaphore_mem>>
        %dma_start3A_566 = arith.constant 0 : i32
        %dma_start3A_567 = tpu.memref_slice %arg10[%run_scoped3A_563, %dma_start3A_566] : memref<2x128xi32, #tpu.memory_space<vmem>> -> memref<1x128xi32, #tpu.memory_space<vmem>>
        %dma_start3A_568 = tpu.memref_squeeze %dma_start3A_567 : memref<1x128xi32, #tpu.memory_space<vmem>> -> memref<128xi32, #tpu.memory_space<vmem>>
        %dma_start3A_569 = arith.constant 0 : i32
        %dma_start3A_570 = arith.constant 0 : i32
        %dma_start3A_571 = tpu.memref_slice %arg6[%dma_start3A_569, %dma_start3A_570] : memref<10240x128xf32, #tpu.memory_space<vmem_shared>> -> memref<10240x128xf32, #tpu.memory_space<vmem_shared>>
        tpu.enqueue_indirect_dma source(%arg12 : memref<128x128xf32, #tpu.memory_space<vmem>>) target(%dma_start3A_571 : memref<10240x128xf32, #tpu.memory_space<vmem_shared>>) offsets(%dma_start3A_568 : memref<128xi32, #tpu.memory_space<vmem>>) semaphore(%run_scoped3A_565 : memref<!tpu.dma_semaphore, #tpu.memory_space<semaphore_mem>>) {add = true}
        %dma_wait3A_572 = arith.constant 0 : i32
        %dma_wait3A_573 = tpu.memref_slice %arg10[%run_scoped3A_563, %dma_wait3A_572] : memref<2x128xi32, #tpu.memory_space<vmem>> -> memref<1x128xi32, #tpu.memory_space<vmem>>
        %dma_wait3A_574 = tpu.memref_squeeze %dma_wait3A_573 : memref<1x128xi32, #tpu.memory_space<vmem>> -> memref<128xi32, #tpu.memory_space<vmem>>
        %dma_wait3A_575 = arith.constant 0 : i32
        %dma_wait3A_576 = arith.constant 0 : i32
        %dma_wait3A_577 = tpu.memref_slice %arg6[%dma_wait3A_575, %dma_wait3A_576] : memref<10240x128xf32, #tpu.memory_space<vmem_shared>> -> memref<10240x128xf32, #tpu.memory_space<vmem_shared>>
        tpu.wait_indirect_dma semaphore(%run_scoped3A_565 : memref<!tpu.dma_semaphore, #tpu.memory_space<semaphore_mem>>) src(%arg12 : memref<128x128xf32, #tpu.memory_space<vmem>>) dst(%dma_wait3A_577 : memref<10240x128xf32, #tpu.memory_space<vmem_shared>>)
        tpu.yield
      }) : () -> ()
      %run_scoped3A_564 = arith.constant 1 : i32
      "tpu.region"() ({
        %run_scoped3A_565 = tpu.sem_alloc : memref<!tpu.dma_semaphore, #tpu.memory_space<semaphore_mem>>
        %dma_start3A_566 = arith.constant 0 : i32
        %dma_start3A_567 = tpu.memref_slice %arg10[%run_scoped3A_564, %dma_start3A_566] : memref<2x128xi32, #tpu.memory_space<vmem>> -> memref<1x128xi32, #tpu.memory_space<vmem>>
        %dma_start3A_568 = tpu.memref_squeeze %dma_start3A_567 : memref<1x128xi32, #tpu.memory_space<vmem>> -> memref<128xi32, #tpu.memory_space<vmem>>
        %dma_start3A_569 = arith.constant 0 : i32
        %dma_start3A_570 = tpu.memref_slice %arg7[%dma_start3A_569] : memref<10240xf32, #tpu.memory_space<vmem_shared>> -> memref<10240xf32, #tpu.memory_space<vmem_shared>>
        tpu.enqueue_indirect_dma source(%arg13 : memref<128xf32, #tpu.memory_space<vmem>>) target(%dma_start3A_570 : memref<10240xf32, #tpu.memory_space<vmem_shared>>) offsets(%dma_start3A_568 : memref<128xi32, #tpu.memory_space<vmem>>) semaphore(%run_scoped3A_565 : memref<!tpu.dma_semaphore, #tpu.memory_space<semaphore_mem>>) {add = true}
        %dma_wait3A_571 = arith.constant 0 : i32
        %dma_wait3A_572 = tpu.memref_slice %arg10[%run_scoped3A_564, %dma_wait3A_571] : memref<2x128xi32, #tpu.memory_space<vmem>> -> memref<1x128xi32, #tpu.memory_space<vmem>>
        %dma_wait3A_573 = tpu.memref_squeeze %dma_wait3A_572 : memref<1x128xi32, #tpu.memory_space<vmem>> -> memref<128xi32, #tpu.memory_space<vmem>>
        %dma_wait3A_574 = arith.constant 0 : i32
        %dma_wait3A_575 = tpu.memref_slice %arg7[%dma_wait3A_574] : memref<10240xf32, #tpu.memory_space<vmem_shared>> -> memref<10240xf32, #tpu.memory_space<vmem_shared>>
        tpu.wait_indirect_dma semaphore(%run_scoped3A_565 : memref<!tpu.dma_semaphore, #tpu.memory_space<semaphore_mem>>) src(%arg13 : memref<128xf32, #tpu.memory_space<vmem>>) dst(%dma_wait3A_575 : memref<10240xf32, #tpu.memory_space<vmem_shared>>)
        tpu.yield
      }) : () -> ()
    }
    %scan3A_230 = arith.constant 40 : i32
    %dma_wait3A = arith.constant 0 : i32
    %dma_wait3A_231 = arith.constant 0 : i32
    %dma_wait3A_232 = tpu.memref_slice %arg9[%dma_wait3A, %dma_wait3A_231] : memref<2x128xi32, #tpu.memory_space<vmem>> -> memref<1x128xi32, #tpu.memory_space<vmem>>
    %dma_wait3A_233 = tpu.memref_squeeze %dma_wait3A_232 : memref<1x128xi32, #tpu.memory_space<vmem>> -> memref<128xi32, #tpu.memory_space<vmem>>
    %dma_wait3A_234 = arith.constant 0 : i32
    %dma_wait3A_235 = arith.constant 0 : i32
    %dma_wait3A_236 = tpu.memref_slice %arg2[%dma_wait3A_234, %dma_wait3A_235] : memref<10000x128xf32, #tpu.memory_space<hbm>> -> memref<10000x128xf32, #tpu.memory_space<hbm>>
    tpu.wait_indirect_dma semaphore(%arg14 : memref<!tpu.dma_semaphore, #tpu.memory_space<semaphore_mem>>) src(%dma_wait3A_236 : memref<10000x128xf32, #tpu.memory_space<hbm>>) dst(%arg11 : memref<128x128xf32, #tpu.memory_space<vmem>>)
    %barrier3A_237 = arith.constant 0 : index
    tpu.barrier barrier_id(%barrier3A_237)
    "tpu.region"() ({
      %run_scoped3A_238 = tpu.sem_alloc : memref<!tpu.dma_semaphore, #tpu.memory_space<semaphore_mem>>
      %dma_start3A_239 = arith.constant 0 : i32
      %dma_start3A_240 = tpu.memref_slice %arg4[%arg0, %mul3A_41, %dma_start3A_239] : memref<2x10240x128xf32, #tpu.memory_space<hbm>> -> memref<1x640x128xf32, #tpu.memory_space<hbm>>
      %dma_start3A_241 = tpu.memref_squeeze %dma_start3A_240 : memref<1x640x128xf32, #tpu.memory_space<hbm>> -> memref<640x128xf32, #tpu.memory_space<hbm>>
      %dma_start3A_242 = arith.constant 0 : i32
      %dma_start3A_243 = tpu.memref_slice %arg6[%mul3A_41, %dma_start3A_242] : memref<10240x128xf32, #tpu.memory_space<vmem_shared>> -> memref<640x128xf32, #tpu.memory_space<vmem_shared>>
      tpu.enqueue_dma source(%dma_start3A_243 : memref<640x128xf32, #tpu.memory_space<vmem_shared>>) target(%dma_start3A_241 : memref<640x128xf32, #tpu.memory_space<hbm>>) target_semaphore(%run_scoped3A_238 : memref<!tpu.dma_semaphore, #tpu.memory_space<semaphore_mem>>)
      %dma_wait3A_244 = arith.constant 0 : i32
      %dma_wait3A_245 = tpu.memref_slice %arg4[%arg0, %mul3A_41, %dma_wait3A_244] : memref<2x10240x128xf32, #tpu.memory_space<hbm>> -> memref<1x640x128xf32, #tpu.memory_space<hbm>>
      %dma_wait3A_246 = tpu.memref_squeeze %dma_wait3A_245 : memref<1x640x128xf32, #tpu.memory_space<hbm>> -> memref<640x128xf32, #tpu.memory_space<hbm>>
      %dma_wait3A_247 = arith.constant 0 : i32
      %dma_wait3A_248 = tpu.memref_slice %arg6[%mul3A_41, %dma_wait3A_247] : memref<10240x128xf32, #tpu.memory_space<vmem_shared>> -> memref<640x128xf32, #tpu.memory_space<vmem_shared>>
      tpu.wait_dma2 semaphore(%run_scoped3A_238 : memref<!tpu.dma_semaphore, #tpu.memory_space<semaphore_mem>>) src(%dma_wait3A_248 : memref<640x128xf32, #tpu.memory_space<vmem_shared>>) dst(%dma_wait3A_246 : memref<640x128xf32, #tpu.memory_space<hbm>>)
      tpu.yield
    }) : () -> ()
    "tpu.region"() ({
      %run_scoped3A_238 = tpu.sem_alloc : memref<!tpu.dma_semaphore, #tpu.memory_space<semaphore_mem>>
      %dma_start3A_239 = tpu.memref_slice %arg5[%arg0, %mul3A_41] : memref<2x10240xf32, #tpu.memory_space<hbm>> -> memref<1x640xf32, #tpu.memory_space<hbm>>
      %dma_start3A_240 = tpu.memref_squeeze %dma_start3A_239 : memref<1x640xf32, #tpu.memory_space<hbm>> -> memref<640xf32, #tpu.memory_space<hbm>>
      %dma_start3A_241 = tpu.memref_slice %arg7[%mul3A_41] : memref<10240xf32, #tpu.memory_space<vmem_shared>> -> memref<640xf32, #tpu.memory_space<vmem_shared>>
      tpu.enqueue_dma source(%dma_start3A_241 : memref<640xf32, #tpu.memory_space<vmem_shared>>) target(%dma_start3A_240 : memref<640xf32, #tpu.memory_space<hbm>>) target_semaphore(%run_scoped3A_238 : memref<!tpu.dma_semaphore, #tpu.memory_space<semaphore_mem>>)
      %dma_wait3A_242 = tpu.memref_slice %arg5[%arg0, %mul3A_41] : memref<2x10240xf32, #tpu.memory_space<hbm>> -> memref<1x640xf32, #tpu.memory_space<hbm>>
      %dma_wait3A_243 = tpu.memref_squeeze %dma_wait3A_242 : memref<1x640xf32, #tpu.memory_space<hbm>> -> memref<640xf32, #tpu.memory_space<hbm>>
      %dma_wait3A_244 = tpu.memref_slice %arg7[%mul3A_41] : memref<10240xf32, #tpu.memory_space<vmem_shared>> -> memref<640xf32, #tpu.memory_space<vmem_shared>>
      tpu.wait_dma2 semaphore(%run_scoped3A_238 : memref<!tpu.dma_semaphore, #tpu.memory_space<semaphore_mem>>) src(%dma_wait3A_244 : memref<640xf32, #tpu.memory_space<vmem_shared>>) dst(%dma_wait3A_243 : memref<640xf32, #tpu.memory_space<hbm>>)
      tpu.yield
    }) : () -> ()
    return
  }
}

#map = affine_map<(d0, d1) -> (0, 0)>
#map1 = affine_map<(d0, d1) -> (0, 0, 0)>
module attributes {stable_mosaic.version = 14 : i64} {
  func.func @sc_agg_deg0(%arg0: i32, %arg1: i32, %arg2: memref<10000x128xf32, #tpu.memory_space<hbm>>, %arg3: memref<32x81x128xi32, #tpu.memory_space<hbm>>, %arg4: memref<2x10240x128xf32, #tpu.memory_space<hbm>>, %arg5: memref<10240x128xf32, #tpu.memory_space<vmem_shared>>, %arg6: memref<81x128xi32, #tpu.memory_space<vmem>>, %arg7: memref<2x128xi32, #tpu.memory_space<vmem>>, %arg8: memref<2x128xi32, #tpu.memory_space<vmem>>, %arg9: memref<128x128xf32, #tpu.memory_space<vmem>>, %arg10: memref<128x128xf32, #tpu.memory_space<vmem>>, %arg11: memref<!tpu.dma_semaphore, #tpu.memory_space<semaphore_mem>>, %arg12: memref<!tpu.dma_semaphore, #tpu.memory_space<semaphore_mem>>) attributes {dimension_semantics = [#tpu.dimension_semantics<core_parallel>, #tpu.dimension_semantics<subcore_parallel>], iteration_bounds = array<i64: 2, 16>, scalar_prefetch = 0 : i64, scratch_operands = 8 : i64, tpu.core_type = #tpu.core_type<sc_vector_subcore>, window_params = [{transform_indices = #map}, {transform_indices = #map1}, {transform_indices = #map1}]} {
    %mul3A = arith.constant 16 : i32
    %mul3A_0 = arith.muli %arg0, %mul3A : i32
    %add3A = arith.addi %mul3A_0, %arg1 : i32
    "tpu.region"() ({
      %run_scoped3A = tpu.sem_alloc : memref<!tpu.dma_semaphore, #tpu.memory_space<semaphore_mem>>
      %dma_start3A_190 = arith.constant 0 : i32
      %dma_start3A_191 = arith.constant 0 : i32
      %dma_start3A_192 = tpu.memref_slice %arg3[%add3A, %dma_start3A_190, %dma_start3A_191] : memref<32x81x128xi32, #tpu.memory_space<hbm>> -> memref<1x81x128xi32, #tpu.memory_space<hbm>>
      %dma_start3A_193 = tpu.memref_squeeze %dma_start3A_192 : memref<1x81x128xi32, #tpu.memory_space<hbm>> -> memref<81x128xi32, #tpu.memory_space<hbm>>
      %dma_start3A_194 = arith.constant 0 : i32
      %dma_start3A_195 = arith.constant 0 : i32
      %dma_start3A_196 = tpu.memref_slice %arg3[%add3A, %dma_start3A_194, %dma_start3A_195] : memref<32x81x128xi32, #tpu.memory_space<hbm>> -> memref<1x81x128xi32, #tpu.memory_space<hbm>>
      %dma_start3A_197 = tpu.memref_squeeze %dma_start3A_196 : memref<1x81x128xi32, #tpu.memory_space<hbm>> -> memref<81x128xi32, #tpu.memory_space<hbm>>
      tpu.enqueue_dma source(%dma_start3A_197 : memref<81x128xi32, #tpu.memory_space<hbm>>) target(%arg6 : memref<81x128xi32, #tpu.memory_space<vmem>>) target_semaphore(%run_scoped3A : memref<!tpu.dma_semaphore, #tpu.memory_space<semaphore_mem>>)
      %dma_wait3A_198 = arith.constant 0 : i32
      %dma_wait3A_199 = arith.constant 0 : i32
      %dma_wait3A_200 = tpu.memref_slice %arg3[%add3A, %dma_wait3A_198, %dma_wait3A_199] : memref<32x81x128xi32, #tpu.memory_space<hbm>> -> memref<1x81x128xi32, #tpu.memory_space<hbm>>
      %dma_wait3A_201 = tpu.memref_squeeze %dma_wait3A_200 : memref<1x81x128xi32, #tpu.memory_space<hbm>> -> memref<81x128xi32, #tpu.memory_space<hbm>>
      %dma_wait3A_202 = arith.constant 0 : i32
      %dma_wait3A_203 = arith.constant 0 : i32
      %dma_wait3A_204 = tpu.memref_slice %arg3[%add3A, %dma_wait3A_202, %dma_wait3A_203] : memref<32x81x128xi32, #tpu.memory_space<hbm>> -> memref<1x81x128xi32, #tpu.memory_space<hbm>>
      %dma_wait3A_205 = tpu.memref_squeeze %dma_wait3A_204 : memref<1x81x128xi32, #tpu.memory_space<hbm>> -> memref<81x128xi32, #tpu.memory_space<hbm>>
      tpu.wait_dma2 semaphore(%run_scoped3A : memref<!tpu.dma_semaphore, #tpu.memory_space<semaphore_mem>>) src(%dma_wait3A_205 : memref<81x128xi32, #tpu.memory_space<hbm>>) dst(%arg6 : memref<81x128xi32, #tpu.memory_space<vmem>>)
      tpu.yield
    }) : () -> ()
    %broadcast_in_dim3A = arith.constant 0.000000e+00 : f32
    %broadcast_in_dim3A_1 = vector.broadcast %broadcast_in_dim3A : f32 to vector<16xf32>
    %scan3A = arith.constant 0 : i32
    %scan3A_2 = arith.constant 0 : i32
    %scan3A_3 = arith.constant 128 : i32
    %scan3A_4 = arith.addi %scan3A_2, %scan3A_3 : i32
    %scan3A_5 = arith.constant 1 : i32
    scf.for %scan3A_190 = %scan3A_2 to %scan3A_4 step %scan3A_5  : i32 {
      %swap3A_191 = arith.index_cast %scan3A_190 : i32 to index
      %swap3A_192 = arith.constant 0 : index
      %swap3A_193 = tpu.vector_load %arg9[%swap3A_191, %swap3A_192] {strides = array<i32>} : memref<128x128xf32, #tpu.memory_space<vmem>>, vector<1x16xf32>,
      %swap3A_194 = vector.shape_cast %swap3A_193 : vector<1x16xf32> to vector<16xf32>
      %swap3A_195 = vector.shape_cast %broadcast_in_dim3A_1 : vector<16xf32> to vector<1x16xf32>
      tpu.vector_store %arg9[%swap3A_191, %swap3A_192], %swap3A_195 {strides = array<i32>} : memref<128x128xf32, #tpu.memory_space<vmem>>, vector<1x16xf32>,
      %swap3A_196 = arith.index_cast %scan3A_190 : i32 to index
      %swap3A_197 = arith.constant 16 : index
      %swap3A_198 = tpu.vector_load %arg9[%swap3A_196, %swap3A_197] {strides = array<i32>} : memref<128x128xf32, #tpu.memory_space<vmem>>, vector<1x16xf32>,
      %swap3A_199 = vector.shape_cast %swap3A_198 : vector<1x16xf32> to vector<16xf32>
      %swap3A_200 = vector.shape_cast %broadcast_in_dim3A_1 : vector<16xf32> to vector<1x16xf32>
      tpu.vector_store %arg9[%swap3A_196, %swap3A_197], %swap3A_200 {strides = array<i32>} : memref<128x128xf32, #tpu.memory_space<vmem>>, vector<1x16xf32>,
      %swap3A_201 = arith.index_cast %scan3A_190 : i32 to index
      %swap3A_202 = arith.constant 32 : index
      %swap3A_203 = tpu.vector_load %arg9[%swap3A_201, %swap3A_202] {strides = array<i32>} : memref<128x128xf32, #tpu.memory_space<vmem>>, vector<1x16xf32>,
      %swap3A_204 = vector.shape_cast %swap3A_203 : vector<1x16xf32> to vector<16xf32>
      %swap3A_205 = vector.shape_cast %broadcast_in_dim3A_1 : vector<16xf32> to vector<1x16xf32>
      tpu.vector_store %arg9[%swap3A_201, %swap3A_202], %swap3A_205 {strides = array<i32>} : memref<128x128xf32, #tpu.memory_space<vmem>>, vector<1x16xf32>,
      %swap3A_206 = arith.index_cast %scan3A_190 : i32 to index
      %swap3A_207 = arith.constant 48 : index
      %swap3A_208 = tpu.vector_load %arg9[%swap3A_206, %swap3A_207] {strides = array<i32>} : memref<128x128xf32, #tpu.memory_space<vmem>>, vector<1x16xf32>,
      %swap3A_209 = vector.shape_cast %swap3A_208 : vector<1x16xf32> to vector<16xf32>
      %swap3A_210 = vector.shape_cast %broadcast_in_dim3A_1 : vector<16xf32> to vector<1x16xf32>
      tpu.vector_store %arg9[%swap3A_206, %swap3A_207], %swap3A_210 {strides = array<i32>} : memref<128x128xf32, #tpu.memory_space<vmem>>, vector<1x16xf32>,
      %swap3A_211 = arith.index_cast %scan3A_190 : i32 to index
      %swap3A_212 = arith.constant 64 : index
      %swap3A_213 = tpu.vector_load %arg9[%swap3A_211, %swap3A_212] {strides = array<i32>} : memref<128x128xf32, #tpu.memory_space<vmem>>, vector<1x16xf32>,
      %swap3A_214 = vector.shape_cast %swap3A_213 : vector<1x16xf32> to vector<16xf32>
      %swap3A_215 = vector.shape_cast %broadcast_in_dim3A_1 : vector<16xf32> to vector<1x16xf32>
      tpu.vector_store %arg9[%swap3A_211, %swap3A_212], %swap3A_215 {strides = array<i32>} : memref<128x128xf32, #tpu.memory_space<vmem>>, vector<1x16xf32>,
      %swap3A_216 = arith.index_cast %scan3A_190 : i32 to index
      %swap3A_217 = arith.constant 80 : index
      %swap3A_218 = tpu.vector_load %arg9[%swap3A_216, %swap3A_217] {strides = array<i32>} : memref<128x128xf32, #tpu.memory_space<vmem>>, vector<1x16xf32>,
      %swap3A_219 = vector.shape_cast %swap3A_218 : vector<1x16xf32> to vector<16xf32>
      %swap3A_220 = vector.shape_cast %broadcast_in_dim3A_1 : vector<16xf32> to vector<1x16xf32>
      tpu.vector_store %arg9[%swap3A_216, %swap3A_217], %swap3A_220 {strides = array<i32>} : memref<128x128xf32, #tpu.memory_space<vmem>>, vector<1x16xf32>,
      %swap3A_221 = arith.index_cast %scan3A_190 : i32 to index
      %swap3A_222 = arith.constant 96 : index
      %swap3A_223 = tpu.vector_load %arg9[%swap3A_221, %swap3A_222] {strides = array<i32>} : memref<128x128xf32, #tpu.memory_space<vmem>>, vector<1x16xf32>,
      %swap3A_224 = vector.shape_cast %swap3A_223 : vector<1x16xf32> to vector<16xf32>
      %swap3A_225 = vector.shape_cast %broadcast_in_dim3A_1 : vector<16xf32> to vector<1x16xf32>
      tpu.vector_store %arg9[%swap3A_221, %swap3A_222], %swap3A_225 {strides = array<i32>} : memref<128x128xf32, #tpu.memory_space<vmem>>, vector<1x16xf32>,
      %swap3A_226 = arith.index_cast %scan3A_190 : i32 to index
      %swap3A_227 = arith.constant 112 : index
      %swap3A_228 = tpu.vector_load %arg9[%swap3A_226, %swap3A_227] {strides = array<i32>} : memref<128x128xf32, #tpu.memory_space<vmem>>, vector<1x16xf32>,
      %swap3A_229 = vector.shape_cast %swap3A_228 : vector<1x16xf32> to vector<16xf32>
      %swap3A_230 = vector.shape_cast %broadcast_in_dim3A_1 : vector<16xf32> to vector<1x16xf32>
      tpu.vector_store %arg9[%swap3A_226, %swap3A_227], %swap3A_230 {strides = array<i32>} : memref<128x128xf32, #tpu.memory_space<vmem>>, vector<1x16xf32>,
    }
    %scan3A_6 = arith.constant 128 : i32
    %mul3A_7 = arith.constant 640 : i32
    %mul3A_8 = arith.muli %arg1, %mul3A_7 : i32
    %add3A_9 = arith.constant 0 : i32
    %add3A_10 = arith.addi %mul3A_8, %add3A_9 : i32
    "tpu.region"() ({
      %run_scoped3A = tpu.sem_alloc : memref<!tpu.dma_semaphore, #tpu.memory_space<semaphore_mem>>
      %dma_start3A_190 = arith.constant 0 : i32
      %dma_start3A_191 = tpu.memref_slice %arg5[%add3A_10, %dma_start3A_190] : memref<10240x128xf32, #tpu.memory_space<vmem_shared>> -> memref<128x128xf32, #tpu.memory_space<vmem_shared>>
      %dma_start3A_192 = arith.constant 0 : i32
      %dma_start3A_193 = tpu.memref_slice %arg5[%add3A_10, %dma_start3A_192] : memref<10240x128xf32, #tpu.memory_space<vmem_shared>> -> memref<128x128xf32, #tpu.memory_space<vmem_shared>>
      tpu.enqueue_dma source(%arg9 : memref<128x128xf32, #tpu.memory_space<vmem>>) target(%dma_start3A_193 : memref<128x128xf32, #tpu.memory_space<vmem_shared>>) target_semaphore(%run_scoped3A : memref<!tpu.dma_semaphore, #tpu.memory_space<semaphore_mem>>)
      %dma_wait3A_194 = arith.constant 0 : i32
      %dma_wait3A_195 = tpu.memref_slice %arg5[%add3A_10, %dma_wait3A_194] : memref<10240x128xf32, #tpu.memory_space<vmem_shared>> -> memref<128x128xf32, #tpu.memory_space<vmem_shared>>
      %dma_wait3A_196 = arith.constant 0 : i32
      %dma_wait3A_197 = tpu.memref_slice %arg5[%add3A_10, %dma_wait3A_196] : memref<10240x128xf32, #tpu.memory_space<vmem_shared>> -> memref<128x128xf32, #tpu.memory_space<vmem_shared>>
      tpu.wait_dma2 semaphore(%run_scoped3A : memref<!tpu.dma_semaphore, #tpu.memory_space<semaphore_mem>>) src(%arg9 : memref<128x128xf32, #tpu.memory_space<vmem>>) dst(%dma_wait3A_197 : memref<128x128xf32, #tpu.memory_space<vmem_shared>>)
      tpu.yield
    }) : () -> ()
    %add3A_11 = arith.constant 128 : i32
    %add3A_12 = arith.addi %mul3A_8, %add3A_11 : i32
    "tpu.region"() ({
      %run_scoped3A = tpu.sem_alloc : memref<!tpu.dma_semaphore, #tpu.memory_space<semaphore_mem>>
      %dma_start3A_190 = arith.constant 0 : i32
      %dma_start3A_191 = tpu.memref_slice %arg5[%add3A_12, %dma_start3A_190] : memref<10240x128xf32, #tpu.memory_space<vmem_shared>> -> memref<128x128xf32, #tpu.memory_space<vmem_shared>>
      %dma_start3A_192 = arith.constant 0 : i32
      %dma_start3A_193 = tpu.memref_slice %arg5[%add3A_12, %dma_start3A_192] : memref<10240x128xf32, #tpu.memory_space<vmem_shared>> -> memref<128x128xf32, #tpu.memory_space<vmem_shared>>
      tpu.enqueue_dma source(%arg9 : memref<128x128xf32, #tpu.memory_space<vmem>>) target(%dma_start3A_193 : memref<128x128xf32, #tpu.memory_space<vmem_shared>>) target_semaphore(%run_scoped3A : memref<!tpu.dma_semaphore, #tpu.memory_space<semaphore_mem>>)
      %dma_wait3A_194 = arith.constant 0 : i32
      %dma_wait3A_195 = tpu.memref_slice %arg5[%add3A_12, %dma_wait3A_194] : memref<10240x128xf32, #tpu.memory_space<vmem_shared>> -> memref<128x128xf32, #tpu.memory_space<vmem_shared>>
      %dma_wait3A_196 = arith.constant 0 : i32
      %dma_wait3A_197 = tpu.memref_slice %arg5[%add3A_12, %dma_wait3A_196] : memref<10240x128xf32, #tpu.memory_space<vmem_shared>> -> memref<128x128xf32, #tpu.memory_space<vmem_shared>>
      tpu.wait_dma2 semaphore(%run_scoped3A : memref<!tpu.dma_semaphore, #tpu.memory_space<semaphore_mem>>) src(%arg9 : memref<128x128xf32, #tpu.memory_space<vmem>>) dst(%dma_wait3A_197 : memref<128x128xf32, #tpu.memory_space<vmem_shared>>)
      tpu.yield
    }) : () -> ()
    %add3A_13 = arith.constant 256 : i32
    %add3A_14 = arith.addi %mul3A_8, %add3A_13 : i32
    "tpu.region"() ({
      %run_scoped3A = tpu.sem_alloc : memref<!tpu.dma_semaphore, #tpu.memory_space<semaphore_mem>>
      %dma_start3A_190 = arith.constant 0 : i32
      %dma_start3A_191 = tpu.memref_slice %arg5[%add3A_14, %dma_start3A_190] : memref<10240x128xf32, #tpu.memory_space<vmem_shared>> -> memref<128x128xf32, #tpu.memory_space<vmem_shared>>
      %dma_start3A_192 = arith.constant 0 : i32
      %dma_start3A_193 = tpu.memref_slice %arg5[%add3A_14, %dma_start3A_192] : memref<10240x128xf32, #tpu.memory_space<vmem_shared>> -> memref<128x128xf32, #tpu.memory_space<vmem_shared>>
      tpu.enqueue_dma source(%arg9 : memref<128x128xf32, #tpu.memory_space<vmem>>) target(%dma_start3A_193 : memref<128x128xf32, #tpu.memory_space<vmem_shared>>) target_semaphore(%run_scoped3A : memref<!tpu.dma_semaphore, #tpu.memory_space<semaphore_mem>>)
      %dma_wait3A_194 = arith.constant 0 : i32
      %dma_wait3A_195 = tpu.memref_slice %arg5[%add3A_14, %dma_wait3A_194] : memref<10240x128xf32, #tpu.memory_space<vmem_shared>> -> memref<128x128xf32, #tpu.memory_space<vmem_shared>>
      %dma_wait3A_196 = arith.constant 0 : i32
      %dma_wait3A_197 = tpu.memref_slice %arg5[%add3A_14, %dma_wait3A_196] : memref<10240x128xf32, #tpu.memory_space<vmem_shared>> -> memref<128x128xf32, #tpu.memory_space<vmem_shared>>
      tpu.wait_dma2 semaphore(%run_scoped3A : memref<!tpu.dma_semaphore, #tpu.memory_space<semaphore_mem>>) src(%arg9 : memref<128x128xf32, #tpu.memory_space<vmem>>) dst(%dma_wait3A_197 : memref<128x128xf32, #tpu.memory_space<vmem_shared>>)
      tpu.yield
    }) : () -> ()
    %add3A_15 = arith.constant 384 : i32
    %add3A_16 = arith.addi %mul3A_8, %add3A_15 : i32
    "tpu.region"() ({
      %run_scoped3A = tpu.sem_alloc : memref<!tpu.dma_semaphore, #tpu.memory_space<semaphore_mem>>
      %dma_start3A_190 = arith.constant 0 : i32
      %dma_start3A_191 = tpu.memref_slice %arg5[%add3A_16, %dma_start3A_190] : memref<10240x128xf32, #tpu.memory_space<vmem_shared>> -> memref<128x128xf32, #tpu.memory_space<vmem_shared>>
      %dma_start3A_192 = arith.constant 0 : i32
      %dma_start3A_193 = tpu.memref_slice %arg5[%add3A_16, %dma_start3A_192] : memref<10240x128xf32, #tpu.memory_space<vmem_shared>> -> memref<128x128xf32, #tpu.memory_space<vmem_shared>>
      tpu.enqueue_dma source(%arg9 : memref<128x128xf32, #tpu.memory_space<vmem>>) target(%dma_start3A_193 : memref<128x128xf32, #tpu.memory_space<vmem_shared>>) target_semaphore(%run_scoped3A : memref<!tpu.dma_semaphore, #tpu.memory_space<semaphore_mem>>)
      %dma_wait3A_194 = arith.constant 0 : i32
      %dma_wait3A_195 = tpu.memref_slice %arg5[%add3A_16, %dma_wait3A_194] : memref<10240x128xf32, #tpu.memory_space<vmem_shared>> -> memref<128x128xf32, #tpu.memory_space<vmem_shared>>
      %dma_wait3A_196 = arith.constant 0 : i32
      %dma_wait3A_197 = tpu.memref_slice %arg5[%add3A_16, %dma_wait3A_196] : memref<10240x128xf32, #tpu.memory_space<vmem_shared>> -> memref<128x128xf32, #tpu.memory_space<vmem_shared>>
      tpu.wait_dma2 semaphore(%run_scoped3A : memref<!tpu.dma_semaphore, #tpu.memory_space<semaphore_mem>>) src(%arg9 : memref<128x128xf32, #tpu.memory_space<vmem>>) dst(%dma_wait3A_197 : memref<128x128xf32, #tpu.memory_space<vmem_shared>>)
      tpu.yield
    }) : () -> ()
    %add3A_17 = arith.constant 512 : i32
    %add3A_18 = arith.addi %mul3A_8, %add3A_17 : i32
    "tpu.region"() ({
      %run_scoped3A = tpu.sem_alloc : memref<!tpu.dma_semaphore, #tpu.memory_space<semaphore_mem>>
      %dma_start3A_190 = arith.constant 0 : i32
      %dma_start3A_191 = tpu.memref_slice %arg5[%add3A_18, %dma_start3A_190] : memref<10240x128xf32, #tpu.memory_space<vmem_shared>> -> memref<128x128xf32, #tpu.memory_space<vmem_shared>>
      %dma_start3A_192 = arith.constant 0 : i32
      %dma_start3A_193 = tpu.memref_slice %arg5[%add3A_18, %dma_start3A_192] : memref<10240x128xf32, #tpu.memory_space<vmem_shared>> -> memref<128x128xf32, #tpu.memory_space<vmem_shared>>
      tpu.enqueue_dma source(%arg9 : memref<128x128xf32, #tpu.memory_space<vmem>>) target(%dma_start3A_193 : memref<128x128xf32, #tpu.memory_space<vmem_shared>>) target_semaphore(%run_scoped3A : memref<!tpu.dma_semaphore, #tpu.memory_space<semaphore_mem>>)
      %dma_wait3A_194 = arith.constant 0 : i32
      %dma_wait3A_195 = tpu.memref_slice %arg5[%add3A_18, %dma_wait3A_194] : memref<10240x128xf32, #tpu.memory_space<vmem_shared>> -> memref<128x128xf32, #tpu.memory_space<vmem_shared>>
      %dma_wait3A_196 = arith.constant 0 : i32
      %dma_wait3A_197 = tpu.memref_slice %arg5[%add3A_18, %dma_wait3A_196] : memref<10240x128xf32, #tpu.memory_space<vmem_shared>> -> memref<128x128xf32, #tpu.memory_space<vmem_shared>>
      tpu.wait_dma2 semaphore(%run_scoped3A : memref<!tpu.dma_semaphore, #tpu.memory_space<semaphore_mem>>) src(%arg9 : memref<128x128xf32, #tpu.memory_space<vmem>>) dst(%dma_wait3A_197 : memref<128x128xf32, #tpu.memory_space<vmem_shared>>)
      tpu.yield
    }) : () -> ()
    %barrier3A = arith.constant 0 : index
    tpu.barrier barrier_id(%barrier3A)
    %broadcast_in_dim3A_19 = arith.constant 65535 : i32
    %broadcast_in_dim3A_20 = vector.broadcast %broadcast_in_dim3A_19 : i32 to vector<16xi32>
    %broadcast_in_dim3A_21 = arith.constant 16 : i32
    %broadcast_in_dim3A_22 = vector.broadcast %broadcast_in_dim3A_21 : i32 to vector<16xi32>
    %get3A = arith.constant 0 : i32
    %get3A_23 = arith.index_cast %get3A : i32 to index
    %get3A_24 = arith.constant 0 : index
    %get3A_25 = tpu.vector_load %arg6[%get3A_23, %get3A_24] {strides = array<i32>} : memref<81x128xi32, #tpu.memory_space<vmem>>, vector<1x16xi32>,
    %get3A_26 = vector.shape_cast %get3A_25 : vector<1x16xi32> to vector<16xi32>
    %and3A = arith.andi %get3A_26, %broadcast_in_dim3A_20 : vector<16xi32>
    %swap3A = arith.constant 0 : i32
    %swap3A_27 = arith.index_cast %swap3A : i32 to index
    %swap3A_28 = arith.constant 0 : index
    %swap3A_29 = tpu.vector_load %arg7[%swap3A_27, %swap3A_28] {strides = array<i32>} : memref<2x128xi32, #tpu.memory_space<vmem>>, vector<1x16xi32>,
    %swap3A_30 = vector.shape_cast %swap3A_29 : vector<1x16xi32> to vector<16xi32>
    %swap3A_31 = vector.shape_cast %and3A : vector<16xi32> to vector<1x16xi32>
    tpu.vector_store %arg7[%swap3A_27, %swap3A_28], %swap3A_31 {strides = array<i32>} : memref<2x128xi32, #tpu.memory_space<vmem>>, vector<1x16xi32>,
    %shift_right_logical3A = arith.shrui %get3A_26, %broadcast_in_dim3A_22 : vector<16xi32>
    %swap3A_32 = arith.constant 0 : i32
    %swap3A_33 = arith.index_cast %swap3A_32 : i32 to index
    %swap3A_34 = arith.constant 0 : index
    %swap3A_35 = tpu.vector_load %arg8[%swap3A_33, %swap3A_34] {strides = array<i32>} : memref<2x128xi32, #tpu.memory_space<vmem>>, vector<1x16xi32>,
    %swap3A_36 = vector.shape_cast %swap3A_35 : vector<1x16xi32> to vector<16xi32>
    %swap3A_37 = vector.shape_cast %shift_right_logical3A : vector<16xi32> to vector<1x16xi32>
    tpu.vector_store %arg8[%swap3A_33, %swap3A_34], %swap3A_37 {strides = array<i32>} : memref<2x128xi32, #tpu.memory_space<vmem>>, vector<1x16xi32>,
    %get3A_38 = arith.constant 0 : i32
    %get3A_39 = arith.index_cast %get3A_38 : i32 to index
    %get3A_40 = arith.constant 16 : index
    %get3A_41 = tpu.vector_load %arg6[%get3A_39, %get3A_40] {strides = array<i32>} : memref<81x128xi32, #tpu.memory_space<vmem>>, vector<1x16xi32>,
    %get3A_42 = vector.shape_cast %get3A_41 : vector<1x16xi32> to vector<16xi32>
    %and3A_43 = arith.andi %get3A_42, %broadcast_in_dim3A_20 : vector<16xi32>
    %swap3A_44 = arith.constant 0 : i32
    %swap3A_45 = arith.index_cast %swap3A_44 : i32 to index
    %swap3A_46 = arith.constant 16 : index
    %swap3A_47 = tpu.vector_load %arg7[%swap3A_45, %swap3A_46] {strides = array<i32>} : memref<2x128xi32, #tpu.memory_space<vmem>>, vector<1x16xi32>,
    %swap3A_48 = vector.shape_cast %swap3A_47 : vector<1x16xi32> to vector<16xi32>
    %swap3A_49 = vector.shape_cast %and3A_43 : vector<16xi32> to vector<1x16xi32>
    tpu.vector_store %arg7[%swap3A_45, %swap3A_46], %swap3A_49 {strides = array<i32>} : memref<2x128xi32, #tpu.memory_space<vmem>>, vector<1x16xi32>,
    %shift_right_logical3A_50 = arith.shrui %get3A_42, %broadcast_in_dim3A_22 : vector<16xi32>
    %swap3A_51 = arith.constant 0 : i32
    %swap3A_52 = arith.index_cast %swap3A_51 : i32 to index
    %swap3A_53 = arith.constant 16 : index
    %swap3A_54 = tpu.vector_load %arg8[%swap3A_52, %swap3A_53] {strides = array<i32>} : memref<2x128xi32, #tpu.memory_space<vmem>>, vector<1x16xi32>,
    %swap3A_55 = vector.shape_cast %swap3A_54 : vector<1x16xi32> to vector<16xi32>
    %swap3A_56 = vector.shape_cast %shift_right_logical3A_50 : vector<16xi32> to vector<1x16xi32>
    tpu.vector_store %arg8[%swap3A_52, %swap3A_53], %swap3A_56 {strides = array<i32>} : memref<2x128xi32, #tpu.memory_space<vmem>>, vector<1x16xi32>,
    %get3A_57 = arith.constant 0 : i32
    %get3A_58 = arith.index_cast %get3A_57 : i32 to index
    %get3A_59 = arith.constant 32 : index
    %get3A_60 = tpu.vector_load %arg6[%get3A_58, %get3A_59] {strides = array<i32>} : memref<81x128xi32, #tpu.memory_space<vmem>>, vector<1x16xi32>,
    %get3A_61 = vector.shape_cast %get3A_60 : vector<1x16xi32> to vector<16xi32>
    %and3A_62 = arith.andi %get3A_61, %broadcast_in_dim3A_20 : vector<16xi32>
    %swap3A_63 = arith.constant 0 : i32
    %swap3A_64 = arith.index_cast %swap3A_63 : i32 to index
    %swap3A_65 = arith.constant 32 : index
    %swap3A_66 = tpu.vector_load %arg7[%swap3A_64, %swap3A_65] {strides = array<i32>} : memref<2x128xi32, #tpu.memory_space<vmem>>, vector<1x16xi32>,
    %swap3A_67 = vector.shape_cast %swap3A_66 : vector<1x16xi32> to vector<16xi32>
    %swap3A_68 = vector.shape_cast %and3A_62 : vector<16xi32> to vector<1x16xi32>
    tpu.vector_store %arg7[%swap3A_64, %swap3A_65], %swap3A_68 {strides = array<i32>} : memref<2x128xi32, #tpu.memory_space<vmem>>, vector<1x16xi32>,
    %shift_right_logical3A_69 = arith.shrui %get3A_61, %broadcast_in_dim3A_22 : vector<16xi32>
    %swap3A_70 = arith.constant 0 : i32
    %swap3A_71 = arith.index_cast %swap3A_70 : i32 to index
    %swap3A_72 = arith.constant 32 : index
    %swap3A_73 = tpu.vector_load %arg8[%swap3A_71, %swap3A_72] {strides = array<i32>} : memref<2x128xi32, #tpu.memory_space<vmem>>, vector<1x16xi32>,
    %swap3A_74 = vector.shape_cast %swap3A_73 : vector<1x16xi32> to vector<16xi32>
    %swap3A_75 = vector.shape_cast %shift_right_logical3A_69 : vector<16xi32> to vector<1x16xi32>
    tpu.vector_store %arg8[%swap3A_71, %swap3A_72], %swap3A_75 {strides = array<i32>} : memref<2x128xi32, #tpu.memory_space<vmem>>, vector<1x16xi32>,
    %get3A_76 = arith.constant 0 : i32
    %get3A_77 = arith.index_cast %get3A_76 : i32 to index
    %get3A_78 = arith.constant 48 : index
    %get3A_79 = tpu.vector_load %arg6[%get3A_77, %get3A_78] {strides = array<i32>} : memref<81x128xi32, #tpu.memory_space<vmem>>, vector<1x16xi32>,
    %get3A_80 = vector.shape_cast %get3A_79 : vector<1x16xi32> to vector<16xi32>
    %and3A_81 = arith.andi %get3A_80, %broadcast_in_dim3A_20 : vector<16xi32>
    %swap3A_82 = arith.constant 0 : i32
    %swap3A_83 = arith.index_cast %swap3A_82 : i32 to index
    %swap3A_84 = arith.constant 48 : index
    %swap3A_85 = tpu.vector_load %arg7[%swap3A_83, %swap3A_84] {strides = array<i32>} : memref<2x128xi32, #tpu.memory_space<vmem>>, vector<1x16xi32>,
    %swap3A_86 = vector.shape_cast %swap3A_85 : vector<1x16xi32> to vector<16xi32>
    %swap3A_87 = vector.shape_cast %and3A_81 : vector<16xi32> to vector<1x16xi32>
    tpu.vector_store %arg7[%swap3A_83, %swap3A_84], %swap3A_87 {strides = array<i32>} : memref<2x128xi32, #tpu.memory_space<vmem>>, vector<1x16xi32>,
    %shift_right_logical3A_88 = arith.shrui %get3A_80, %broadcast_in_dim3A_22 : vector<16xi32>
    %swap3A_89 = arith.constant 0 : i32
    %swap3A_90 = arith.index_cast %swap3A_89 : i32 to index
    %swap3A_91 = arith.constant 48 : index
    %swap3A_92 = tpu.vector_load %arg8[%swap3A_90, %swap3A_91] {strides = array<i32>} : memref<2x128xi32, #tpu.memory_space<vmem>>, vector<1x16xi32>,
    %swap3A_93 = vector.shape_cast %swap3A_92 : vector<1x16xi32> to vector<16xi32>
    %swap3A_94 = vector.shape_cast %shift_right_logical3A_88 : vector<16xi32> to vector<1x16xi32>
    tpu.vector_store %arg8[%swap3A_90, %swap3A_91], %swap3A_94 {strides = array<i32>} : memref<2x128xi32, #tpu.memory_space<vmem>>, vector<1x16xi32>,
    %get3A_95 = arith.constant 0 : i32
    %get3A_96 = arith.index_cast %get3A_95 : i32 to index
    %get3A_97 = arith.constant 64 : index
    %get3A_98 = tpu.vector_load %arg6[%get3A_96, %get3A_97] {strides = array<i32>} : memref<81x128xi32, #tpu.memory_space<vmem>>, vector<1x16xi32>,
    %get3A_99 = vector.shape_cast %get3A_98 : vector<1x16xi32> to vector<16xi32>
    %and3A_100 = arith.andi %get3A_99, %broadcast_in_dim3A_20 : vector<16xi32>
    %swap3A_101 = arith.constant 0 : i32
    %swap3A_102 = arith.index_cast %swap3A_101 : i32 to index
    %swap3A_103 = arith.constant 64 : index
    %swap3A_104 = tpu.vector_load %arg7[%swap3A_102, %swap3A_103] {strides = array<i32>} : memref<2x128xi32, #tpu.memory_space<vmem>>, vector<1x16xi32>,
    %swap3A_105 = vector.shape_cast %swap3A_104 : vector<1x16xi32> to vector<16xi32>
    %swap3A_106 = vector.shape_cast %and3A_100 : vector<16xi32> to vector<1x16xi32>
    tpu.vector_store %arg7[%swap3A_102, %swap3A_103], %swap3A_106 {strides = array<i32>} : memref<2x128xi32, #tpu.memory_space<vmem>>, vector<1x16xi32>,
    %shift_right_logical3A_107 = arith.shrui %get3A_99, %broadcast_in_dim3A_22 : vector<16xi32>
    %swap3A_108 = arith.constant 0 : i32
    %swap3A_109 = arith.index_cast %swap3A_108 : i32 to index
    %swap3A_110 = arith.constant 64 : index
    %swap3A_111 = tpu.vector_load %arg8[%swap3A_109, %swap3A_110] {strides = array<i32>} : memref<2x128xi32, #tpu.memory_space<vmem>>, vector<1x16xi32>,
    %swap3A_112 = vector.shape_cast %swap3A_111 : vector<1x16xi32> to vector<16xi32>
    %swap3A_113 = vector.shape_cast %shift_right_logical3A_107 : vector<16xi32> to vector<1x16xi32>
    tpu.vector_store %arg8[%swap3A_109, %swap3A_110], %swap3A_113 {strides = array<i32>} : memref<2x128xi32, #tpu.memory_space<vmem>>, vector<1x16xi32>,
    %get3A_114 = arith.constant 0 : i32
    %get3A_115 = arith.index_cast %get3A_114 : i32 to index
    %get3A_116 = arith.constant 80 : index
    %get3A_117 = tpu.vector_load %arg6[%get3A_115, %get3A_116] {strides = array<i32>} : memref<81x128xi32, #tpu.memory_space<vmem>>, vector<1x16xi32>,
    %get3A_118 = vector.shape_cast %get3A_117 : vector<1x16xi32> to vector<16xi32>
    %and3A_119 = arith.andi %get3A_118, %broadcast_in_dim3A_20 : vector<16xi32>
    %swap3A_120 = arith.constant 0 : i32
    %swap3A_121 = arith.index_cast %swap3A_120 : i32 to index
    %swap3A_122 = arith.constant 80 : index
    %swap3A_123 = tpu.vector_load %arg7[%swap3A_121, %swap3A_122] {strides = array<i32>} : memref<2x128xi32, #tpu.memory_space<vmem>>, vector<1x16xi32>,
    %swap3A_124 = vector.shape_cast %swap3A_123 : vector<1x16xi32> to vector<16xi32>
    %swap3A_125 = vector.shape_cast %and3A_119 : vector<16xi32> to vector<1x16xi32>
    tpu.vector_store %arg7[%swap3A_121, %swap3A_122], %swap3A_125 {strides = array<i32>} : memref<2x128xi32, #tpu.memory_space<vmem>>, vector<1x16xi32>,
    %shift_right_logical3A_126 = arith.shrui %get3A_118, %broadcast_in_dim3A_22 : vector<16xi32>
    %swap3A_127 = arith.constant 0 : i32
    %swap3A_128 = arith.index_cast %swap3A_127 : i32 to index
    %swap3A_129 = arith.constant 80 : index
    %swap3A_130 = tpu.vector_load %arg8[%swap3A_128, %swap3A_129] {strides = array<i32>} : memref<2x128xi32, #tpu.memory_space<vmem>>, vector<1x16xi32>,
    %swap3A_131 = vector.shape_cast %swap3A_130 : vector<1x16xi32> to vector<16xi32>
    %swap3A_132 = vector.shape_cast %shift_right_logical3A_126 : vector<16xi32> to vector<1x16xi32>
    tpu.vector_store %arg8[%swap3A_128, %swap3A_129], %swap3A_132 {strides = array<i32>} : memref<2x128xi32, #tpu.memory_space<vmem>>, vector<1x16xi32>,
    %get3A_133 = arith.constant 0 : i32
    %get3A_134 = arith.index_cast %get3A_133 : i32 to index
    %get3A_135 = arith.constant 96 : index
    %get3A_136 = tpu.vector_load %arg6[%get3A_134, %get3A_135] {strides = array<i32>} : memref<81x128xi32, #tpu.memory_space<vmem>>, vector<1x16xi32>,
    %get3A_137 = vector.shape_cast %get3A_136 : vector<1x16xi32> to vector<16xi32>
    %and3A_138 = arith.andi %get3A_137, %broadcast_in_dim3A_20 : vector<16xi32>
    %swap3A_139 = arith.constant 0 : i32
    %swap3A_140 = arith.index_cast %swap3A_139 : i32 to index
    %swap3A_141 = arith.constant 96 : index
    %swap3A_142 = tpu.vector_load %arg7[%swap3A_140, %swap3A_141] {strides = array<i32>} : memref<2x128xi32, #tpu.memory_space<vmem>>, vector<1x16xi32>,
    %swap3A_143 = vector.shape_cast %swap3A_142 : vector<1x16xi32> to vector<16xi32>
    %swap3A_144 = vector.shape_cast %and3A_138 : vector<16xi32> to vector<1x16xi32>
    tpu.vector_store %arg7[%swap3A_140, %swap3A_141], %swap3A_144 {strides = array<i32>} : memref<2x128xi32, #tpu.memory_space<vmem>>, vector<1x16xi32>,
    %shift_right_logical3A_145 = arith.shrui %get3A_137, %broadcast_in_dim3A_22 : vector<16xi32>
    %swap3A_146 = arith.constant 0 : i32
    %swap3A_147 = arith.index_cast %swap3A_146 : i32 to index
    %swap3A_148 = arith.constant 96 : index
    %swap3A_149 = tpu.vector_load %arg8[%swap3A_147, %swap3A_148] {strides = array<i32>} : memref<2x128xi32, #tpu.memory_space<vmem>>, vector<1x16xi32>,
    %swap3A_150 = vector.shape_cast %swap3A_149 : vector<1x16xi32> to vector<16xi32>
    %swap3A_151 = vector.shape_cast %shift_right_logical3A_145 : vector<16xi32> to vector<1x16xi32>
    tpu.vector_store %arg8[%swap3A_147, %swap3A_148], %swap3A_151 {strides = array<i32>} : memref<2x128xi32, #tpu.memory_space<vmem>>, vector<1x16xi32>,
    %get3A_152 = arith.constant 0 : i32
    %get3A_153 = arith.index_cast %get3A_152 : i32 to index
    %get3A_154 = arith.constant 112 : index
    %get3A_155 = tpu.vector_load %arg6[%get3A_153, %get3A_154] {strides = array<i32>} : memref<81x128xi32, #tpu.memory_space<vmem>>, vector<1x16xi32>,
    %get3A_156 = vector.shape_cast %get3A_155 : vector<1x16xi32> to vector<16xi32>
    %and3A_157 = arith.andi %get3A_156, %broadcast_in_dim3A_20 : vector<16xi32>
    %swap3A_158 = arith.constant 0 : i32
    %swap3A_159 = arith.index_cast %swap3A_158 : i32 to index
    %swap3A_160 = arith.constant 112 : index
    %swap3A_161 = tpu.vector_load %arg7[%swap3A_159, %swap3A_160] {strides = array<i32>} : memref<2x128xi32, #tpu.memory_space<vmem>>, vector<1x16xi32>,
    %swap3A_162 = vector.shape_cast %swap3A_161 : vector<1x16xi32> to vector<16xi32>
    %swap3A_163 = vector.shape_cast %and3A_157 : vector<16xi32> to vector<1x16xi32>
    tpu.vector_store %arg7[%swap3A_159, %swap3A_160], %swap3A_163 {strides = array<i32>} : memref<2x128xi32, #tpu.memory_space<vmem>>, vector<1x16xi32>,
    %shift_right_logical3A_164 = arith.shrui %get3A_156, %broadcast_in_dim3A_22 : vector<16xi32>
    %swap3A_165 = arith.constant 0 : i32
    %swap3A_166 = arith.index_cast %swap3A_165 : i32 to index
    %swap3A_167 = arith.constant 112 : index
    %swap3A_168 = tpu.vector_load %arg8[%swap3A_166, %swap3A_167] {strides = array<i32>} : memref<2x128xi32, #tpu.memory_space<vmem>>, vector<1x16xi32>,
    %swap3A_169 = vector.shape_cast %swap3A_168 : vector<1x16xi32> to vector<16xi32>
    %swap3A_170 = vector.shape_cast %shift_right_logical3A_164 : vector<16xi32> to vector<1x16xi32>
    tpu.vector_store %arg8[%swap3A_166, %swap3A_167], %swap3A_170 {strides = array<i32>} : memref<2x128xi32, #tpu.memory_space<vmem>>, vector<1x16xi32>,
    %dma_start3A = arith.constant 0 : i32
    %dma_start3A_171 = arith.constant 0 : i32
    %dma_start3A_172 = tpu.memref_slice %arg7[%dma_start3A, %dma_start3A_171] : memref<2x128xi32, #tpu.memory_space<vmem>> -> memref<1x128xi32, #tpu.memory_space<vmem>>
    %dma_start3A_173 = tpu.memref_squeeze %dma_start3A_172 : memref<1x128xi32, #tpu.memory_space<vmem>> -> memref<128xi32, #tpu.memory_space<vmem>>
    %dma_start3A_174 = arith.constant 0 : i32
    %dma_start3A_175 = arith.constant 0 : i32
    %dma_start3A_176 = tpu.memref_slice %arg2[%dma_start3A_174, %dma_start3A_175] : memref<10000x128xf32, #tpu.memory_space<hbm>> -> memref<10000x128xf32, #tpu.memory_space<hbm>>
    tpu.enqueue_indirect_dma source(%dma_start3A_176 : memref<10000x128xf32, #tpu.memory_space<hbm>>) target(%arg9 : memref<128x128xf32, #tpu.memory_space<vmem>>) offsets(%dma_start3A_173 : memref<128xi32, #tpu.memory_space<vmem>>) semaphore(%arg11 : memref<!tpu.dma_semaphore, #tpu.memory_space<semaphore_mem>>)
    %scan3A_177 = arith.constant 0 : i32
    %scan3A_178 = arith.constant 0 : i32
    %scan3A_179 = arith.constant 40 : i32
    %scan3A_180 = arith.addi %scan3A_178, %scan3A_179 : i32
    %scan3A_181 = arith.constant 1 : i32
    scf.for %scan3A_190 = %scan3A_178 to %scan3A_180 step %scan3A_181  : i32 {
      %mul3A_191 = arith.constant 2 : i32
      %mul3A_192 = arith.muli %mul3A_191, %scan3A_190 : i32
      %add3A_193 = arith.constant 1 : i32
      %add3A_194 = arith.addi %mul3A_192, %add3A_193 : i32
      %get3A_195 = arith.index_cast %add3A_194 : i32 to index
      %get3A_196 = arith.constant 0 : index
      %get3A_197 = tpu.vector_load %arg6[%get3A_195, %get3A_196] {strides = array<i32>} : memref<81x128xi32, #tpu.memory_space<vmem>>, vector<1x16xi32>,
      %get3A_198 = vector.shape_cast %get3A_197 : vector<1x16xi32> to vector<16xi32>
      %and3A_199 = arith.andi %get3A_198, %broadcast_in_dim3A_20 : vector<16xi32>
      %swap3A_200 = arith.constant 1 : i32
      %swap3A_201 = arith.index_cast %swap3A_200 : i32 to index
      %swap3A_202 = arith.constant 0 : index
      %swap3A_203 = tpu.vector_load %arg7[%swap3A_201, %swap3A_202] {strides = array<i32>} : memref<2x128xi32, #tpu.memory_space<vmem>>, vector<1x16xi32>,
      %swap3A_204 = vector.shape_cast %swap3A_203 : vector<1x16xi32> to vector<16xi32>
      %swap3A_205 = vector.shape_cast %and3A_199 : vector<16xi32> to vector<1x16xi32>
      tpu.vector_store %arg7[%swap3A_201, %swap3A_202], %swap3A_205 {strides = array<i32>} : memref<2x128xi32, #tpu.memory_space<vmem>>, vector<1x16xi32>,
      %shift_right_logical3A_206 = arith.shrui %get3A_198, %broadcast_in_dim3A_22 : vector<16xi32>
      %swap3A_207 = arith.constant 1 : i32
      %swap3A_208 = arith.index_cast %swap3A_207 : i32 to index
      %swap3A_209 = arith.constant 0 : index
      %swap3A_210 = tpu.vector_load %arg8[%swap3A_208, %swap3A_209] {strides = array<i32>} : memref<2x128xi32, #tpu.memory_space<vmem>>, vector<1x16xi32>,
      %swap3A_211 = vector.shape_cast %swap3A_210 : vector<1x16xi32> to vector<16xi32>
      %swap3A_212 = vector.shape_cast %shift_right_logical3A_206 : vector<16xi32> to vector<1x16xi32>
      tpu.vector_store %arg8[%swap3A_208, %swap3A_209], %swap3A_212 {strides = array<i32>} : memref<2x128xi32, #tpu.memory_space<vmem>>, vector<1x16xi32>,
      %get3A_213 = arith.index_cast %add3A_194 : i32 to index
      %get3A_214 = arith.constant 16 : index
      %get3A_215 = tpu.vector_load %arg6[%get3A_213, %get3A_214] {strides = array<i32>} : memref<81x128xi32, #tpu.memory_space<vmem>>, vector<1x16xi32>,
      %get3A_216 = vector.shape_cast %get3A_215 : vector<1x16xi32> to vector<16xi32>
      %and3A_217 = arith.andi %get3A_216, %broadcast_in_dim3A_20 : vector<16xi32>
      %swap3A_218 = arith.constant 1 : i32
      %swap3A_219 = arith.index_cast %swap3A_218 : i32 to index
      %swap3A_220 = arith.constant 16 : index
      %swap3A_221 = tpu.vector_load %arg7[%swap3A_219, %swap3A_220] {strides = array<i32>} : memref<2x128xi32, #tpu.memory_space<vmem>>, vector<1x16xi32>,
      %swap3A_222 = vector.shape_cast %swap3A_221 : vector<1x16xi32> to vector<16xi32>
      %swap3A_223 = vector.shape_cast %and3A_217 : vector<16xi32> to vector<1x16xi32>
      tpu.vector_store %arg7[%swap3A_219, %swap3A_220], %swap3A_223 {strides = array<i32>} : memref<2x128xi32, #tpu.memory_space<vmem>>, vector<1x16xi32>,
      %shift_right_logical3A_224 = arith.shrui %get3A_216, %broadcast_in_dim3A_22 : vector<16xi32>
      %swap3A_225 = arith.constant 1 : i32
      %swap3A_226 = arith.index_cast %swap3A_225 : i32 to index
      %swap3A_227 = arith.constant 16 : index
      %swap3A_228 = tpu.vector_load %arg8[%swap3A_226, %swap3A_227] {strides = array<i32>} : memref<2x128xi32, #tpu.memory_space<vmem>>, vector<1x16xi32>,
      %swap3A_229 = vector.shape_cast %swap3A_228 : vector<1x16xi32> to vector<16xi32>
      %swap3A_230 = vector.shape_cast %shift_right_logical3A_224 : vector<16xi32> to vector<1x16xi32>
      tpu.vector_store %arg8[%swap3A_226, %swap3A_227], %swap3A_230 {strides = array<i32>} : memref<2x128xi32, #tpu.memory_space<vmem>>, vector<1x16xi32>,
      %get3A_231 = arith.index_cast %add3A_194 : i32 to index
      %get3A_232 = arith.constant 32 : index
      %get3A_233 = tpu.vector_load %arg6[%get3A_231, %get3A_232] {strides = array<i32>} : memref<81x128xi32, #tpu.memory_space<vmem>>, vector<1x16xi32>,
      %get3A_234 = vector.shape_cast %get3A_233 : vector<1x16xi32> to vector<16xi32>
      %and3A_235 = arith.andi %get3A_234, %broadcast_in_dim3A_20 : vector<16xi32>
      %swap3A_236 = arith.constant 1 : i32
      %swap3A_237 = arith.index_cast %swap3A_236 : i32 to index
      %swap3A_238 = arith.constant 32 : index
      %swap3A_239 = tpu.vector_load %arg7[%swap3A_237, %swap3A_238] {strides = array<i32>} : memref<2x128xi32, #tpu.memory_space<vmem>>, vector<1x16xi32>,
      %swap3A_240 = vector.shape_cast %swap3A_239 : vector<1x16xi32> to vector<16xi32>
      %swap3A_241 = vector.shape_cast %and3A_235 : vector<16xi32> to vector<1x16xi32>
      tpu.vector_store %arg7[%swap3A_237, %swap3A_238], %swap3A_241 {strides = array<i32>} : memref<2x128xi32, #tpu.memory_space<vmem>>, vector<1x16xi32>,
      %shift_right_logical3A_242 = arith.shrui %get3A_234, %broadcast_in_dim3A_22 : vector<16xi32>
      %swap3A_243 = arith.constant 1 : i32
      %swap3A_244 = arith.index_cast %swap3A_243 : i32 to index
      %swap3A_245 = arith.constant 32 : index
      %swap3A_246 = tpu.vector_load %arg8[%swap3A_244, %swap3A_245] {strides = array<i32>} : memref<2x128xi32, #tpu.memory_space<vmem>>, vector<1x16xi32>,
      %swap3A_247 = vector.shape_cast %swap3A_246 : vector<1x16xi32> to vector<16xi32>
      %swap3A_248 = vector.shape_cast %shift_right_logical3A_242 : vector<16xi32> to vector<1x16xi32>
      tpu.vector_store %arg8[%swap3A_244, %swap3A_245], %swap3A_248 {strides = array<i32>} : memref<2x128xi32, #tpu.memory_space<vmem>>, vector<1x16xi32>,
      %get3A_249 = arith.index_cast %add3A_194 : i32 to index
      %get3A_250 = arith.constant 48 : index
      %get3A_251 = tpu.vector_load %arg6[%get3A_249, %get3A_250] {strides = array<i32>} : memref<81x128xi32, #tpu.memory_space<vmem>>, vector<1x16xi32>,
      %get3A_252 = vector.shape_cast %get3A_251 : vector<1x16xi32> to vector<16xi32>
      %and3A_253 = arith.andi %get3A_252, %broadcast_in_dim3A_20 : vector<16xi32>
      %swap3A_254 = arith.constant 1 : i32
      %swap3A_255 = arith.index_cast %swap3A_254 : i32 to index
      %swap3A_256 = arith.constant 48 : index
      %swap3A_257 = tpu.vector_load %arg7[%swap3A_255, %swap3A_256] {strides = array<i32>} : memref<2x128xi32, #tpu.memory_space<vmem>>, vector<1x16xi32>,
      %swap3A_258 = vector.shape_cast %swap3A_257 : vector<1x16xi32> to vector<16xi32>
      %swap3A_259 = vector.shape_cast %and3A_253 : vector<16xi32> to vector<1x16xi32>
      tpu.vector_store %arg7[%swap3A_255, %swap3A_256], %swap3A_259 {strides = array<i32>} : memref<2x128xi32, #tpu.memory_space<vmem>>, vector<1x16xi32>,
      %shift_right_logical3A_260 = arith.shrui %get3A_252, %broadcast_in_dim3A_22 : vector<16xi32>
      %swap3A_261 = arith.constant 1 : i32
      %swap3A_262 = arith.index_cast %swap3A_261 : i32 to index
      %swap3A_263 = arith.constant 48 : index
      %swap3A_264 = tpu.vector_load %arg8[%swap3A_262, %swap3A_263] {strides = array<i32>} : memref<2x128xi32, #tpu.memory_space<vmem>>, vector<1x16xi32>,
      %swap3A_265 = vector.shape_cast %swap3A_264 : vector<1x16xi32> to vector<16xi32>
      %swap3A_266 = vector.shape_cast %shift_right_logical3A_260 : vector<16xi32> to vector<1x16xi32>
      tpu.vector_store %arg8[%swap3A_262, %swap3A_263], %swap3A_266 {strides = array<i32>} : memref<2x128xi32, #tpu.memory_space<vmem>>, vector<1x16xi32>,
      %get3A_267 = arith.index_cast %add3A_194 : i32 to index
      %get3A_268 = arith.constant 64 : index
      %get3A_269 = tpu.vector_load %arg6[%get3A_267, %get3A_268] {strides = array<i32>} : memref<81x128xi32, #tpu.memory_space<vmem>>, vector<1x16xi32>,
      %get3A_270 = vector.shape_cast %get3A_269 : vector<1x16xi32> to vector<16xi32>
      %and3A_271 = arith.andi %get3A_270, %broadcast_in_dim3A_20 : vector<16xi32>
      %swap3A_272 = arith.constant 1 : i32
      %swap3A_273 = arith.index_cast %swap3A_272 : i32 to index
      %swap3A_274 = arith.constant 64 : index
      %swap3A_275 = tpu.vector_load %arg7[%swap3A_273, %swap3A_274] {strides = array<i32>} : memref<2x128xi32, #tpu.memory_space<vmem>>, vector<1x16xi32>,
      %swap3A_276 = vector.shape_cast %swap3A_275 : vector<1x16xi32> to vector<16xi32>
      %swap3A_277 = vector.shape_cast %and3A_271 : vector<16xi32> to vector<1x16xi32>
      tpu.vector_store %arg7[%swap3A_273, %swap3A_274], %swap3A_277 {strides = array<i32>} : memref<2x128xi32, #tpu.memory_space<vmem>>, vector<1x16xi32>,
      %shift_right_logical3A_278 = arith.shrui %get3A_270, %broadcast_in_dim3A_22 : vector<16xi32>
      %swap3A_279 = arith.constant 1 : i32
      %swap3A_280 = arith.index_cast %swap3A_279 : i32 to index
      %swap3A_281 = arith.constant 64 : index
      %swap3A_282 = tpu.vector_load %arg8[%swap3A_280, %swap3A_281] {strides = array<i32>} : memref<2x128xi32, #tpu.memory_space<vmem>>, vector<1x16xi32>,
      %swap3A_283 = vector.shape_cast %swap3A_282 : vector<1x16xi32> to vector<16xi32>
      %swap3A_284 = vector.shape_cast %shift_right_logical3A_278 : vector<16xi32> to vector<1x16xi32>
      tpu.vector_store %arg8[%swap3A_280, %swap3A_281], %swap3A_284 {strides = array<i32>} : memref<2x128xi32, #tpu.memory_space<vmem>>, vector<1x16xi32>,
      %get3A_285 = arith.index_cast %add3A_194 : i32 to index
      %get3A_286 = arith.constant 80 : index
      %get3A_287 = tpu.vector_load %arg6[%get3A_285, %get3A_286] {strides = array<i32>} : memref<81x128xi32, #tpu.memory_space<vmem>>, vector<1x16xi32>,
      %get3A_288 = vector.shape_cast %get3A_287 : vector<1x16xi32> to vector<16xi32>
      %and3A_289 = arith.andi %get3A_288, %broadcast_in_dim3A_20 : vector<16xi32>
      %swap3A_290 = arith.constant 1 : i32
      %swap3A_291 = arith.index_cast %swap3A_290 : i32 to index
      %swap3A_292 = arith.constant 80 : index
      %swap3A_293 = tpu.vector_load %arg7[%swap3A_291, %swap3A_292] {strides = array<i32>} : memref<2x128xi32, #tpu.memory_space<vmem>>, vector<1x16xi32>,
      %swap3A_294 = vector.shape_cast %swap3A_293 : vector<1x16xi32> to vector<16xi32>
      %swap3A_295 = vector.shape_cast %and3A_289 : vector<16xi32> to vector<1x16xi32>
      tpu.vector_store %arg7[%swap3A_291, %swap3A_292], %swap3A_295 {strides = array<i32>} : memref<2x128xi32, #tpu.memory_space<vmem>>, vector<1x16xi32>,
      %shift_right_logical3A_296 = arith.shrui %get3A_288, %broadcast_in_dim3A_22 : vector<16xi32>
      %swap3A_297 = arith.constant 1 : i32
      %swap3A_298 = arith.index_cast %swap3A_297 : i32 to index
      %swap3A_299 = arith.constant 80 : index
      %swap3A_300 = tpu.vector_load %arg8[%swap3A_298, %swap3A_299] {strides = array<i32>} : memref<2x128xi32, #tpu.memory_space<vmem>>, vector<1x16xi32>,
      %swap3A_301 = vector.shape_cast %swap3A_300 : vector<1x16xi32> to vector<16xi32>
      %swap3A_302 = vector.shape_cast %shift_right_logical3A_296 : vector<16xi32> to vector<1x16xi32>
      tpu.vector_store %arg8[%swap3A_298, %swap3A_299], %swap3A_302 {strides = array<i32>} : memref<2x128xi32, #tpu.memory_space<vmem>>, vector<1x16xi32>,
      %get3A_303 = arith.index_cast %add3A_194 : i32 to index
      %get3A_304 = arith.constant 96 : index
      %get3A_305 = tpu.vector_load %arg6[%get3A_303, %get3A_304] {strides = array<i32>} : memref<81x128xi32, #tpu.memory_space<vmem>>, vector<1x16xi32>,
      %get3A_306 = vector.shape_cast %get3A_305 : vector<1x16xi32> to vector<16xi32>
      %and3A_307 = arith.andi %get3A_306, %broadcast_in_dim3A_20 : vector<16xi32>
      %swap3A_308 = arith.constant 1 : i32
      %swap3A_309 = arith.index_cast %swap3A_308 : i32 to index
      %swap3A_310 = arith.constant 96 : index
      %swap3A_311 = tpu.vector_load %arg7[%swap3A_309, %swap3A_310] {strides = array<i32>} : memref<2x128xi32, #tpu.memory_space<vmem>>, vector<1x16xi32>,
      %swap3A_312 = vector.shape_cast %swap3A_311 : vector<1x16xi32> to vector<16xi32>
      %swap3A_313 = vector.shape_cast %and3A_307 : vector<16xi32> to vector<1x16xi32>
      tpu.vector_store %arg7[%swap3A_309, %swap3A_310], %swap3A_313 {strides = array<i32>} : memref<2x128xi32, #tpu.memory_space<vmem>>, vector<1x16xi32>,
      %shift_right_logical3A_314 = arith.shrui %get3A_306, %broadcast_in_dim3A_22 : vector<16xi32>
      %swap3A_315 = arith.constant 1 : i32
      %swap3A_316 = arith.index_cast %swap3A_315 : i32 to index
      %swap3A_317 = arith.constant 96 : index
      %swap3A_318 = tpu.vector_load %arg8[%swap3A_316, %swap3A_317] {strides = array<i32>} : memref<2x128xi32, #tpu.memory_space<vmem>>, vector<1x16xi32>,
      %swap3A_319 = vector.shape_cast %swap3A_318 : vector<1x16xi32> to vector<16xi32>
      %swap3A_320 = vector.shape_cast %shift_right_logical3A_314 : vector<16xi32> to vector<1x16xi32>
      tpu.vector_store %arg8[%swap3A_316, %swap3A_317], %swap3A_320 {strides = array<i32>} : memref<2x128xi32, #tpu.memory_space<vmem>>, vector<1x16xi32>,
      %get3A_321 = arith.index_cast %add3A_194 : i32 to index
      %get3A_322 = arith.constant 112 : index
      %get3A_323 = tpu.vector_load %arg6[%get3A_321, %get3A_322] {strides = array<i32>} : memref<81x128xi32, #tpu.memory_space<vmem>>, vector<1x16xi32>,
      %get3A_324 = vector.shape_cast %get3A_323 : vector<1x16xi32> to vector<16xi32>
      %and3A_325 = arith.andi %get3A_324, %broadcast_in_dim3A_20 : vector<16xi32>
      %swap3A_326 = arith.constant 1 : i32
      %swap3A_327 = arith.index_cast %swap3A_326 : i32 to index
      %swap3A_328 = arith.constant 112 : index
      %swap3A_329 = tpu.vector_load %arg7[%swap3A_327, %swap3A_328] {strides = array<i32>} : memref<2x128xi32, #tpu.memory_space<vmem>>, vector<1x16xi32>,
      %swap3A_330 = vector.shape_cast %swap3A_329 : vector<1x16xi32> to vector<16xi32>
      %swap3A_331 = vector.shape_cast %and3A_325 : vector<16xi32> to vector<1x16xi32>
      tpu.vector_store %arg7[%swap3A_327, %swap3A_328], %swap3A_331 {strides = array<i32>} : memref<2x128xi32, #tpu.memory_space<vmem>>, vector<1x16xi32>,
      %shift_right_logical3A_332 = arith.shrui %get3A_324, %broadcast_in_dim3A_22 : vector<16xi32>
      %swap3A_333 = arith.constant 1 : i32
      %swap3A_334 = arith.index_cast %swap3A_333 : i32 to index
      %swap3A_335 = arith.constant 112 : index
      %swap3A_336 = tpu.vector_load %arg8[%swap3A_334, %swap3A_335] {strides = array<i32>} : memref<2x128xi32, #tpu.memory_space<vmem>>, vector<1x16xi32>,
      %swap3A_337 = vector.shape_cast %swap3A_336 : vector<1x16xi32> to vector<16xi32>
      %swap3A_338 = vector.shape_cast %shift_right_logical3A_332 : vector<16xi32> to vector<1x16xi32>
      tpu.vector_store %arg8[%swap3A_334, %swap3A_335], %swap3A_338 {strides = array<i32>} : memref<2x128xi32, #tpu.memory_space<vmem>>, vector<1x16xi32>,
      %dma_start3A_339 = arith.constant 1 : i32
      %dma_start3A_340 = arith.constant 0 : i32
      %dma_start3A_341 = tpu.memref_slice %arg7[%dma_start3A_339, %dma_start3A_340] : memref<2x128xi32, #tpu.memory_space<vmem>> -> memref<1x128xi32, #tpu.memory_space<vmem>>
      %dma_start3A_342 = tpu.memref_squeeze %dma_start3A_341 : memref<1x128xi32, #tpu.memory_space<vmem>> -> memref<128xi32, #tpu.memory_space<vmem>>
      %dma_start3A_343 = arith.constant 0 : i32
      %dma_start3A_344 = arith.constant 0 : i32
      %dma_start3A_345 = tpu.memref_slice %arg2[%dma_start3A_343, %dma_start3A_344] : memref<10000x128xf32, #tpu.memory_space<hbm>> -> memref<10000x128xf32, #tpu.memory_space<hbm>>
      tpu.enqueue_indirect_dma source(%dma_start3A_345 : memref<10000x128xf32, #tpu.memory_space<hbm>>) target(%arg10 : memref<128x128xf32, #tpu.memory_space<vmem>>) offsets(%dma_start3A_342 : memref<128xi32, #tpu.memory_space<vmem>>) semaphore(%arg12 : memref<!tpu.dma_semaphore, #tpu.memory_space<semaphore_mem>>)
      %dma_wait3A_346 = arith.constant 0 : i32
      %dma_wait3A_347 = arith.constant 0 : i32
      %dma_wait3A_348 = tpu.memref_slice %arg7[%dma_wait3A_346, %dma_wait3A_347] : memref<2x128xi32, #tpu.memory_space<vmem>> -> memref<1x128xi32, #tpu.memory_space<vmem>>
      %dma_wait3A_349 = tpu.memref_squeeze %dma_wait3A_348 : memref<1x128xi32, #tpu.memory_space<vmem>> -> memref<128xi32, #tpu.memory_space<vmem>>
      %dma_wait3A_350 = arith.constant 0 : i32
      %dma_wait3A_351 = arith.constant 0 : i32
      %dma_wait3A_352 = tpu.memref_slice %arg2[%dma_wait3A_350, %dma_wait3A_351] : memref<10000x128xf32, #tpu.memory_space<hbm>> -> memref<10000x128xf32, #tpu.memory_space<hbm>>
      tpu.wait_indirect_dma semaphore(%arg11 : memref<!tpu.dma_semaphore, #tpu.memory_space<semaphore_mem>>) src(%dma_wait3A_352 : memref<10000x128xf32, #tpu.memory_space<hbm>>) dst(%arg9 : memref<128x128xf32, #tpu.memory_space<vmem>>)
      %run_scoped3A = arith.constant 0 : i32
      "tpu.region"() ({
        %run_scoped3A_514 = tpu.sem_alloc : memref<!tpu.dma_semaphore, #tpu.memory_space<semaphore_mem>>
        %dma_start3A_515 = arith.constant 0 : i32
        %dma_start3A_516 = tpu.memref_slice %arg8[%run_scoped3A, %dma_start3A_515] : memref<2x128xi32, #tpu.memory_space<vmem>> -> memref<1x128xi32, #tpu.memory_space<vmem>>
        %dma_start3A_517 = tpu.memref_squeeze %dma_start3A_516 : memref<1x128xi32, #tpu.memory_space<vmem>> -> memref<128xi32, #tpu.memory_space<vmem>>
        %dma_start3A_518 = arith.constant 0 : i32
        %dma_start3A_519 = arith.constant 0 : i32
        %dma_start3A_520 = tpu.memref_slice %arg5[%dma_start3A_518, %dma_start3A_519] : memref<10240x128xf32, #tpu.memory_space<vmem_shared>> -> memref<10240x128xf32, #tpu.memory_space<vmem_shared>>
        tpu.enqueue_indirect_dma source(%arg9 : memref<128x128xf32, #tpu.memory_space<vmem>>) target(%dma_start3A_520 : memref<10240x128xf32, #tpu.memory_space<vmem_shared>>) offsets(%dma_start3A_517 : memref<128xi32, #tpu.memory_space<vmem>>) semaphore(%run_scoped3A_514 : memref<!tpu.dma_semaphore, #tpu.memory_space<semaphore_mem>>) {add = true}
        %dma_wait3A_521 = arith.constant 0 : i32
        %dma_wait3A_522 = tpu.memref_slice %arg8[%run_scoped3A, %dma_wait3A_521] : memref<2x128xi32, #tpu.memory_space<vmem>> -> memref<1x128xi32, #tpu.memory_space<vmem>>
        %dma_wait3A_523 = tpu.memref_squeeze %dma_wait3A_522 : memref<1x128xi32, #tpu.memory_space<vmem>> -> memref<128xi32, #tpu.memory_space<vmem>>
        %dma_wait3A_524 = arith.constant 0 : i32
        %dma_wait3A_525 = arith.constant 0 : i32
        %dma_wait3A_526 = tpu.memref_slice %arg5[%dma_wait3A_524, %dma_wait3A_525] : memref<10240x128xf32, #tpu.memory_space<vmem_shared>> -> memref<10240x128xf32, #tpu.memory_space<vmem_shared>>
        tpu.wait_indirect_dma semaphore(%run_scoped3A_514 : memref<!tpu.dma_semaphore, #tpu.memory_space<semaphore_mem>>) src(%arg9 : memref<128x128xf32, #tpu.memory_space<vmem>>) dst(%dma_wait3A_526 : memref<10240x128xf32, #tpu.memory_space<vmem_shared>>)
        tpu.yield
      }) : () -> ()
      %add3A_353 = arith.constant 2 : i32
      %add3A_354 = arith.addi %mul3A_192, %add3A_353 : i32
      %get3A_355 = arith.index_cast %add3A_354 : i32 to index
      %get3A_356 = arith.constant 0 : index
      %get3A_357 = tpu.vector_load %arg6[%get3A_355, %get3A_356] {strides = array<i32>} : memref<81x128xi32, #tpu.memory_space<vmem>>, vector<1x16xi32>,
      %get3A_358 = vector.shape_cast %get3A_357 : vector<1x16xi32> to vector<16xi32>
      %and3A_359 = arith.andi %get3A_358, %broadcast_in_dim3A_20 : vector<16xi32>
      %swap3A_360 = arith.constant 0 : i32
      %swap3A_361 = arith.index_cast %swap3A_360 : i32 to index
      %swap3A_362 = arith.constant 0 : index
      %swap3A_363 = tpu.vector_load %arg7[%swap3A_361, %swap3A_362] {strides = array<i32>} : memref<2x128xi32, #tpu.memory_space<vmem>>, vector<1x16xi32>,
      %swap3A_364 = vector.shape_cast %swap3A_363 : vector<1x16xi32> to vector<16xi32>
      %swap3A_365 = vector.shape_cast %and3A_359 : vector<16xi32> to vector<1x16xi32>
      tpu.vector_store %arg7[%swap3A_361, %swap3A_362], %swap3A_365 {strides = array<i32>} : memref<2x128xi32, #tpu.memory_space<vmem>>, vector<1x16xi32>,
      %shift_right_logical3A_366 = arith.shrui %get3A_358, %broadcast_in_dim3A_22 : vector<16xi32>
      %swap3A_367 = arith.constant 0 : i32
      %swap3A_368 = arith.index_cast %swap3A_367 : i32 to index
      %swap3A_369 = arith.constant 0 : index
      %swap3A_370 = tpu.vector_load %arg8[%swap3A_368, %swap3A_369] {strides = array<i32>} : memref<2x128xi32, #tpu.memory_space<vmem>>, vector<1x16xi32>,
      %swap3A_371 = vector.shape_cast %swap3A_370 : vector<1x16xi32> to vector<16xi32>
      %swap3A_372 = vector.shape_cast %shift_right_logical3A_366 : vector<16xi32> to vector<1x16xi32>
      tpu.vector_store %arg8[%swap3A_368, %swap3A_369], %swap3A_372 {strides = array<i32>} : memref<2x128xi32, #tpu.memory_space<vmem>>, vector<1x16xi32>,
      %get3A_373 = arith.index_cast %add3A_354 : i32 to index
      %get3A_374 = arith.constant 16 : index
      %get3A_375 = tpu.vector_load %arg6[%get3A_373, %get3A_374] {strides = array<i32>} : memref<81x128xi32, #tpu.memory_space<vmem>>, vector<1x16xi32>,
      %get3A_376 = vector.shape_cast %get3A_375 : vector<1x16xi32> to vector<16xi32>
      %and3A_377 = arith.andi %get3A_376, %broadcast_in_dim3A_20 : vector<16xi32>
      %swap3A_378 = arith.constant 0 : i32
      %swap3A_379 = arith.index_cast %swap3A_378 : i32 to index
      %swap3A_380 = arith.constant 16 : index
      %swap3A_381 = tpu.vector_load %arg7[%swap3A_379, %swap3A_380] {strides = array<i32>} : memref<2x128xi32, #tpu.memory_space<vmem>>, vector<1x16xi32>,
      %swap3A_382 = vector.shape_cast %swap3A_381 : vector<1x16xi32> to vector<16xi32>
      %swap3A_383 = vector.shape_cast %and3A_377 : vector<16xi32> to vector<1x16xi32>
      tpu.vector_store %arg7[%swap3A_379, %swap3A_380], %swap3A_383 {strides = array<i32>} : memref<2x128xi32, #tpu.memory_space<vmem>>, vector<1x16xi32>,
      %shift_right_logical3A_384 = arith.shrui %get3A_376, %broadcast_in_dim3A_22 : vector<16xi32>
      %swap3A_385 = arith.constant 0 : i32
      %swap3A_386 = arith.index_cast %swap3A_385 : i32 to index
      %swap3A_387 = arith.constant 16 : index
      %swap3A_388 = tpu.vector_load %arg8[%swap3A_386, %swap3A_387] {strides = array<i32>} : memref<2x128xi32, #tpu.memory_space<vmem>>, vector<1x16xi32>,
      %swap3A_389 = vector.shape_cast %swap3A_388 : vector<1x16xi32> to vector<16xi32>
      %swap3A_390 = vector.shape_cast %shift_right_logical3A_384 : vector<16xi32> to vector<1x16xi32>
      tpu.vector_store %arg8[%swap3A_386, %swap3A_387], %swap3A_390 {strides = array<i32>} : memref<2x128xi32, #tpu.memory_space<vmem>>, vector<1x16xi32>,
      %get3A_391 = arith.index_cast %add3A_354 : i32 to index
      %get3A_392 = arith.constant 32 : index
      %get3A_393 = tpu.vector_load %arg6[%get3A_391, %get3A_392] {strides = array<i32>} : memref<81x128xi32, #tpu.memory_space<vmem>>, vector<1x16xi32>,
      %get3A_394 = vector.shape_cast %get3A_393 : vector<1x16xi32> to vector<16xi32>
      %and3A_395 = arith.andi %get3A_394, %broadcast_in_dim3A_20 : vector<16xi32>
      %swap3A_396 = arith.constant 0 : i32
      %swap3A_397 = arith.index_cast %swap3A_396 : i32 to index
      %swap3A_398 = arith.constant 32 : index
      %swap3A_399 = tpu.vector_load %arg7[%swap3A_397, %swap3A_398] {strides = array<i32>} : memref<2x128xi32, #tpu.memory_space<vmem>>, vector<1x16xi32>,
      %swap3A_400 = vector.shape_cast %swap3A_399 : vector<1x16xi32> to vector<16xi32>
      %swap3A_401 = vector.shape_cast %and3A_395 : vector<16xi32> to vector<1x16xi32>
      tpu.vector_store %arg7[%swap3A_397, %swap3A_398], %swap3A_401 {strides = array<i32>} : memref<2x128xi32, #tpu.memory_space<vmem>>, vector<1x16xi32>,
      %shift_right_logical3A_402 = arith.shrui %get3A_394, %broadcast_in_dim3A_22 : vector<16xi32>
      %swap3A_403 = arith.constant 0 : i32
      %swap3A_404 = arith.index_cast %swap3A_403 : i32 to index
      %swap3A_405 = arith.constant 32 : index
      %swap3A_406 = tpu.vector_load %arg8[%swap3A_404, %swap3A_405] {strides = array<i32>} : memref<2x128xi32, #tpu.memory_space<vmem>>, vector<1x16xi32>,
      %swap3A_407 = vector.shape_cast %swap3A_406 : vector<1x16xi32> to vector<16xi32>
      %swap3A_408 = vector.shape_cast %shift_right_logical3A_402 : vector<16xi32> to vector<1x16xi32>
      tpu.vector_store %arg8[%swap3A_404, %swap3A_405], %swap3A_408 {strides = array<i32>} : memref<2x128xi32, #tpu.memory_space<vmem>>, vector<1x16xi32>,
      %get3A_409 = arith.index_cast %add3A_354 : i32 to index
      %get3A_410 = arith.constant 48 : index
      %get3A_411 = tpu.vector_load %arg6[%get3A_409, %get3A_410] {strides = array<i32>} : memref<81x128xi32, #tpu.memory_space<vmem>>, vector<1x16xi32>,
      %get3A_412 = vector.shape_cast %get3A_411 : vector<1x16xi32> to vector<16xi32>
      %and3A_413 = arith.andi %get3A_412, %broadcast_in_dim3A_20 : vector<16xi32>
      %swap3A_414 = arith.constant 0 : i32
      %swap3A_415 = arith.index_cast %swap3A_414 : i32 to index
      %swap3A_416 = arith.constant 48 : index
      %swap3A_417 = tpu.vector_load %arg7[%swap3A_415, %swap3A_416] {strides = array<i32>} : memref<2x128xi32, #tpu.memory_space<vmem>>, vector<1x16xi32>,
      %swap3A_418 = vector.shape_cast %swap3A_417 : vector<1x16xi32> to vector<16xi32>
      %swap3A_419 = vector.shape_cast %and3A_413 : vector<16xi32> to vector<1x16xi32>
      tpu.vector_store %arg7[%swap3A_415, %swap3A_416], %swap3A_419 {strides = array<i32>} : memref<2x128xi32, #tpu.memory_space<vmem>>, vector<1x16xi32>,
      %shift_right_logical3A_420 = arith.shrui %get3A_412, %broadcast_in_dim3A_22 : vector<16xi32>
      %swap3A_421 = arith.constant 0 : i32
      %swap3A_422 = arith.index_cast %swap3A_421 : i32 to index
      %swap3A_423 = arith.constant 48 : index
      %swap3A_424 = tpu.vector_load %arg8[%swap3A_422, %swap3A_423] {strides = array<i32>} : memref<2x128xi32, #tpu.memory_space<vmem>>, vector<1x16xi32>,
      %swap3A_425 = vector.shape_cast %swap3A_424 : vector<1x16xi32> to vector<16xi32>
      %swap3A_426 = vector.shape_cast %shift_right_logical3A_420 : vector<16xi32> to vector<1x16xi32>
      tpu.vector_store %arg8[%swap3A_422, %swap3A_423], %swap3A_426 {strides = array<i32>} : memref<2x128xi32, #tpu.memory_space<vmem>>, vector<1x16xi32>,
      %get3A_427 = arith.index_cast %add3A_354 : i32 to index
      %get3A_428 = arith.constant 64 : index
      %get3A_429 = tpu.vector_load %arg6[%get3A_427, %get3A_428] {strides = array<i32>} : memref<81x128xi32, #tpu.memory_space<vmem>>, vector<1x16xi32>,
      %get3A_430 = vector.shape_cast %get3A_429 : vector<1x16xi32> to vector<16xi32>
      %and3A_431 = arith.andi %get3A_430, %broadcast_in_dim3A_20 : vector<16xi32>
      %swap3A_432 = arith.constant 0 : i32
      %swap3A_433 = arith.index_cast %swap3A_432 : i32 to index
      %swap3A_434 = arith.constant 64 : index
      %swap3A_435 = tpu.vector_load %arg7[%swap3A_433, %swap3A_434] {strides = array<i32>} : memref<2x128xi32, #tpu.memory_space<vmem>>, vector<1x16xi32>,
      %swap3A_436 = vector.shape_cast %swap3A_435 : vector<1x16xi32> to vector<16xi32>
      %swap3A_437 = vector.shape_cast %and3A_431 : vector<16xi32> to vector<1x16xi32>
      tpu.vector_store %arg7[%swap3A_433, %swap3A_434], %swap3A_437 {strides = array<i32>} : memref<2x128xi32, #tpu.memory_space<vmem>>, vector<1x16xi32>,
      %shift_right_logical3A_438 = arith.shrui %get3A_430, %broadcast_in_dim3A_22 : vector<16xi32>
      %swap3A_439 = arith.constant 0 : i32
      %swap3A_440 = arith.index_cast %swap3A_439 : i32 to index
      %swap3A_441 = arith.constant 64 : index
      %swap3A_442 = tpu.vector_load %arg8[%swap3A_440, %swap3A_441] {strides = array<i32>} : memref<2x128xi32, #tpu.memory_space<vmem>>, vector<1x16xi32>,
      %swap3A_443 = vector.shape_cast %swap3A_442 : vector<1x16xi32> to vector<16xi32>
      %swap3A_444 = vector.shape_cast %shift_right_logical3A_438 : vector<16xi32> to vector<1x16xi32>
      tpu.vector_store %arg8[%swap3A_440, %swap3A_441], %swap3A_444 {strides = array<i32>} : memref<2x128xi32, #tpu.memory_space<vmem>>, vector<1x16xi32>,
      %get3A_445 = arith.index_cast %add3A_354 : i32 to index
      %get3A_446 = arith.constant 80 : index
      %get3A_447 = tpu.vector_load %arg6[%get3A_445, %get3A_446] {strides = array<i32>} : memref<81x128xi32, #tpu.memory_space<vmem>>, vector<1x16xi32>,
      %get3A_448 = vector.shape_cast %get3A_447 : vector<1x16xi32> to vector<16xi32>
      %and3A_449 = arith.andi %get3A_448, %broadcast_in_dim3A_20 : vector<16xi32>
      %swap3A_450 = arith.constant 0 : i32
      %swap3A_451 = arith.index_cast %swap3A_450 : i32 to index
      %swap3A_452 = arith.constant 80 : index
      %swap3A_453 = tpu.vector_load %arg7[%swap3A_451, %swap3A_452] {strides = array<i32>} : memref<2x128xi32, #tpu.memory_space<vmem>>, vector<1x16xi32>,
      %swap3A_454 = vector.shape_cast %swap3A_453 : vector<1x16xi32> to vector<16xi32>
      %swap3A_455 = vector.shape_cast %and3A_449 : vector<16xi32> to vector<1x16xi32>
      tpu.vector_store %arg7[%swap3A_451, %swap3A_452], %swap3A_455 {strides = array<i32>} : memref<2x128xi32, #tpu.memory_space<vmem>>, vector<1x16xi32>,
      %shift_right_logical3A_456 = arith.shrui %get3A_448, %broadcast_in_dim3A_22 : vector<16xi32>
      %swap3A_457 = arith.constant 0 : i32
      %swap3A_458 = arith.index_cast %swap3A_457 : i32 to index
      %swap3A_459 = arith.constant 80 : index
      %swap3A_460 = tpu.vector_load %arg8[%swap3A_458, %swap3A_459] {strides = array<i32>} : memref<2x128xi32, #tpu.memory_space<vmem>>, vector<1x16xi32>,
      %swap3A_461 = vector.shape_cast %swap3A_460 : vector<1x16xi32> to vector<16xi32>
      %swap3A_462 = vector.shape_cast %shift_right_logical3A_456 : vector<16xi32> to vector<1x16xi32>
      tpu.vector_store %arg8[%swap3A_458, %swap3A_459], %swap3A_462 {strides = array<i32>} : memref<2x128xi32, #tpu.memory_space<vmem>>, vector<1x16xi32>,
      %get3A_463 = arith.index_cast %add3A_354 : i32 to index
      %get3A_464 = arith.constant 96 : index
      %get3A_465 = tpu.vector_load %arg6[%get3A_463, %get3A_464] {strides = array<i32>} : memref<81x128xi32, #tpu.memory_space<vmem>>, vector<1x16xi32>,
      %get3A_466 = vector.shape_cast %get3A_465 : vector<1x16xi32> to vector<16xi32>
      %and3A_467 = arith.andi %get3A_466, %broadcast_in_dim3A_20 : vector<16xi32>
      %swap3A_468 = arith.constant 0 : i32
      %swap3A_469 = arith.index_cast %swap3A_468 : i32 to index
      %swap3A_470 = arith.constant 96 : index
      %swap3A_471 = tpu.vector_load %arg7[%swap3A_469, %swap3A_470] {strides = array<i32>} : memref<2x128xi32, #tpu.memory_space<vmem>>, vector<1x16xi32>,
      %swap3A_472 = vector.shape_cast %swap3A_471 : vector<1x16xi32> to vector<16xi32>
      %swap3A_473 = vector.shape_cast %and3A_467 : vector<16xi32> to vector<1x16xi32>
      tpu.vector_store %arg7[%swap3A_469, %swap3A_470], %swap3A_473 {strides = array<i32>} : memref<2x128xi32, #tpu.memory_space<vmem>>, vector<1x16xi32>,
      %shift_right_logical3A_474 = arith.shrui %get3A_466, %broadcast_in_dim3A_22 : vector<16xi32>
      %swap3A_475 = arith.constant 0 : i32
      %swap3A_476 = arith.index_cast %swap3A_475 : i32 to index
      %swap3A_477 = arith.constant 96 : index
      %swap3A_478 = tpu.vector_load %arg8[%swap3A_476, %swap3A_477] {strides = array<i32>} : memref<2x128xi32, #tpu.memory_space<vmem>>, vector<1x16xi32>,
      %swap3A_479 = vector.shape_cast %swap3A_478 : vector<1x16xi32> to vector<16xi32>
      %swap3A_480 = vector.shape_cast %shift_right_logical3A_474 : vector<16xi32> to vector<1x16xi32>
      tpu.vector_store %arg8[%swap3A_476, %swap3A_477], %swap3A_480 {strides = array<i32>} : memref<2x128xi32, #tpu.memory_space<vmem>>, vector<1x16xi32>,
      %get3A_481 = arith.index_cast %add3A_354 : i32 to index
      %get3A_482 = arith.constant 112 : index
      %get3A_483 = tpu.vector_load %arg6[%get3A_481, %get3A_482] {strides = array<i32>} : memref<81x128xi32, #tpu.memory_space<vmem>>, vector<1x16xi32>,
      %get3A_484 = vector.shape_cast %get3A_483 : vector<1x16xi32> to vector<16xi32>
      %and3A_485 = arith.andi %get3A_484, %broadcast_in_dim3A_20 : vector<16xi32>
      %swap3A_486 = arith.constant 0 : i32
      %swap3A_487 = arith.index_cast %swap3A_486 : i32 to index
      %swap3A_488 = arith.constant 112 : index
      %swap3A_489 = tpu.vector_load %arg7[%swap3A_487, %swap3A_488] {strides = array<i32>} : memref<2x128xi32, #tpu.memory_space<vmem>>, vector<1x16xi32>,
      %swap3A_490 = vector.shape_cast %swap3A_489 : vector<1x16xi32> to vector<16xi32>
      %swap3A_491 = vector.shape_cast %and3A_485 : vector<16xi32> to vector<1x16xi32>
      tpu.vector_store %arg7[%swap3A_487, %swap3A_488], %swap3A_491 {strides = array<i32>} : memref<2x128xi32, #tpu.memory_space<vmem>>, vector<1x16xi32>,
      %shift_right_logical3A_492 = arith.shrui %get3A_484, %broadcast_in_dim3A_22 : vector<16xi32>
      %swap3A_493 = arith.constant 0 : i32
      %swap3A_494 = arith.index_cast %swap3A_493 : i32 to index
      %swap3A_495 = arith.constant 112 : index
      %swap3A_496 = tpu.vector_load %arg8[%swap3A_494, %swap3A_495] {strides = array<i32>} : memref<2x128xi32, #tpu.memory_space<vmem>>, vector<1x16xi32>,
      %swap3A_497 = vector.shape_cast %swap3A_496 : vector<1x16xi32> to vector<16xi32>
      %swap3A_498 = vector.shape_cast %shift_right_logical3A_492 : vector<16xi32> to vector<1x16xi32>
      tpu.vector_store %arg8[%swap3A_494, %swap3A_495], %swap3A_498 {strides = array<i32>} : memref<2x128xi32, #tpu.memory_space<vmem>>, vector<1x16xi32>,
      %dma_start3A_499 = arith.constant 0 : i32
      %dma_start3A_500 = arith.constant 0 : i32
      %dma_start3A_501 = tpu.memref_slice %arg7[%dma_start3A_499, %dma_start3A_500] : memref<2x128xi32, #tpu.memory_space<vmem>> -> memref<1x128xi32, #tpu.memory_space<vmem>>
      %dma_start3A_502 = tpu.memref_squeeze %dma_start3A_501 : memref<1x128xi32, #tpu.memory_space<vmem>> -> memref<128xi32, #tpu.memory_space<vmem>>
      %dma_start3A_503 = arith.constant 0 : i32
      %dma_start3A_504 = arith.constant 0 : i32
      %dma_start3A_505 = tpu.memref_slice %arg2[%dma_start3A_503, %dma_start3A_504] : memref<10000x128xf32, #tpu.memory_space<hbm>> -> memref<10000x128xf32, #tpu.memory_space<hbm>>
      tpu.enqueue_indirect_dma source(%dma_start3A_505 : memref<10000x128xf32, #tpu.memory_space<hbm>>) target(%arg9 : memref<128x128xf32, #tpu.memory_space<vmem>>) offsets(%dma_start3A_502 : memref<128xi32, #tpu.memory_space<vmem>>) semaphore(%arg11 : memref<!tpu.dma_semaphore, #tpu.memory_space<semaphore_mem>>)
      %dma_wait3A_506 = arith.constant 1 : i32
      %dma_wait3A_507 = arith.constant 0 : i32
      %dma_wait3A_508 = tpu.memref_slice %arg7[%dma_wait3A_506, %dma_wait3A_507] : memref<2x128xi32, #tpu.memory_space<vmem>> -> memref<1x128xi32, #tpu.memory_space<vmem>>
      %dma_wait3A_509 = tpu.memref_squeeze %dma_wait3A_508 : memref<1x128xi32, #tpu.memory_space<vmem>> -> memref<128xi32, #tpu.memory_space<vmem>>
      %dma_wait3A_510 = arith.constant 0 : i32
      %dma_wait3A_511 = arith.constant 0 : i32
      %dma_wait3A_512 = tpu.memref_slice %arg2[%dma_wait3A_510, %dma_wait3A_511] : memref<10000x128xf32, #tpu.memory_space<hbm>> -> memref<10000x128xf32, #tpu.memory_space<hbm>>
      tpu.wait_indirect_dma semaphore(%arg12 : memref<!tpu.dma_semaphore, #tpu.memory_space<semaphore_mem>>) src(%dma_wait3A_512 : memref<10000x128xf32, #tpu.memory_space<hbm>>) dst(%arg10 : memref<128x128xf32, #tpu.memory_space<vmem>>)
      %run_scoped3A_513 = arith.constant 1 : i32
      "tpu.region"() ({
        %run_scoped3A_514 = tpu.sem_alloc : memref<!tpu.dma_semaphore, #tpu.memory_space<semaphore_mem>>
        %dma_start3A_515 = arith.constant 0 : i32
        %dma_start3A_516 = tpu.memref_slice %arg8[%run_scoped3A_513, %dma_start3A_515] : memref<2x128xi32, #tpu.memory_space<vmem>> -> memref<1x128xi32, #tpu.memory_space<vmem>>
        %dma_start3A_517 = tpu.memref_squeeze %dma_start3A_516 : memref<1x128xi32, #tpu.memory_space<vmem>> -> memref<128xi32, #tpu.memory_space<vmem>>
        %dma_start3A_518 = arith.constant 0 : i32
        %dma_start3A_519 = arith.constant 0 : i32
        %dma_start3A_520 = tpu.memref_slice %arg5[%dma_start3A_518, %dma_start3A_519] : memref<10240x128xf32, #tpu.memory_space<vmem_shared>> -> memref<10240x128xf32, #tpu.memory_space<vmem_shared>>
        tpu.enqueue_indirect_dma source(%arg10 : memref<128x128xf32, #tpu.memory_space<vmem>>) target(%dma_start3A_520 : memref<10240x128xf32, #tpu.memory_space<vmem_shared>>) offsets(%dma_start3A_517 : memref<128xi32, #tpu.memory_space<vmem>>) semaphore(%run_scoped3A_514 : memref<!tpu.dma_semaphore, #tpu.memory_space<semaphore_mem>>) {add = true}
        %dma_wait3A_521 = arith.constant 0 : i32
        %dma_wait3A_522 = tpu.memref_slice %arg8[%run_scoped3A_513, %dma_wait3A_521] : memref<2x128xi32, #tpu.memory_space<vmem>> -> memref<1x128xi32, #tpu.memory_space<vmem>>
        %dma_wait3A_523 = tpu.memref_squeeze %dma_wait3A_522 : memref<1x128xi32, #tpu.memory_space<vmem>> -> memref<128xi32, #tpu.memory_space<vmem>>
        %dma_wait3A_524 = arith.constant 0 : i32
        %dma_wait3A_525 = arith.constant 0 : i32
        %dma_wait3A_526 = tpu.memref_slice %arg5[%dma_wait3A_524, %dma_wait3A_525] : memref<10240x128xf32, #tpu.memory_space<vmem_shared>> -> memref<10240x128xf32, #tpu.memory_space<vmem_shared>>
        tpu.wait_indirect_dma semaphore(%run_scoped3A_514 : memref<!tpu.dma_semaphore, #tpu.memory_space<semaphore_mem>>) src(%arg10 : memref<128x128xf32, #tpu.memory_space<vmem>>) dst(%dma_wait3A_526 : memref<10240x128xf32, #tpu.memory_space<vmem_shared>>)
        tpu.yield
      }) : () -> ()
    }
    %scan3A_182 = arith.constant 40 : i32
    %dma_wait3A = arith.constant 0 : i32
    %dma_wait3A_183 = arith.constant 0 : i32
    %dma_wait3A_184 = tpu.memref_slice %arg7[%dma_wait3A, %dma_wait3A_183] : memref<2x128xi32, #tpu.memory_space<vmem>> -> memref<1x128xi32, #tpu.memory_space<vmem>>
    %dma_wait3A_185 = tpu.memref_squeeze %dma_wait3A_184 : memref<1x128xi32, #tpu.memory_space<vmem>> -> memref<128xi32, #tpu.memory_space<vmem>>
    %dma_wait3A_186 = arith.constant 0 : i32
    %dma_wait3A_187 = arith.constant 0 : i32
    %dma_wait3A_188 = tpu.memref_slice %arg2[%dma_wait3A_186, %dma_wait3A_187] : memref<10000x128xf32, #tpu.memory_space<hbm>> -> memref<10000x128xf32, #tpu.memory_space<hbm>>
    tpu.wait_indirect_dma semaphore(%arg11 : memref<!tpu.dma_semaphore, #tpu.memory_space<semaphore_mem>>) src(%dma_wait3A_188 : memref<10000x128xf32, #tpu.memory_space<hbm>>) dst(%arg9 : memref<128x128xf32, #tpu.memory_space<vmem>>)
    %barrier3A_189 = arith.constant 0 : index
    tpu.barrier barrier_id(%barrier3A_189)
    "tpu.region"() ({
      %run_scoped3A = tpu.sem_alloc : memref<!tpu.dma_semaphore, #tpu.memory_space<semaphore_mem>>
      %dma_start3A_190 = arith.constant 0 : i32
      %dma_start3A_191 = tpu.memref_slice %arg4[%arg0, %mul3A_8, %dma_start3A_190] : memref<2x10240x128xf32, #tpu.memory_space<hbm>> -> memref<1x640x128xf32, #tpu.memory_space<hbm>>
      %dma_start3A_192 = tpu.memref_squeeze %dma_start3A_191 : memref<1x640x128xf32, #tpu.memory_space<hbm>> -> memref<640x128xf32, #tpu.memory_space<hbm>>
      %dma_start3A_193 = arith.constant 0 : i32
      %dma_start3A_194 = tpu.memref_slice %arg5[%mul3A_8, %dma_start3A_193] : memref<10240x128xf32, #tpu.memory_space<vmem_shared>> -> memref<640x128xf32, #tpu.memory_space<vmem_shared>>
      tpu.enqueue_dma source(%dma_start3A_194 : memref<640x128xf32, #tpu.memory_space<vmem_shared>>) target(%dma_start3A_192 : memref<640x128xf32, #tpu.memory_space<hbm>>) target_semaphore(%run_scoped3A : memref<!tpu.dma_semaphore, #tpu.memory_space<semaphore_mem>>)
      %dma_wait3A_195 = arith.constant 0 : i32
      %dma_wait3A_196 = tpu.memref_slice %arg4[%arg0, %mul3A_8, %dma_wait3A_195] : memref<2x10240x128xf32, #tpu.memory_space<hbm>> -> memref<1x640x128xf32, #tpu.memory_space<hbm>>
      %dma_wait3A_197 = tpu.memref_squeeze %dma_wait3A_196 : memref<1x640x128xf32, #tpu.memory_space<hbm>> -> memref<640x128xf32, #tpu.memory_space<hbm>>
      %dma_wait3A_198 = arith.constant 0 : i32
      %dma_wait3A_199 = tpu.memref_slice %arg5[%mul3A_8, %dma_wait3A_198] : memref<10240x128xf32, #tpu.memory_space<vmem_shared>> -> memref<640x128xf32, #tpu.memory_space<vmem_shared>>
      tpu.wait_dma2 semaphore(%run_scoped3A : memref<!tpu.dma_semaphore, #tpu.memory_space<semaphore_mem>>) src(%dma_wait3A_199 : memref<640x128xf32, #tpu.memory_space<vmem_shared>>) dst(%dma_wait3A_197 : memref<640x128xf32, #tpu.memory_space<hbm>>)
      tpu.yield
    }) : () -> ()
    return
  }
}

module attributes {stable_mosaic.version = 14 : i64} {
  func.func @_tc_xr(%arg0: i32, %arg1: memref<1000x128xf32, #tpu.memory_space<vmem>>, %arg2: memref<128x128xf32, #tpu.memory_space<vmem>>, %arg3: memref<1000x128xf32, #tpu.memory_space<vmem>>) attributes {dimension_semantics = [#tpu.dimension_semantics<arbitrary>], iteration_bounds = array<i64: 10>, scalar_prefetch = 0 : i64, scratch_operands = 0 : i64, tpu.core_type = #tpu.core_type<tc>, window_params = [{transform_indices = @transform_0, window_bounds = array<i64: 1000, 128>}, {pipeline_mode = #tpu.pipeline_mode<synchronous>, transform_indices = @transform_1, window_bounds = array<i64: 128, 128>}, {transform_indices = @transform_2, window_bounds = array<i64: 1000, 128>}]} {
    %get3A = arith.constant 0 : index
    %get3A_0 = arith.constant 0 : index
    %get3A_1 = vector.load %arg1[%get3A, %get3A_0] : memref<1000x128xf32, #tpu.memory_space<vmem>>, vector<1000x128xf32>
    %get3A_2 = arith.constant 0 : index
    %get3A_3 = arith.constant 0 : index
    %get3A_4 = vector.load %arg2[%get3A_2, %get3A_3] : memref<128x128xf32, #tpu.memory_space<vmem>>, vector<128x128xf32>
    %dot_general3A = arith.constant dense<0.000000e+00> : vector<1000x128xf32>
    %dot_general3A_5 = tpu.matmul %get3A_1, %get3A_4, %dot_general3A {dimension_numbers = #tpu.dot_dimension_numbers<[1], [0], [0], [1], [0, 0, 1, 1], [], []>, transpose_lhs_hint = false} : vector<1000x128xf32>, vector<128x128xf32>, vector<1000x128xf32> -> vector<1000x128xf32>
    %swap3A = arith.constant 0 : index
    %swap3A_6 = arith.constant 0 : index
    %swap3A_7 = vector.load %arg3[%swap3A, %swap3A_6] : memref<1000x128xf32, #tpu.memory_space<vmem>>, vector<1000x128xf32>
    tpu.vector_store %arg3[%swap3A, %swap3A_6], %dot_general3A_5 {strides = array<i32>} : memref<1000x128xf32, #tpu.memory_space<vmem>>, vector<1000x128xf32>,
    return
  }
  func.func @transform_0(%arg0: i32) -> (i32, i32) {
    %c0_i32 = arith.constant 0 : i32
    %c0_i32_0 = arith.constant 0 : i32
    return %arg0, %c0_i32 : i32, i32
  }
  func.func @transform_1(%arg0: i32) -> (i32, i32) {
    %c0_i32 = arith.constant 0 : i32
    %c0_i32_0 = arith.constant 0 : i32
    %c0_i32_1 = arith.constant 0 : i32
    return %c0_i32, %c0_i32_0 : i32, i32
  }
  func.func @transform_2(%arg0: i32) -> (i32, i32) {
    %c0_i32 = arith.constant 0 : i32
    %c0_i32_0 = arith.constant 0 : i32
    return %arg0, %c0_i32 : i32, i32
  }
}

module attributes {stable_mosaic.version = 14 : i64} {
  func.func @_tc_layer1(%arg0: i32, %arg1: memref<2x1000x128xf32, #tpu.memory_space<vmem>>, %arg2: memref<2x1000x1xf32, #tpu.memory_space<vmem>>, %arg3: memref<1000x128xf32, #tpu.memory_space<vmem>>, %arg4: memref<128x128xf32, #tpu.memory_space<vmem>>, %arg5: memref<1x128xf32, #tpu.memory_space<vmem>>, %arg6: memref<1000x128xf32, #tpu.memory_space<vmem>>) attributes {dimension_semantics = [#tpu.dimension_semantics<arbitrary>], iteration_bounds = array<i64: 10>, scalar_prefetch = 0 : i64, scratch_operands = 0 : i64, tpu.core_type = #tpu.core_type<tc>, window_params = [{transform_indices = @transform_0, window_bounds = array<i64: 2, 1000, 128>}, {transform_indices = @transform_1, window_bounds = array<i64: 2, 1000, 1>}, {transform_indices = @transform_2, window_bounds = array<i64: 1000, 128>}, {pipeline_mode = #tpu.pipeline_mode<synchronous>, transform_indices = @transform_3, window_bounds = array<i64: 128, 128>}, {pipeline_mode = #tpu.pipeline_mode<synchronous>, transform_indices = @transform_4, window_bounds = array<i64: 1, 128>}, {transform_indices = @transform_5, window_bounds = array<i64: 1000, 128>}]} {
    %get3A = arith.constant 0 : index
    %get3A_0 = arith.constant 0 : index
    %get3A_1 = arith.constant 0 : index
    %get3A_2 = vector.load %arg2[%get3A, %get3A_0, %get3A_1] : memref<2x1000x1xf32, #tpu.memory_space<vmem>>, vector<1x1000x1xf32>
    %get3A_3 = vector.shape_cast %get3A_2 : vector<1x1000x1xf32> to vector<1000x1xf32>
    %get3A_4 = arith.constant 1 : index
    %get3A_5 = arith.constant 0 : index
    %get3A_6 = arith.constant 0 : index
    %get3A_7 = vector.load %arg2[%get3A_4, %get3A_5, %get3A_6] : memref<2x1000x1xf32, #tpu.memory_space<vmem>>, vector<1x1000x1xf32>
    %get3A_8 = vector.shape_cast %get3A_7 : vector<1x1000x1xf32> to vector<1000x1xf32>
    %add3A = arith.addf %get3A_3, %get3A_8 : vector<1000x1xf32>
    %max3A = arith.constant 1.000000e+00 : f32
    %max3A_9 = vector.broadcast %max3A : f32 to vector<1000x1xf32>
    %max3A_10 = arith.maximumf %add3A, %max3A_9 : vector<1000x1xf32>
    %get3A_11 = arith.constant 0 : index
    %get3A_12 = arith.constant 0 : index
    %get3A_13 = arith.constant 0 : index
    %get3A_14 = vector.load %arg1[%get3A_11, %get3A_12, %get3A_13] : memref<2x1000x128xf32, #tpu.memory_space<vmem>>, vector<1x1000x128xf32>
    %get3A_15 = vector.shape_cast %get3A_14 : vector<1x1000x128xf32> to vector<1000x128xf32>
    %get3A_16 = arith.constant 1 : index
    %get3A_17 = arith.constant 0 : index
    %get3A_18 = arith.constant 0 : index
    %get3A_19 = vector.load %arg1[%get3A_16, %get3A_17, %get3A_18] : memref<2x1000x128xf32, #tpu.memory_space<vmem>>, vector<1x1000x128xf32>
    %get3A_20 = vector.shape_cast %get3A_19 : vector<1x1000x128xf32> to vector<1000x128xf32>
    %add3A_21 = arith.addf %get3A_15, %get3A_20 : vector<1000x128xf32>
    %div3A = vector.broadcast %max3A_10 : vector<1000x1xf32> to vector<1000x128xf32>
    %div3A_22 = arith.divf %add3A_21, %div3A : vector<1000x128xf32>
    %get3A_23 = arith.constant 0 : index
    %get3A_24 = arith.constant 0 : index
    %get3A_25 = vector.load %arg4[%get3A_23, %get3A_24] : memref<128x128xf32, #tpu.memory_space<vmem>>, vector<128x128xf32>
    %dot_general3A = arith.constant dense<0.000000e+00> : vector<1000x128xf32>
    %dot_general3A_26 = tpu.matmul %div3A_22, %get3A_25, %dot_general3A {dimension_numbers = #tpu.dot_dimension_numbers<[1], [0], [0], [1], [0, 0, 1, 1], [], []>, transpose_lhs_hint = false} : vector<1000x128xf32>, vector<128x128xf32>, vector<1000x128xf32> -> vector<1000x128xf32>
    %get3A_27 = arith.constant 0 : index
    %get3A_28 = arith.constant 0 : index
    %get3A_29 = vector.load %arg3[%get3A_27, %get3A_28] : memref<1000x128xf32, #tpu.memory_space<vmem>>, vector<1000x128xf32>
    %add3A_30 = arith.addf %dot_general3A_26, %get3A_29 : vector<1000x128xf32>
    %get3A_31 = arith.constant 0 : index
    %get3A_32 = arith.constant 0 : index
    %get3A_33 = vector.load %arg5[%get3A_31, %get3A_32] : memref<1x128xf32, #tpu.memory_space<vmem>>, vector<1x128xf32>
    %add3A_34 = vector.broadcast %get3A_33 : vector<1x128xf32> to vector<1000x128xf32>
    %add3A_35 = arith.addf %add3A_30, %add3A_34 : vector<1000x128xf32>
    %max3A_36 = arith.constant 0.000000e+00 : f32
    %max3A_37 = vector.broadcast %max3A_36 : f32 to vector<1000x128xf32>
    %max3A_38 = arith.maximumf %add3A_35, %max3A_37 : vector<1000x128xf32>
    %swap3A = arith.constant 0 : index
    %swap3A_39 = arith.constant 0 : index
    %swap3A_40 = vector.load %arg6[%swap3A, %swap3A_39] : memref<1000x128xf32, #tpu.memory_space<vmem>>, vector<1000x128xf32>
    tpu.vector_store %arg6[%swap3A, %swap3A_39], %max3A_38 {strides = array<i32>} : memref<1000x128xf32, #tpu.memory_space<vmem>>, vector<1000x128xf32>,
    return
  }
  func.func @transform_0(%arg0: i32) -> (i32, i32, i32) {
    %c0_i32 = arith.constant 0 : i32
    %c0_i32_0 = arith.constant 0 : i32
    %c0_i32_1 = arith.constant 0 : i32
    return %c0_i32, %arg0, %c0_i32_0 : i32, i32, i32
  }
  func.func @transform_1(%arg0: i32) -> (i32, i32, i32) {
    %c0_i32 = arith.constant 0 : i32
    %c0_i32_0 = arith.constant 0 : i32
    %c0_i32_1 = arith.constant 0 : i32
    return %c0_i32, %arg0, %c0_i32_0 : i32, i32, i32
  }
  func.func @transform_2(%arg0: i32) -> (i32, i32) {
    %c0_i32 = arith.constant 0 : i32
    %c0_i32_0 = arith.constant 0 : i32
    return %arg0, %c0_i32 : i32, i32
  }
  func.func @transform_3(%arg0: i32) -> (i32, i32) {
    %c0_i32 = arith.constant 0 : i32
    %c0_i32_0 = arith.constant 0 : i32
    %c0_i32_1 = arith.constant 0 : i32
    return %c0_i32, %c0_i32_0 : i32, i32
  }
  func.func @transform_4(%arg0: i32) -> (i32, i32) {
    %c0_i32 = arith.constant 0 : i32
    %c0_i32_0 = arith.constant 0 : i32
    %c0_i32_1 = arith.constant 0 : i32
    return %c0_i32, %c0_i32_0 : i32, i32
  }
  func.func @transform_5(%arg0: i32) -> (i32, i32) {
    %c0_i32 = arith.constant 0 : i32
    %c0_i32_0 = arith.constant 0 : i32
    return %arg0, %c0_i32 : i32, i32
  }
}

module attributes {stable_mosaic.version = 14 : i64} {
  func.func @_tc_layer2(%arg0: i32, %arg1: memref<2x1000x128xf32, #tpu.memory_space<vmem>>, %arg2: memref<2x1000x1xf32, #tpu.memory_space<vmem>>, %arg3: memref<1000x128xf32, #tpu.memory_space<vmem>>, %arg4: memref<128x128xf32, #tpu.memory_space<vmem>>, %arg5: memref<1x128xf32, #tpu.memory_space<vmem>>, %arg6: memref<128x128xf32, #tpu.memory_space<vmem>>, %arg7: memref<128x128xf32, #tpu.memory_space<vmem>>, %arg8: memref<1x128xf32, #tpu.memory_space<vmem>>, %arg9: memref<1000x128xf32, #tpu.memory_space<vmem>>, %arg10: memref<1000x128xf32, #tpu.memory_space<vmem>>) attributes {dimension_semantics = [#tpu.dimension_semantics<arbitrary>], iteration_bounds = array<i64: 10>, scalar_prefetch = 0 : i64, scratch_operands = 0 : i64, tpu.core_type = #tpu.core_type<tc>, window_params = [{transform_indices = @transform_0, window_bounds = array<i64: 2, 1000, 128>}, {transform_indices = @transform_1, window_bounds = array<i64: 2, 1000, 1>}, {transform_indices = @transform_2, window_bounds = array<i64: 1000, 128>}, {pipeline_mode = #tpu.pipeline_mode<synchronous>, transform_indices = @transform_3, window_bounds = array<i64: 128, 128>}, {pipeline_mode = #tpu.pipeline_mode<synchronous>, transform_indices = @transform_4, window_bounds = array<i64: 1, 128>}, {pipeline_mode = #tpu.pipeline_mode<synchronous>, transform_indices = @transform_5, window_bounds = array<i64: 128, 128>}, {pipeline_mode = #tpu.pipeline_mode<synchronous>, transform_indices = @transform_6, window_bounds = array<i64: 128, 128>}, {pipeline_mode = #tpu.pipeline_mode<synchronous>, transform_indices = @transform_7, window_bounds = array<i64: 1, 128>}, {transform_indices = @transform_8, window_bounds = array<i64: 1000, 128>}, {transform_indices = @transform_9, window_bounds = array<i64: 1000, 128>}]} {
    %get3A = arith.constant 0 : index
    %get3A_0 = arith.constant 0 : index
    %get3A_1 = arith.constant 0 : index
    %get3A_2 = vector.load %arg2[%get3A, %get3A_0, %get3A_1] : memref<2x1000x1xf32, #tpu.memory_space<vmem>>, vector<1x1000x1xf32>
    %get3A_3 = vector.shape_cast %get3A_2 : vector<1x1000x1xf32> to vector<1000x1xf32>
    %get3A_4 = arith.constant 1 : index
    %get3A_5 = arith.constant 0 : index
    %get3A_6 = arith.constant 0 : index
    %get3A_7 = vector.load %arg2[%get3A_4, %get3A_5, %get3A_6] : memref<2x1000x1xf32, #tpu.memory_space<vmem>>, vector<1x1000x1xf32>
    %get3A_8 = vector.shape_cast %get3A_7 : vector<1x1000x1xf32> to vector<1000x1xf32>
    %add3A = arith.addf %get3A_3, %get3A_8 : vector<1000x1xf32>
    %max3A = arith.constant 1.000000e+00 : f32
    %max3A_9 = vector.broadcast %max3A : f32 to vector<1000x1xf32>
    %max3A_10 = arith.maximumf %add3A, %max3A_9 : vector<1000x1xf32>
    %get3A_11 = arith.constant 0 : index
    %get3A_12 = arith.constant 0 : index
    %get3A_13 = arith.constant 0 : index
    %get3A_14 = vector.load %arg1[%get3A_11, %get3A_12, %get3A_13] : memref<2x1000x128xf32, #tpu.memory_space<vmem>>, vector<1x1000x128xf32>
    %get3A_15 = vector.shape_cast %get3A_14 : vector<1x1000x128xf32> to vector<1000x128xf32>
    %get3A_16 = arith.constant 1 : index
    %get3A_17 = arith.constant 0 : index
    %get3A_18 = arith.constant 0 : index
    %get3A_19 = vector.load %arg1[%get3A_16, %get3A_17, %get3A_18] : memref<2x1000x128xf32, #tpu.memory_space<vmem>>, vector<1x1000x128xf32>
    %get3A_20 = vector.shape_cast %get3A_19 : vector<1x1000x128xf32> to vector<1000x128xf32>
    %add3A_21 = arith.addf %get3A_15, %get3A_20 : vector<1000x128xf32>
    %div3A = vector.broadcast %max3A_10 : vector<1000x1xf32> to vector<1000x128xf32>
    %div3A_22 = arith.divf %add3A_21, %div3A : vector<1000x128xf32>
    %get3A_23 = arith.constant 0 : index
    %get3A_24 = arith.constant 0 : index
    %get3A_25 = vector.load %arg4[%get3A_23, %get3A_24] : memref<128x128xf32, #tpu.memory_space<vmem>>, vector<128x128xf32>
    %dot_general3A = arith.constant dense<0.000000e+00> : vector<1000x128xf32>
    %dot_general3A_26 = tpu.matmul %div3A_22, %get3A_25, %dot_general3A {dimension_numbers = #tpu.dot_dimension_numbers<[1], [0], [0], [1], [0, 0, 1, 1], [], []>, transpose_lhs_hint = false} : vector<1000x128xf32>, vector<128x128xf32>, vector<1000x128xf32> -> vector<1000x128xf32>
    %get3A_27 = arith.constant 0 : index
    %get3A_28 = arith.constant 0 : index
    %get3A_29 = vector.load %arg3[%get3A_27, %get3A_28] : memref<1000x128xf32, #tpu.memory_space<vmem>>, vector<1000x128xf32>
    %get3A_30 = arith.constant 0 : index
    %get3A_31 = arith.constant 0 : index
    %get3A_32 = vector.load %arg6[%get3A_30, %get3A_31] : memref<128x128xf32, #tpu.memory_space<vmem>>, vector<128x128xf32>
    %dot_general3A_33 = arith.constant dense<0.000000e+00> : vector<1000x128xf32>
    %dot_general3A_34 = tpu.matmul %get3A_29, %get3A_32, %dot_general3A_33 {dimension_numbers = #tpu.dot_dimension_numbers<[1], [0], [0], [1], [0, 0, 1, 1], [], []>, transpose_lhs_hint = false} : vector<1000x128xf32>, vector<128x128xf32>, vector<1000x128xf32> -> vector<1000x128xf32>
    %add3A_35 = arith.addf %dot_general3A_26, %dot_general3A_34 : vector<1000x128xf32>
    %get3A_36 = arith.constant 0 : index
    %get3A_37 = arith.constant 0 : index
    %get3A_38 = vector.load %arg5[%get3A_36, %get3A_37] : memref<1x128xf32, #tpu.memory_space<vmem>>, vector<1x128xf32>
    %add3A_39 = vector.broadcast %get3A_38 : vector<1x128xf32> to vector<1000x128xf32>
    %add3A_40 = arith.addf %add3A_35, %add3A_39 : vector<1000x128xf32>
    %max3A_41 = arith.constant 0.000000e+00 : f32
    %max3A_42 = vector.broadcast %max3A_41 : f32 to vector<1000x128xf32>
    %max3A_43 = arith.maximumf %add3A_40, %max3A_42 : vector<1000x128xf32>
    %swap3A = arith.constant 0 : index
    %swap3A_44 = arith.constant 0 : index
    %swap3A_45 = vector.load %arg10[%swap3A, %swap3A_44] : memref<1000x128xf32, #tpu.memory_space<vmem>>, vector<1000x128xf32>
    tpu.vector_store %arg10[%swap3A, %swap3A_44], %max3A_43 {strides = array<i32>} : memref<1000x128xf32, #tpu.memory_space<vmem>>, vector<1000x128xf32>,
    %get3A_46 = arith.constant 0 : index
    %get3A_47 = arith.constant 0 : index
    %get3A_48 = vector.load %arg7[%get3A_46, %get3A_47] : memref<128x128xf32, #tpu.memory_space<vmem>>, vector<128x128xf32>
    %dot_general3A_49 = arith.constant dense<0.000000e+00> : vector<1000x128xf32>
    %dot_general3A_50 = tpu.matmul %max3A_43, %get3A_48, %dot_general3A_49 {dimension_numbers = #tpu.dot_dimension_numbers<[1], [0], [0], [1], [0, 0, 1, 1], [], []>, transpose_lhs_hint = false} : vector<1000x128xf32>, vector<128x128xf32>, vector<1000x128xf32> -> vector<1000x128xf32>
    %get3A_51 = arith.constant 0 : index
    %get3A_52 = arith.constant 0 : index
    %get3A_53 = vector.load %arg8[%get3A_51, %get3A_52] : memref<1x128xf32, #tpu.memory_space<vmem>>, vector<1x128xf32>
    %add3A_54 = vector.broadcast %get3A_53 : vector<1x128xf32> to vector<1000x128xf32>
    %add3A_55 = arith.addf %dot_general3A_50, %add3A_54 : vector<1000x128xf32>
    %swap3A_56 = arith.constant 0 : index
    %swap3A_57 = arith.constant 0 : index
    %swap3A_58 = vector.load %arg9[%swap3A_56, %swap3A_57] : memref<1000x128xf32, #tpu.memory_space<vmem>>, vector<1000x128xf32>
    tpu.vector_store %arg9[%swap3A_56, %swap3A_57], %add3A_55 {strides = array<i32>} : memref<1000x128xf32, #tpu.memory_space<vmem>>, vector<1000x128xf32>,
    return
  }
  func.func @transform_0(%arg0: i32) -> (i32, i32, i32) {
    %c0_i32 = arith.constant 0 : i32
    %c0_i32_0 = arith.constant 0 : i32
    %c0_i32_1 = arith.constant 0 : i32
    return %c0_i32, %arg0, %c0_i32_0 : i32, i32, i32
  }
  func.func @transform_1(%arg0: i32) -> (i32, i32, i32) {
    %c0_i32 = arith.constant 0 : i32
    %c0_i32_0 = arith.constant 0 : i32
    %c0_i32_1 = arith.constant 0 : i32
    return %c0_i32, %arg0, %c0_i32_0 : i32, i32, i32
  }
  func.func @transform_2(%arg0: i32) -> (i32, i32) {
    %c0_i32 = arith.constant 0 : i32
    %c0_i32_0 = arith.constant 0 : i32
    return %arg0, %c0_i32 : i32, i32
  }
  func.func @transform_3(%arg0: i32) -> (i32, i32) {
    %c0_i32 = arith.constant 0 : i32
    %c0_i32_0 = arith.constant 0 : i32
    %c0_i32_1 = arith.constant 0 : i32
    return %c0_i32, %c0_i32_0 : i32, i32
  }
  func.func @transform_4(%arg0: i32) -> (i32, i32) {
    %c0_i32 = arith.constant 0 : i32
    %c0_i32_0 = arith.constant 0 : i32
    %c0_i32_1 = arith.constant 0 : i32
    return %c0_i32, %c0_i32_0 : i32, i32
  }
  func.func @transform_5(%arg0: i32) -> (i32, i32) {
    %c0_i32 = arith.constant 0 : i32
    %c0_i32_0 = arith.constant 0 : i32
    %c0_i32_1 = arith.constant 0 : i32
    return %c0_i32, %c0_i32_0 : i32, i32
  }
  func.func @transform_6(%arg0: i32) -> (i32, i32) {
    %c0_i32 = arith.constant 0 : i32
    %c0_i32_0 = arith.constant 0 : i32
    %c0_i32_1 = arith.constant 0 : i32
    return %c0_i32, %c0_i32_0 : i32, i32
  }
  func.func @transform_7(%arg0: i32) -> (i32, i32) {
    %c0_i32 = arith.constant 0 : i32
    %c0_i32_0 = arith.constant 0 : i32
    %c0_i32_1 = arith.constant 0 : i32
    return %c0_i32, %c0_i32_0 : i32, i32
  }
  func.func @transform_8(%arg0: i32) -> (i32, i32) {
    %c0_i32 = arith.constant 0 : i32
    %c0_i32_0 = arith.constant 0 : i32
    return %arg0, %c0_i32 : i32, i32
  }
  func.func @transform_9(%arg0: i32) -> (i32, i32) {
    %c0_i32 = arith.constant 0 : i32
    %c0_i32_0 = arith.constant 0 : i32
    return %arg0, %c0_i32 : i32, i32
  }
}

</mosaic_0001>

<sc_bundles>
// kernel: sc_agg_deg0.3.cloned.1.call-start
scs
__scs_entry_jumppad:
0x0: {  	(pc) =	sbr.rel $0x88, $3  }
0x1: {  	(tag) =	ssettag $0x0;
	lr =	simm.s32 $0x1  }
0x2: {  	[smem:$0x3F97] =	sst lr;
	_ =	strace $0xD0000000  }
0x3: {  	_ = 	snop  }
0x4: {  	_ = 	snop  }
0x5: {  	_ = 	snop  }
0x6: {  	_ = 	snop  }
0x7: {  	_ = 	snop  }
__scs_overlays_trampoline_lowered:
0x8: {  	[smem:$0x3FA6] =	sst s0  }
0x9: {  	[smem:$0x3FA7] =	sst s1  }
0xa: {  	[smem:$0x3FA8] =	sst s2  }
0xb: {  	[smem:$0x3FA9] =	sst s3  }
0xc: {  	[smem:$0x3FAA] =	sst s4  }
0xd: {  	[smem:$0x3FAB] =	sst s5  }
0xe: {  	[smem:$0x3FAC] =	sst s6  }
0xf: {  	[smem:$0x3FAD] =	sst s7  }
0x10: {  	[smem:$0x3FAE] =	sst s8  }
0x11: {  	[smem:$0x3FAF] =	sst s9;
	s0 =	simm.s32 @!p0 $0x0  }
0x12: {  	s1 =	sld [smem:$0x3F95];
	s0 =	simm.s32 @p0 $0x1  }
0x13: {  	[smem:$0x3FB0] =	sst s0;
	s0 =	simm.s32 @!p1 $0x0  }
0x14: {  	s2 =	sld [smem:$0x3F94];
	s0 =	simm.s32 @p1 $0x1  }
0x15: {  	[smem:$0x3FB1] =	sst s0;
	s0 =	simm.s32 @!p2 $0x0  }
0x16: {  	s3 =	sld [smem:$0x3FDB];
	s0 =	simm.s32 @p2 $0x1  }
0x17: {  	s4 =	simm.s32 $0x1BF5;
	[smem:$0x3FB3] =	sst s0  }
0x18: {  	s0 =	sld [smem:$0x3F96];
	_ =	swait.ge [sflag:s4], $0x0  }
0x19: {  	s7 =	sld [smem:$0x3F97]  }
0x1a: {  	s8 =	sadd.s32 $0xFFFFE003, lr  }
0x1b: {  	s9 =	sadd.s32 $0xFFFFFEF7, lr;
	s5 =	simm.s32 $0xFFFFFFFF;
	p2 =	slt.u32 s8, $0xFFFFF086  }
0x1c: {  	p1 =	slt.u32 s9, $0xF7A;
	s5 =	simm.s32 @!p2 $0x0  }
0x1d: {  	s5 =	simm.s32 @p1 $0x1;
	p0 =	seq.s32 s7, s2  }
0x1e: {  	s7 =	smul.u32 @!p0 $0xF7A, s2;
	p2 =	seq.s32 @!p0 s5, $0x0  }
0x1f: {  	s9 =	smul.u32 $0xF7A, s1;
	s8 =	simm.s32 @!p0 $0x1BF5;
	p2 =	por !p2, p0  }
0x20: {  	[sflag:s8] =	ssyncset.s32 @!p0 $0xFFFFF086;
	s6 =	sadd.s32 @!p0 s3, s7;
	s7 =	simm.s32 @!p0 $0x108  }
0x21: {  	s3 =	sadd.s32 s3, s9;
	s6 =	sadd.s32 @!p0 $0x88, s6;
	s7 =	simm.s32 @p2 $0x1082  }
0x22: {  	[simem:s7], [sflag:s8] =	dma.local @!p0 [hbm:s6], $0xF7A  }
0x23: {  	s9 =	sor.u32 $0xD0000000, s2;
	s6 =	simm.s32 $0x108;
	_ =	swait.ge @!p0 [sflag:s8], $0x0  }
0x24: {  	s3 =	sadd.s32 $0x88, s3;
	s6 =	simm.s32 @!p1 $0x1082;
	[sflag:s4] =	ssyncset.s32 $0xFFFFF086  }
0x25: {  	[simem:s6], [sflag:s4] =	dma.local [hbm:s3], $0xF7A  }
0x26: {  	[smem:$0x3F97] =	sst s1;
	(tag) =	ssettag s2;
	_ =	strace s9  }
0x27: {  	s1 =	sld [smem:$0x3FA7]  }
0x28: {  	s2 =	sld [smem:$0x3FA8]  }
0x29: {  	s4 =	sld [smem:$0x3FAA]  }
0x2a: {  	p0 =	seq.s32 s5, $0x0;
	s5 =	sld [smem:$0x3FAB]  }
0x2b: {  	s6 =	sld [smem:$0x3FAC]  }
0x2c: {  	s7 =	sld [smem:$0x3FAD]  }
0x2d: {  	s3 =	simm.s32 $0x108;
	s8 =	sld [smem:$0x3FAE]  }
0x2e: {  	s3 =	simm.s32 @!p0 $0x1082;
	s9 =	sld [smem:$0x3FAF]  }
0x2f: {  	lr =	sadd.s32 s0, s3;
	s0 =	sld [smem:$0x3FA6]  }
0x30: {  	s3 =	sld [smem:$0x3FA9]  }
0x31: {  	[smem:$0x3FB2] =	sst s10  }
0x32: {  	s10 =	sld [smem:$0x3FB0];
	_ =	sdelay $0x3  }
0x33: {  	p0 =	seq.s32 s10, $0x1;
	s10 =	sld [smem:$0x3FB2];
	_ =	sdelay $0x3  }
0x34: {  	[smem:$0x3FB2] =	sst s10  }
0x35: {  	s10 =	sld [smem:$0x3FB1];
	_ =	sdelay $0x3  }
0x36: {  	p1 =	seq.s32 s10, $0x1;
	s10 =	sld [smem:$0x3FB2];
	_ =	sdelay $0x3  }
0x37: {  	[smem:$0x3FB2] =	sst s10  }
0x38: {  	s10 =	sld [smem:$0x3FB3]  }
0x39: {  	_ = 	snop;
	(pc) =	sbr.ind lr, $3  }
0x3a: {  	_ = 	snop  }
0x3b: {  	_ = 	snop  }
0x3c: {  	p2 =	seq.s32 s10, $0x1;
	s10 =	sld [smem:$0x3FB2]  }
0x3d: {  	_ =	shalt  }
0x3e: {  	_ =	shalt  }
0x3f: {  	_ =	shalt  }
0x40: {  	_ =	shalt  }
0x41: {  	_ =	shalt  }
0x42: {  	_ =	shalt  }
0x43: {  	_ =	shalt  }
0x44: {  	_ =	shalt  }
0x45: {  	_ =	shalt  }
0x46: {  	_ =	shalt  }
0x47: {  	_ =	shalt  }
0x48: {  	_ =	shalt  }
0x49: {  	_ =	shalt  }
0x4a: {  	_ =	shalt  }
0x4b: {  	_ =	shalt  }
0x4c: {  	_ =	shalt  }
0x4d: {  	_ =	shalt  }
0x4e: {  	_ =	shalt  }
0x4f: {  	_ =	shalt  }
0x50: {  	_ =	shalt  }
0x51: {  	_ =	shalt  }
0x52: {  	_ =	shalt  }
0x53: {  	_ =	shalt  }
0x54: {  	_ =	shalt  }
0x55: {  	_ =	shalt  }
0x56: {  	_ =	shalt  }
0x57: {  	_ =	shalt  }
0x58: {  	_ =	shalt  }
0x59: {  	_ =	shalt  }
0x5a: {  	_ =	shalt  }
0x5b: {  	_ =	shalt  }
0x5c: {  	_ =	shalt  }
0x5d: {  	_ =	shalt  }
0x5e: {  	_ =	shalt  }
0x5f: {  	_ =	shalt  }
0x60: {  	_ =	shalt  }
0x61: {  	_ =	shalt  }
0x62: {  	_ =	shalt  }
0x63: {  	_ =	shalt  }
0x64: {  	_ =	shalt  }
0x65: {  	_ =	shalt  }
0x66: {  	_ =	shalt  }
0x67: {  	_ =	shalt  }
0x68: {  	_ =	shalt  }
0x69: {  	_ =	shalt  }
0x6a: {  	_ =	shalt  }
0x6b: {  	_ =	shalt  }
0x6c: {  	_ =	shalt  }
0x6d: {  	_ =	shalt  }
0x6e: {  	_ =	shalt  }
0x6f: {  	_ =	shalt  }
0x70: {  	_ =	shalt  }
0x71: {  	_ =	shalt  }
0x72: {  	_ =	shalt  }
0x73: {  	_ =	shalt  }
0x74: {  	_ =	shalt  }
0x75: {  	_ =	shalt  }
0x76: {  	_ =	shalt  }
0x77: {  	_ =	shalt  }
0x78: {  	_ =	shalt  }
0x79: {  	_ =	shalt  }
0x7a: {  	_ =	shalt  }
0x7b: {  	_ =	shalt  }
0x7c: {  	_ =	shalt  }
0x7d: {  	_ =	shalt  }
0x7e: {  	_ =	shalt  }
0x7f: {  	_ =	shalt  }
0x80: {  	_ =	shalt  }
0x81: {  	_ =	shalt  }
0x82: {  	_ =	shalt  }
0x83: {  	_ =	shalt  }
0x84: {  	_ =	shalt  }
0x85: {  	_ =	shalt  }
0x86: {  	_ =	shalt  }
0x87: {  	_ =	shalt  }
.Lfunc_end0:
.L_simem_size_0:
called_computation.1_lowered:
.L_overlay_start_0:
0x88: {  	s2 =	sld [smem:$0x3FD9]  }
0x89: {  	s3 =	sld [smem:$0x3FFE];
	_ =	sdelay $0x1  }
0x8a: {  	s1 =	srdreg.scid  }
0x8b: {  	s0 =	sand.u32 $0x1, s1  }
0x8c: {  	s14 =	sshll.u32 s0, $0xA;
	s2 =	sadd.s32 s3, s2  }
0x8d: {  	s2 =	sadd.s32 s2, s14  }
0x8e: {  	[smem:$0x3FBE] =	sst s2  }
0x8f: {  	_ = 	snop  }
0x90: {  	s2 =	sld [smem:$0x3FD0];
	_ =	sdelay $0x2  }
0x91: {  	s15 =	simm.s32 $0xA;
	s4 =	simm.s32 $0x10  }
0x92: {  	[smem:s4], [sflag:s15] =	dma.local [hbm:s2], $0x1  }
0x93: {  	_ =	swait.eq [sflag:s15], $0x1  }
0x94: {  	[sflag:s15] =	ssyncset.done $0x0  }
0x95: {  	s16 =	sld [smem:$0x10];
	[sflag:s15] =	ssyncadd.s32 $0xFFFFFFFF  }
0x96: {  	s17 =	sld [smem:$0x11];
	(tm) =	ssettm $0x1  }
0x97: {  	s18 =	sld [smem:$0x3FFB];
	_ =	sdelay $0x3  }
0x98: {  	_ =	strace s18  }
0x99: {  	s4 =	sld [smem:$0x3FFC];
	_ =	sdelay $0x3  }
0x9a: {  	_ =	strace s4  }
0x9b: {  	s4 =	sld [smem:$0x3FFD];
	_ =	sdelay $0x3  }
0x9c: {  	_ =	strace s4  }
0x9d: {  	_ =	strace $0x8FFFFFFF  }
0x9e: {  	s19 =	sld [smem:$0x3FDB];
	_ =	sdelay $0x1  }
0x9f: {  	s5 =	simm.s32 $_scs_section_size  }
0xa0: {  	s6 =	simm.s32 $_size__tile_overlayer_lowered;
	s7 =	simm.s32 $_tile_overlayer_lowered  }
0xa1: {  	s22 =	simm.s32 $0x1BFF;
	s21 =	sshll.u32 s7, $0x1;
	s4 =	sadd.s32 s5, s19  }
0xa2: {  	s8 =	simm.s32 $0x0;
	s20 =	sshll.u32 s6, $0x1;
	s6 =	sadd.s32 s21, s4  }
0xa3: {  	[timem:s8], [sflag:s22] =	dma.local [hbm:s6], s20  }
0xa4: {  	_ =	swait.ge [sflag:s22], s20  }
0xa5: {  	s5 =	ssub.s32 $0x0, s20;
	[sflag:s22] =	ssyncset.done $0x0  }
0xa6: {  	[sflag:s22] =	ssyncadd.s32 s5;
	_ =	sdelay $0x1  }
0xa7: {  	s23 =	simm.s32 $0x1B8B  }
0xa8: {  	_ =	swait.ge [sflag:s23], $0x1  }
0xa9: {  	[sflag:s23] =	ssyncset.done $0x0  }
0xaa: {  	s25 =	simm.s32 $0x1B8E;
	s24 =	sld [smem:$0x3FFE];
	[sflag:s23] =	ssyncadd.s32 $0xFFFFFFFF  }
0xab: {  	s26 =	simm.s32 $execute0_lowered;
	[smem:$0x3FD2] =	sst s25  }
0xac: {  	s6 =	sshll.u32 s26, $0x1;
	_ =	strace $0x80000049;
	[dreg:$0x1] =	wrdreg $0xFFFFFFFF  }
0xad: {  	s28 =	simm.s32 $_size_execute0_lowered;
	s4 =	sadd.s32 s4, s6;
	[dreg:$0x0] =	wrdreg $0x0  }
0xae: {  	s6 =	sshll.u32 s28, $0x1;
	[dreg:$0x2] =	wrdreg s4  }
0xaf: {  	[dreg:$0x3] =	wrdreg s6  }
0xb0: {  	[dreg:$0x4] =	wrdreg $0xC0  }
0xb1: {  	_ =	task [dreg:s8], $0x5FFFF  }
0xb2: {  	[dreg:$0x1] =	wrdreg $0xFFFFFFFF  }
0xb3: {  	[dreg:$0x0] =	wrdreg $0x60  }
0xb4: {  	[dreg:$0x2] =	wrdreg s17  }
0xb5: {  	[dreg:$0x3] =	wrdreg s16  }
0xb6: {  	[dreg:$0x4] =	wrdreg s24  }
0xb7: {  	[dreg:$0x5] =	wrdreg $0x0  }
0xb8: {  	[dreg:$0x6] =	wrdreg $0x9  }
0xb9: {  	_ =	task.clear_ibuf [dreg:s8], $0x7FFFF;
	_ =	strace $0x90000049  }
0xba: {  	s29 =	simm.s32 $0x9;
	_ =	strace $0x8000004B  }
0xbb: {  	_ =	swait.ge [sflag:s29], $0x1  }
0xbc: {  	[sflag:s29] =	ssyncadd.s32 $0xFFFFFFFF  }
0xbd: {  	_ =	strace $0x9000004B  }
0xbe: {  	_ =	sfence  }
0xbf: {  	s30 =	sld [smem:$0x0];
	_ =	sdelay $0x2  }
0xc0: {  	s31 =	sshll.u32 s1, $0xD;
	s1 =	sshrl.u32 s1, $0x2  }
0xc1: {  	s3 =	sand.u32 $0x4000, s31;
	s1 =	sadd.s32 s1, s30  }
0xc2: {  	s0 =	sor.u32 s3, s0;
	s1 =	sshll.u32 s1, $0x11  }
0xc3: {  	s0 =	sor.u32 s1, s0  }
0xc4: {  	s0 =	sadd.s32 $0x8F2B, s0  }
0xc5: {  	[sflag:s0] =	ssyncadd.remote.s32 $0x1  }
0xc6: {  	_ =	sfence.sel $0xFFFF  }
0xc7: {  	[dreg:$0x0] =	wrdreg $0xFFFFFFFF;
	(pc) =	sbr.abs _section_cstart, $3  }
0xc8: {  	[dreg:$0x1] =	wrdreg $0xFFFFFFFF  }
0xc9: {  	_ =	task.clear_ibuf [dreg:s8], $0x2FFFF;
	_ =	strace $0x9FFFFFFF  }
0xca: {  	(tm) =	ssettm $0x7FFFFFFF  }
0xcb: {  	_ =	shalt  }
tec
execute0_lowered:
.L_overlay_start_1:
0x0: {  	(tag) =	ssettag $0x1  }
0x1: {  	s1 =	rddreg [dreg:$0x0]  }
0x2: {  	s5 =	rddreg [dreg:$0x1]  }
0x3: {  	s6 =	rddreg [dreg:$0x2]  }
0x4: {  	s2 =	rddreg [dreg:$0x3];
	s3 =	srdreg.scid  }
0x5: {  	s0 =	rddreg [dreg:$0x4];
	s4 =	simm.s32 $0x0;
	s13 =	simm.s32 $0x14000  }
0x6: {  	s14 =	simm.s32 $0x3;
	s15 =	simm.s32 $0x16E00;
	s16 =	simm.s32 $0x80  }
0x7: {  	s17 =	simm.s32 $0x16C00;
	s18 =	simm.s32 $0x16C80;
	s19 =	simm.s32 $0x1AE00  }
0x8: {  	s20 =	simm.s32 $0x1;
	s21 =	simm.s32 $0x16D00;
	s22 =	simm.s32 $0x2  }
0x9: {  	s23 =	simm.s32 $0x16D80;
	s7 =	sand.u32 $0x1, s3;
	s3 =	stileid.u32  }
0xa: {  	s26 =	simm.s32 $0x0;
	[smem:$0x7FF] =	sst s4;
	s8 =	smul.u32 $0x140000, s7  }
0xb: {  	s9 =	smul.u32 $0x14000, s3;
	_ =	strace $0x8000004A;
	s10 =	sshll.u32 s7, $0x4  }
0xc: {  	s29 =	smul.u32 $0x50000, s3;
	s7 =	ssub.s32 $0x2, s7;
	s24 =	sshll.u32 s3, $0x6  }
0xd: {  	s28 =	sor.u32 s3, s10;
	s30 =	sshrl.u32 s7, $0x1;
	s24 =	sor.u32 $0x1C03, s24  }
0xe: {  	s8 =	sadd.s32 s9, s8;
	s9 =	smul.u32 $0x580, s28;
	s12 =	ssub.s32 s7, s30  }
0xf: {  	s31 =	sshrl.u32 s29, $0x2;
	s8 =	sshrl.u32 s8, $0x3;
	s12 =	smax.u32 s12, $0x1  }
0x10: {  	s11 =	sadd.s32 s8, s6;
	s5 =	sadd.s32 s5, s9;
	s6 =	sadd.s32 s31, s2  }
0x11: {  	s7 =	sadd.s32 $0x4000, s6;
	s8 =	sadd.s32 $0x8000, s6;
	s9 =	sadd.s32 $0xC000, s6  }
0x12: {  	v0 =	vimm.f32 $0.0e+00;
	s10 =	sadd.s32 $0x10000, s6;
	s11 =	sadd.s32 $0x2A00, s11;
	s25 =	sshrl.u32 s6, $0x3  }
.LBB2_1:
0x13: {  	[tilespmem:s13], [sflag:$0x3] =	stream.linear.gather [hbm4b:s5+s4], $0x2880, $0x38;
	[tilespmem:$0x1EE00] =	vst v63  }
0x14: {  	_ =	swait.ge [sflag:s14], $0x2880  }
0x15: {  	[sflag:s14] =	ssyncset.done $0x0  }
0x16: {  	s28 =	simm.s32 $0x0;
	s29 =	simm.s32 $0x200;
	[sflag:s14] =	ssyncadd.s32 $0xFFFFD780  }
.LBB2_2:
0x17: {  	p0 =	sne.s32 s29, $0xFE00;
	[tilespmem:s28+$0x16E70] =	vst v0  }
0x18: {  	[tilespmem:s28+$0x16E00] =	vst v0  }
0x19: {  	[tilespmem:s28+$0x16E10] =	vst v0  }
.Ltmp0:
0x1a: {  	[tilespmem:s28+$0x16E20] =	vst v0;
	(pc) =	sbr.rel @p0 .LBB2_2-.Ltmp0, $4  }
0x1b: {  	[tilespmem:s28+$0x16E30] =	vst v0  }
0x1c: {  	[tilespmem:s28+$0x16E40] =	vst v0  }
0x1d: {  	[tilespmem:s28+$0x16E50] =	vst v0  }
0x1e: {  	[tilespmem:s28+$0x16E60] =	vst v0;
	s28 =	sshra.s32 s29, $0x2;
	s29 =	sadd.s32 $0x200, s29  }
0x1f: {  	[tilespmem:s28+$0x16E70] =	vst v0  }
0x20: {  	[tilespmem:s28+$0x16E00] =	vst v0  }
0x21: {  	[tilespmem:s28+$0x16E10] =	vst v0  }
0x22: {  	[tilespmem:s28+$0x16E20] =	vst v0  }
0x23: {  	[tilespmem:s28+$0x16E30] =	vst v0  }
0x24: {  	[tilespmem:s28+$0x16E40] =	vst v0  }
0x25: {  	[tilespmem:s28+$0x16E50] =	vst v0  }
0x26: {  	[tilespmem:s28+$0x16E60] =	vst v0  }
0x27: {  	[spmem:s6] =	stream.linear.scatter [tilespmem:s15], [sflag:$0x3], $0x4000, $0x38;
	[tilespmem:$0x1EE00] =	vst v63  }
0x28: {  	_ =	swait.ge [sflag:s14], $0x4000  }
0x29: {  	[sflag:s14] =	ssyncset.done $0x0  }
0x2a: {  	[sflag:s14] =	ssyncadd.s32 $0xFFFFC000  }
0x2b: {  	[spmem:s7] =	stream.linear.scatter [tilespmem:s15], [sflag:$0x3], $0x4000, $0x38;
	[tilespmem:$0x1EE00] =	vst v63  }
0x2c: {  	_ =	swait.ge [sflag:s14], $0x4000  }
0x2d: {  	[sflag:s14] =	ssyncset.done $0x0  }
0x2e: {  	[sflag:s14] =	ssyncadd.s32 $0xFFFFC000  }
0x2f: {  	[spmem:s8] =	stream.linear.scatter [tilespmem:s15], [sflag:$0x3], $0x4000, $0x38;
	[tilespmem:$0x1EE00] =	vst v63  }
0x30: {  	_ =	swait.ge [sflag:s14], $0x4000  }
0x31: {  	[sflag:s14] =	ssyncset.done $0x0  }
0x32: {  	[sflag:s14] =	ssyncadd.s32 $0xFFFFC000  }
0x33: {  	[spmem:s9] =	stream.linear.scatter [tilespmem:s15], [sflag:$0x3], $0x4000, $0x38;
	[tilespmem:$0x1EE00] =	vst v63  }
0x34: {  	_ =	swait.ge [sflag:s14], $0x4000  }
0x35: {  	[sflag:s14] =	ssyncset.done $0x0  }
0x36: {  	[sflag:s14] =	ssyncadd.s32 $0xFFFFC000  }
0x37: {  	[spmem:s10] =	stream.linear.scatter [tilespmem:s15], [sflag:$0x3], $0x4000, $0x38;
	[tilespmem:$0x1EE00] =	vst v63  }
0x38: {  	_ =	swait.ge [sflag:s14], $0x4000  }
0x39: {  	[sflag:s14] =	ssyncset.done $0x0  }
0x3a: {  	[sflag:s14] =	ssyncadd.s32 $0xFFFFC000  }
0x3b: {  	[bflag:$0x0] =	sbarrier.arrive $0xFFFF  }
0x3c: {  	v1 =	vld [tilespmem:$0x14000];
	_ =	sdelay $0x1  }
0x3d: {  	v2 =	vld [tilespmem:$0x14010];
	_ =	sdelay $0x1  }
0x3e: {  	v3 =	vld [tilespmem:$0x14020]  }
0x3f: {  	v4 =	vand.u32 $0xFFFF, v1  }
0x40: {  	v62 =	vld [tilespmem:$0x14030];
	v1 =	vshrl.u32 v1, $0x10;
	[tilespmem:$0x16C00] =	vst v4  }
0x41: {  	[tilespmem:$0x16D00] =	vst v1;
	v1 =	vand.u32 $0xFFFF, v2  }
0x42: {  	[tilespmem:$0x16C10] =	vst v1;
	v1 =	vshrl.u32 v2, $0x10;
	v2 =	vld [tilespmem:$0x14040]  }
0x43: {  	[tilespmem:$0x16D10] =	vst v1;
	v1 =	vand.u32 $0xFFFF, v3  }
0x44: {  	[tilespmem:$0x16C20] =	vst v1;
	v1 =	vshrl.u32 v3, $0x10;
	v3 =	vld [tilespmem:$0x14050]  }
0x45: {  	[tilespmem:$0x16D20] =	vst v1;
	v1 =	vand.u32 $0xFFFF, v62  }
0x46: {  	v63 =	vld [tilespmem:$0x14060];
	[tilespmem:$0x16C30] =	vst v1;
	v1 =	vshrl.u32 v62, $0x10  }
0x47: {  	[tilespmem:$0x16D30] =	vst v1;
	v1 =	vand.u32 $0xFFFF, v2  }
0x48: {  	[tilespmem:$0x16C40] =	vst v1;
	v1 =	vshrl.u32 v2, $0x10;
	v2 =	vld [tilespmem:$0x14070]  }
0x49: {  	[tilespmem:$0x16D40] =	vst v1;
	v1 =	vand.u32 $0xFFFF, v3  }
0x4a: {  	[tilespmem:$0x16C50] =	vst v1;
	v1 =	vshrl.u32 v3, $0x10  }
0x4b: {  	[tilespmem:$0x16D50] =	vst v1;
	v1 =	vand.u32 $0xFFFF, v63  }
0x4c: {  	[tilespmem:$0x16C60] =	vst v1;
	v1 =	vshrl.u32 v63, $0x10  }
0x4d: {  	[tilespmem:$0x16D60] =	vst v1;
	v1 =	vand.u32 $0xFFFF, v2  }
0x4e: {  	[tilespmem:$0x16C70] =	vst v1;
	v1 =	vshrl.u32 v2, $0x10  }
0x4f: {  	s28 =	simm.s32 $0x0;
	[tilespmem:$0x16D70] =	vst v1  }
0x50: {  	[tilespmem:s15], [sflag:$0x1] =	stream.indirect.gather [hbm4b:s1+s16], $0x80, s17, s16, $0xb8;
	[tilespmem:$0x1EE00] =	vst v63  }
0x51: {  	v1 =	vld [tilespmem:s28+$0x14080];
	_ =	sdelay $0x4  }
0x52: {  	v2 =	vand.u32 $0xFFFF, v1  }
0x53: {  	v1 =	vshrl.u32 v1, $0x10;
	[tilespmem:$0x16C80] =	vst v2  }
0x54: {  	[tilespmem:$0x16D80] =	vst v1  }
0x55: {  	v1 =	vld [tilespmem:s28+$0x14090];
	_ =	sdelay $0x4  }
0x56: {  	v2 =	vand.u32 $0xFFFF, v1  }
0x57: {  	v1 =	vshrl.u32 v1, $0x10;
	[tilespmem:$0x16C90] =	vst v2  }
0x58: {  	[tilespmem:$0x16D90] =	vst v1  }
0x59: {  	v1 =	vld [tilespmem:s28+$0x140A0];
	_ =	sdelay $0x4  }
0x5a: {  	v2 =	vand.u32 $0xFFFF, v1  }
0x5b: {  	v1 =	vshrl.u32 v1, $0x10;
	[tilespmem:$0x16CA0] =	vst v2  }
0x5c: {  	[tilespmem:$0x16DA0] =	vst v1  }
0x5d: {  	v1 =	vld [tilespmem:s28+$0x140B0];
	_ =	sdelay $0x4  }
0x5e: {  	v2 =	vand.u32 $0xFFFF, v1  }
0x5f: {  	v1 =	vshrl.u32 v1, $0x10;
	[tilespmem:$0x16CB0] =	vst v2  }
0x60: {  	[tilespmem:$0x16DB0] =	vst v1  }
0x61: {  	v1 =	vld [tilespmem:s28+$0x140C0];
	_ =	sdelay $0x4  }
0x62: {  	v2 =	vand.u32 $0xFFFF, v1  }
0x63: {  	v1 =	vshrl.u32 v1, $0x10;
	[tilespmem:$0x16CC0] =	vst v2  }
0x64: {  	[tilespmem:$0x16DC0] =	vst v1  }
0x65: {  	v1 =	vld [tilespmem:s28+$0x140D0];
	_ =	sdelay $0x4  }
0x66: {  	v2 =	vand.u32 $0xFFFF, v1  }
0x67: {  	v1 =	vshrl.u32 v1, $0x10;
	[tilespmem:$0x16CD0] =	vst v2  }
0x68: {  	[tilespmem:$0x16DD0] =	vst v1  }
0x69: {  	v1 =	vld [tilespmem:s28+$0x140E0];
	_ =	sdelay $0x4  }
0x6a: {  	v2 =	vand.u32 $0xFFFF, v1  }
0x6b: {  	v1 =	vshrl.u32 v1, $0x10;
	[tilespmem:$0x16CE0] =	vst v2  }
0x6c: {  	[tilespmem:$0x16DE0] =	vst v1  }
0x6d: {  	v1 =	vld [tilespmem:s28+$0x140F0];
	_ =	sdelay $0x4  }
0x6e: {  	v2 =	vand.u32 $0xFFFF, v1  }
0x6f: {  	v1 =	vshrl.u32 v1, $0x10;
	[tilespmem:$0x16CF0] =	vst v2  }
0x70: {  	[tilespmem:$0x16DF0] =	vst v1  }
0x71: {  	[tilespmem:s19], [sflag:$0x2] =	stream.indirect.gather [hbm4b:s1+s16], $0x80, s18, s16, $0xb8;
	[tilespmem:$0x1EE00] =	vst v63  }
0x72: {  	_ =	swait.ge [sflag:s20], $0x4000  }
0x73: {  	[sflag:s20] =	ssyncset.done $0x0  }
0x74: {  	[sflag:s20] =	ssyncadd.s32 $0xFFFFC000  }
0x75: {  	[spmem:s2] =	stream.indirect.scatter.add.f32 [tilespmem:s15], [sflag:$0x3], $0x80, s21, s16, $0xb8;
	[tilespmem:$0x1EE00] =	vst v63  }
0x76: {  	_ =	swait.ge [sflag:s14], $0x4000  }
0x77: {  	[sflag:s14] =	ssyncset.done $0x0  }
0x78: {  	[sflag:s14] =	ssyncadd.s32 $0xFFFFC000  }
0x79: {  	v1 =	vld [tilespmem:s28+$0x14100];
	_ =	sdelay $0x4  }
0x7a: {  	v2 =	vand.u32 $0xFFFF, v1  }
0x7b: {  	v1 =	vshrl.u32 v1, $0x10;
	[tilespmem:$0x16C00] =	vst v2  }
0x7c: {  	[tilespmem:$0x16D00] =	vst v1  }
0x7d: {  	v1 =	vld [tilespmem:s28+$0x14110];
	_ =	sdelay $0x4  }
0x7e: {  	v2 =	vand.u32 $0xFFFF, v1  }
0x7f: {  	v1 =	vshrl.u32 v1, $0x10;
	[tilespmem:$0x16C10] =	vst v2  }
0x80: {  	[tilespmem:$0x16D10] =	vst v1  }
0x81: {  	v1 =	vld [tilespmem:s28+$0x14120];
	_ =	sdelay $0x4  }
0x82: {  	v2 =	vand.u32 $0xFFFF, v1  }
0x83: {  	v1 =	vshrl.u32 v1, $0x10;
	[tilespmem:$0x16C20] =	vst v2  }
0x84: {  	[tilespmem:$0x16D20] =	vst v1  }
0x85: {  	v1 =	vld [tilespmem:s28+$0x14130];
	_ =	sdelay $0x4  }
0x86: {  	v2 =	vand.u32 $0xFFFF, v1  }
0x87: {  	v1 =	vshrl.u32 v1, $0x10;
	[tilespmem:$0x16C30] =	vst v2  }
0x88: {  	[tilespmem:$0x16D30] =	vst v1  }
0x89: {  	v1 =	vld [tilespmem:s28+$0x14140];
	_ =	sdelay $0x4  }
0x8a: {  	v2 =	vand.u32 $0xFFFF, v1  }
0x8b: {  	v1 =	vshrl.u32 v1, $0x10;
	[tilespmem:$0x16C40] =	vst v2  }
0x8c: {  	[tilespmem:$0x16D40] =	vst v1  }
0x8d: {  	v1 =	vld [tilespmem:s28+$0x14150];
	_ =	sdelay $0x4  }
0x8e: {  	v2 =	vand.u32 $0xFFFF, v1  }
0x8f: {  	v1 =	vshrl.u32 v1, $0x10;
	[tilespmem:$0x16C50] =	vst v2  }
0x90: {  	[tilespmem:$0x16D50] =	vst v1  }
0x91: {  	v1 =	vld [tilespmem:s28+$0x14160];
	_ =	sdelay $0x4  }
0x92: {  	v2 =	vand.u32 $0xFFFF, v1  }
0x93: {  	s29 =	simm.s32 $0x400;
	v1 =	vshrl.u32 v1, $0x10;
	[tilespmem:$0x16C60] =	vst v2  }
.LBB2_4:
0x94: {  	p0 =	sne.s32 s29, $0x9C00;
	[tilespmem:$0x16D60] =	vst v1;
	s30 =	smov.u32 s29;
	s29 =	sadd.s32 $0x400, s29  }
0x95: {  	v1 =	vld [tilespmem:s28+$0x14170];
	_ =	sdelay $0x4  }
0x96: {  	v2 =	vand.u32 $0xFFFF, v1;
	v1 =	vshrl.u32 v1, $0x10  }
0x97: {  	[tilespmem:$0x16C70] =	vst v2  }
0x98: {  	[tilespmem:$0x16D70] =	vst v1  }
0x99: {  	[tilespmem:s15], [sflag:$0x1] =	stream.indirect.gather [hbm4b:s1+s16], $0x80, s17, s16, $0xb8;
	[tilespmem:$0x1EE00] =	vst v63  }
0x9a: {  	_ =	swait.ge [sflag:s22], $0x4000  }
0x9b: {  	[sflag:s22] =	ssyncset.done $0x0  }
0x9c: {  	[sflag:s22] =	ssyncadd.s32 $0xFFFFC000  }
0x9d: {  	[spmem:s2] =	stream.indirect.scatter.add.f32 [tilespmem:s19], [sflag:$0x3], $0x80, s23, s16, $0xb8;
	[tilespmem:$0x1EE00] =	vst v63  }
0x9e: {  	_ =	swait.ge [sflag:s14], $0x4000  }
0x9f: {  	[sflag:s14] =	ssyncset.done $0x0  }
0xa0: {  	s28 =	sshra.s32 s30, $0x2;
	[sflag:s14] =	ssyncadd.s32 $0xFFFFC000  }
0xa1: {  	v1 =	vld [tilespmem:s28+$0x14080];
	_ =	sdelay $0x4  }
0xa2: {  	v2 =	vand.u32 $0xFFFF, v1;
	v1 =	vshrl.u32 v1, $0x10  }
0xa3: {  	[tilespmem:$0x16C80] =	vst v2  }
0xa4: {  	[tilespmem:$0x16D80] =	vst v1  }
0xa5: {  	v1 =	vld [tilespmem:s28+$0x14090];
	_ =	sdelay $0x4  }
0xa6: {  	v2 =	vand.u32 $0xFFFF, v1;
	v1 =	vshrl.u32 v1, $0x10  }
0xa7: {  	[tilespmem:$0x16C90] =	vst v2  }
0xa8: {  	[tilespmem:$0x16D90] =	vst v1  }
0xa9: {  	v1 =	vld [tilespmem:s28+$0x140A0];
	_ =	sdelay $0x4  }
0xaa: {  	v2 =	vand.u32 $0xFFFF, v1;
	v1 =	vshrl.u32 v1, $0x10  }
0xab: {  	[tilespmem:$0x16CA0] =	vst v2  }
0xac: {  	[tilespmem:$0x16DA0] =	vst v1  }
0xad: {  	v1 =	vld [tilespmem:s28+$0x140B0];
	_ =	sdelay $0x4  }
0xae: {  	v2 =	vand.u32 $0xFFFF, v1;
	v1 =	vshrl.u32 v1, $0x10  }
0xaf: {  	[tilespmem:$0x16CB0] =	vst v2  }
0xb0: {  	[tilespmem:$0x16DB0] =	vst v1  }
0xb1: {  	v1 =	vld [tilespmem:s28+$0x140C0];
	_ =	sdelay $0x4  }
0xb2: {  	v2 =	vand.u32 $0xFFFF, v1;
	v1 =	vshrl.u32 v1, $0x10  }
0xb3: {  	[tilespmem:$0x16CC0] =	vst v2  }
0xb4: {  	[tilespmem:$0x16DC0] =	vst v1  }
0xb5: {  	v1 =	vld [tilespmem:s28+$0x140D0];
	_ =	sdelay $0x4  }
0xb6: {  	v2 =	vand.u32 $0xFFFF, v1;
	v1 =	vshrl.u32 v1, $0x10  }
0xb7: {  	[tilespmem:$0x16CD0] =	vst v2  }
0xb8: {  	[tilespmem:$0x16DD0] =	vst v1  }
0xb9: {  	v1 =	vld [tilespmem:s28+$0x140E0];
	_ =	sdelay $0x4  }
0xba: {  	v2 =	vand.u32 $0xFFFF, v1;
	v1 =	vshrl.u32 v1, $0x10  }
0xbb: {  	[tilespmem:$0x16CE0] =	vst v2  }
0xbc: {  	[tilespmem:$0x16DE0] =	vst v1  }
0xbd: {  	v1 =	vld [tilespmem:s28+$0x140F0];
	_ =	sdelay $0x4  }
0xbe: {  	v2 =	vand.u32 $0xFFFF, v1;
	v1 =	vshrl.u32 v1, $0x10  }
0xbf: {  	[tilespmem:$0x16CF0] =	vst v2  }
0xc0: {  	[tilespmem:$0x16DF0] =	vst v1  }
0xc1: {  	[tilespmem:s19], [sflag:$0x2] =	stream.indirect.gather [hbm4b:s1+s16], $0x80, s18, s16, $0xb8;
	[tilespmem:$0x1EE00] =	vst v63  }
0xc2: {  	_ =	swait.ge [sflag:s20], $0x4000  }
0xc3: {  	[sflag:s20] =	ssyncset.done $0x0  }
0xc4: {  	[sflag:s20] =	ssyncadd.s32 $0xFFFFC000  }
0xc5: {  	[spmem:s2] =	stream.indirect.scatter.add.f32 [tilespmem:s15], [sflag:$0x3], $0x80, s21, s16, $0xb8;
	[tilespmem:$0x1EE00] =	vst v63  }
0xc6: {  	_ =	swait.ge [sflag:s14], $0x4000  }
0xc7: {  	[sflag:s14] =	ssyncset.done $0x0  }
0xc8: {  	[sflag:s14] =	ssyncadd.s32 $0xFFFFC000  }
0xc9: {  	v1 =	vld [tilespmem:s28+$0x14100];
	_ =	sdelay $0x4  }
0xca: {  	v2 =	vand.u32 $0xFFFF, v1;
	v1 =	vshrl.u32 v1, $0x10  }
0xcb: {  	[tilespmem:$0x16C00] =	vst v2  }
0xcc: {  	[tilespmem:$0x16D00] =	vst v1  }
0xcd: {  	v1 =	vld [tilespmem:s28+$0x14110];
	_ =	sdelay $0x4  }
0xce: {  	v2 =	vand.u32 $0xFFFF, v1;
	v1 =	vshrl.u32 v1, $0x10  }
0xcf: {  	[tilespmem:$0x16C10] =	vst v2  }
0xd0: {  	[tilespmem:$0x16D10] =	vst v1  }
0xd1: {  	v1 =	vld [tilespmem:s28+$0x14120];
	_ =	sdelay $0x4  }
0xd2: {  	v2 =	vand.u32 $0xFFFF, v1;
	v1 =	vshrl.u32 v1, $0x10  }
0xd3: {  	[tilespmem:$0x16C20] =	vst v2  }
0xd4: {  	[tilespmem:$0x16D20] =	vst v1  }
0xd5: {  	v1 =	vld [tilespmem:s28+$0x14130];
	_ =	sdelay $0x4  }
0xd6: {  	v2 =	vand.u32 $0xFFFF, v1;
	v1 =	vshrl.u32 v1, $0x10  }
0xd7: {  	[tilespmem:$0x16C30] =	vst v2  }
0xd8: {  	[tilespmem:$0x16D30] =	vst v1  }
0xd9: {  	v1 =	vld [tilespmem:s28+$0x14140];
	_ =	sdelay $0x4  }
0xda: {  	v2 =	vand.u32 $0xFFFF, v1;
	v1 =	vshrl.u32 v1, $0x10  }
0xdb: {  	[tilespmem:$0x16C40] =	vst v2  }
0xdc: {  	[tilespmem:$0x16D40] =	vst v1  }
0xdd: {  	v1 =	vld [tilespmem:s28+$0x14150];
	_ =	sdelay $0x4  }
0xde: {  	v2 =	vand.u32 $0xFFFF, v1;
	v1 =	vshrl.u32 v1, $0x10  }
0xdf: {  	[tilespmem:$0x16C50] =	vst v2  }
0xe0: {  	[tilespmem:$0x16D50] =	vst v1  }
0xe1: {  	v1 =	vld [tilespmem:s28+$0x14160];
	_ =	sdelay $0x1  }
.Ltmp1:
0xe2: {  	(pc) =	sbr.rel @p0 .LBB2_4-.Ltmp1, $3  }
0xe3: {  	_ =	sdelay $0x1  }
0xe4: {  	v2 =	vand.u32 $0xFFFF, v1;
	v1 =	vshrl.u32 v1, $0x10  }
0xe5: {  	[tilespmem:$0x16C60] =	vst v2  }
0xe6: {  	[tilespmem:$0x16D60] =	vst v1  }
0xe7: {  	v1 =	vld [tilespmem:s28+$0x14170];
	_ =	sdelay $0x4  }
0xe8: {  	v2 =	vand.u32 $0xFFFF, v1  }
0xe9: {  	v1 =	vshrl.u32 v1, $0x10;
	[tilespmem:$0x16C70] =	vst v2  }
0xea: {  	[tilespmem:$0x16D70] =	vst v1  }
0xeb: {  	[tilespmem:s15], [sflag:$0x1] =	stream.indirect.gather [hbm4b:s1+s16], $0x80, s17, s16, $0xb8;
	[tilespmem:$0x1EE00] =	vst v63  }
0xec: {  	_ =	swait.ge [sflag:s22], $0x4000  }
0xed: {  	[sflag:s22] =	ssyncset.done $0x0  }
0xee: {  	[sflag:s22] =	ssyncadd.s32 $0xFFFFC000  }
0xef: {  	[spmem:s2] =	stream.indirect.scatter.add.f32 [tilespmem:s19], [sflag:$0x3], $0x80, s23, s16, $0xb8;
	[tilespmem:$0x1EE00] =	vst v63  }
0xf0: {  	_ =	swait.ge [sflag:s14], $0x4000  }
0xf1: {  	[sflag:s14] =	ssyncset.done $0x0  }
0xf2: {  	[sflag:s14] =	ssyncadd.s32 $0xFFFFC000  }
0xf3: {  	_ =	swait.ge [sflag:s20], $0x4000  }
0xf4: {  	s26 =	sadd.s32 $0x1, s26;
	[sflag:s20] =	ssyncset.done $0x0  }
0xf5: {  	p0 =	sne.s32 s26, s12;
	[sflag:s20] =	ssyncadd.s32 $0xFFFFC000  }
.Ltmp2:
0xf6: {  	[bflag:$0x0] =	sbarrier.arrive $0xFFFF;
	(pc) =	sbr.rel @p0 .LBB2_1-.Ltmp2, $4  }
0xf7: {  	[hbm:s11], [sflag:s24] =	dma.local [spmem:s25], $0x2800  }
0xf8: {  	_ =	swait.ge [sflag:s14], $0x2800  }
0xf9: {  	[sflag:s14] =	ssyncset.done $0x0  }
0xfa: {  	[sflag:s14] =	ssyncadd.s32 $0xFFFFD800  }
0xfb: {  	_ =	sfence.sel $0x180000  }
0xfc: {  	[bflag:$0x0] =	sbarrier.arrive $0xFFFF  }
0xfd: {  	p0 =	sne.s32 s3, $0x0;
	_ =	strace $0x9000004A  }
0xfe: {  	s0 =	sadd.s32 @!p0 $0x100000, s0;
	[bflag:$0x2] =	sbarrier.arrive $0xFFFF  }
0xff: {  	[sflag:s0] =	ssyncadd.tile.s32 @!p0 $0x1;
	_ =	shalt  }
.Lfunc_end2:
_tile_overlayer_lowered:
.L_overlay_start_2:
0x100: {  	(tag) =	ssettag $0x2  }
0x101: {  	s0 =	rddreg [dreg:$0x0];
	s2 =	stileid.u32  }
0x102: {  	s1 =	rddreg [dreg:$0x1];
	p0 =	sne.s32 s2, $0x0  }
0x103: {  	s3 =	rddreg [dreg:$0x2];
	[bflag:$0x3] =	sbarrier.arrive $0xFFFF;
	s2 =	simm.s32 @!p0 $0x1C03  }
0x104: {  	[timem:s3], [sflag:s2] =	dma.local @!p0 [hbm:s0], s1  }
0x105: {  	s0 =	simm.s32 @!p0 $0x3  }
0x106: {  	_ =	swait.ge @!p0 [sflag:s0], s1  }
0x107: {  	s1 =	ssub.s32 @!p0 $0x0, s1;
	[sflag:s0] =	ssyncset.done @!p0 $0x0  }
0x108: {  	[sflag:s0] =	ssyncadd.s32 @!p0 s1  }
0x109: {  	[bflag:$0x3] =	sbarrier.arrive $0xFFFF  }
0x10a: {  	_ =	shalt  }

// kernel: sc_agg_deg1.3.cloned.1.call-start
scs
__scs_entry_jumppad:
0x0: {  	(pc) =	sbr.rel $0x88, $3  }
0x1: {  	(tag) =	ssettag $0x0;
	lr =	simm.s32 $0x1  }
0x2: {  	[smem:$0x3F97] =	sst lr;
	_ =	strace $0xD0000000  }
0x3: {  	_ = 	snop  }
0x4: {  	_ = 	snop  }
0x5: {  	_ = 	snop  }
0x6: {  	_ = 	snop  }
0x7: {  	_ = 	snop  }
__scs_overlays_trampoline_lowered:
0x8: {  	[smem:$0x3FA6] =	sst s0  }
0x9: {  	[smem:$0x3FA7] =	sst s1  }
0xa: {  	[smem:$0x3FA8] =	sst s2  }
0xb: {  	[smem:$0x3FA9] =	sst s3  }
0xc: {  	[smem:$0x3FAA] =	sst s4  }
0xd: {  	[smem:$0x3FAB] =	sst s5  }
0xe: {  	[smem:$0x3FAC] =	sst s6  }
0xf: {  	[smem:$0x3FAD] =	sst s7  }
0x10: {  	[smem:$0x3FAE] =	sst s8  }
0x11: {  	[smem:$0x3FAF] =	sst s9;
	s0 =	simm.s32 @!p0 $0x0  }
0x12: {  	s1 =	sld [smem:$0x3F95];
	s0 =	simm.s32 @p0 $0x1  }
0x13: {  	[smem:$0x3FB0] =	sst s0;
	s0 =	simm.s32 @!p1 $0x0  }
0x14: {  	s2 =	sld [smem:$0x3F94];
	s0 =	simm.s32 @p1 $0x1  }
0x15: {  	[smem:$0x3FB1] =	sst s0;
	s0 =	simm.s32 @!p2 $0x0  }
0x16: {  	s3 =	sld [smem:$0x3FDB];
	s0 =	simm.s32 @p2 $0x1  }
0x17: {  	s4 =	simm.s32 $0x1BF5;
	[smem:$0x3FB3] =	sst s0  }
0x18: {  	s0 =	sld [smem:$0x3F96];
	_ =	swait.ge [sflag:s4], $0x0  }
0x19: {  	s7 =	sld [smem:$0x3F97]  }
0x1a: {  	s8 =	sadd.s32 $0xFFFFE003, lr  }
0x1b: {  	s9 =	sadd.s32 $0xFFFFFEF7, lr;
	s5 =	simm.s32 $0xFFFFFFFF;
	p2 =	slt.u32 s8, $0xFFFFF086  }
0x1c: {  	p1 =	slt.u32 s9, $0xF7A;
	s5 =	simm.s32 @!p2 $0x0  }
0x1d: {  	s5 =	simm.s32 @p1 $0x1;
	p0 =	seq.s32 s7, s2  }
0x1e: {  	s7 =	smul.u32 @!p0 $0xF7A, s2;
	p2 =	seq.s32 @!p0 s5, $0x0  }
0x1f: {  	s9 =	smul.u32 $0xF7A, s1;
	s8 =	simm.s32 @!p0 $0x1BF5;
	p2 =	por !p2, p0  }
0x20: {  	[sflag:s8] =	ssyncset.s32 @!p0 $0xFFFFF086;
	s6 =	sadd.s32 @!p0 s3, s7;
	s7 =	simm.s32 @!p0 $0x108  }
0x21: {  	s3 =	sadd.s32 s3, s9;
	s6 =	sadd.s32 @!p0 $0x88, s6;
	s7 =	simm.s32 @p2 $0x1082  }
0x22: {  	[simem:s7], [sflag:s8] =	dma.local @!p0 [hbm:s6], $0xF7A  }
0x23: {  	s9 =	sor.u32 $0xD0000000, s2;
	s6 =	simm.s32 $0x108;
	_ =	swait.ge @!p0 [sflag:s8], $0x0  }
0x24: {  	s3 =	sadd.s32 $0x88, s3;
	s6 =	simm.s32 @!p1 $0x1082;
	[sflag:s4] =	ssyncset.s32 $0xFFFFF086  }
0x25: {  	[simem:s6], [sflag:s4] =	dma.local [hbm:s3], $0xF7A  }
0x26: {  	[smem:$0x3F97] =	sst s1;
	(tag) =	ssettag s2;
	_ =	strace s9  }
0x27: {  	s1 =	sld [smem:$0x3FA7]  }
0x28: {  	s2 =	sld [smem:$0x3FA8]  }
0x29: {  	s4 =	sld [smem:$0x3FAA]  }
0x2a: {  	p0 =	seq.s32 s5, $0x0;
	s5 =	sld [smem:$0x3FAB]  }
0x2b: {  	s6 =	sld [smem:$0x3FAC]  }
0x2c: {  	s7 =	sld [smem:$0x3FAD]  }
0x2d: {  	s3 =	simm.s32 $0x108;
	s8 =	sld [smem:$0x3FAE]  }
0x2e: {  	s3 =	simm.s32 @!p0 $0x1082;
	s9 =	sld [smem:$0x3FAF]  }
0x2f: {  	lr =	sadd.s32 s0, s3;
	s0 =	sld [smem:$0x3FA6]  }
0x30: {  	s3 =	sld [smem:$0x3FA9]  }
0x31: {  	[smem:$0x3FB2] =	sst s10  }
0x32: {  	s10 =	sld [smem:$0x3FB0];
	_ =	sdelay $0x3  }
0x33: {  	p0 =	seq.s32 s10, $0x1;
	s10 =	sld [smem:$0x3FB2];
	_ =	sdelay $0x3  }
0x34: {  	[smem:$0x3FB2] =	sst s10  }
0x35: {  	s10 =	sld [smem:$0x3FB1];
	_ =	sdelay $0x3  }
0x36: {  	p1 =	seq.s32 s10, $0x1;
	s10 =	sld [smem:$0x3FB2];
	_ =	sdelay $0x3  }
0x37: {  	[smem:$0x3FB2] =	sst s10  }
0x38: {  	s10 =	sld [smem:$0x3FB3]  }
0x39: {  	_ = 	snop;
	(pc) =	sbr.ind lr, $3  }
0x3a: {  	_ = 	snop  }
0x3b: {  	_ = 	snop  }
0x3c: {  	p2 =	seq.s32 s10, $0x1;
	s10 =	sld [smem:$0x3FB2]  }
0x3d: {  	_ =	shalt  }
0x3e: {  	_ =	shalt  }
0x3f: {  	_ =	shalt  }
0x40: {  	_ =	shalt  }
0x41: {  	_ =	shalt  }
0x42: {  	_ =	shalt  }
0x43: {  	_ =	shalt  }
0x44: {  	_ =	shalt  }
0x45: {  	_ =	shalt  }
0x46: {  	_ =	shalt  }
0x47: {  	_ =	shalt  }
0x48: {  	_ =	shalt  }
0x49: {  	_ =	shalt  }
0x4a: {  	_ =	shalt  }
0x4b: {  	_ =	shalt  }
0x4c: {  	_ =	shalt  }
0x4d: {  	_ =	shalt  }
0x4e: {  	_ =	shalt  }
0x4f: {  	_ =	shalt  }
0x50: {  	_ =	shalt  }
0x51: {  	_ =	shalt  }
0x52: {  	_ =	shalt  }
0x53: {  	_ =	shalt  }
0x54: {  	_ =	shalt  }
0x55: {  	_ =	shalt  }
0x56: {  	_ =	shalt  }
0x57: {  	_ =	shalt  }
0x58: {  	_ =	shalt  }
0x59: {  	_ =	shalt  }
0x5a: {  	_ =	shalt  }
0x5b: {  	_ =	shalt  }
0x5c: {  	_ =	shalt  }
0x5d: {  	_ =	shalt  }
0x5e: {  	_ =	shalt  }
0x5f: {  	_ =	shalt  }
0x60: {  	_ =	shalt  }
0x61: {  	_ =	shalt  }
0x62: {  	_ =	shalt  }
0x63: {  	_ =	shalt  }
0x64: {  	_ =	shalt  }
0x65: {  	_ =	shalt  }
0x66: {  	_ =	shalt  }
0x67: {  	_ =	shalt  }
0x68: {  	_ =	shalt  }
0x69: {  	_ =	shalt  }
0x6a: {  	_ =	shalt  }
0x6b: {  	_ =	shalt  }
0x6c: {  	_ =	shalt  }
0x6d: {  	_ =	shalt  }
0x6e: {  	_ =	shalt  }
0x6f: {  	_ =	shalt  }
0x70: {  	_ =	shalt  }
0x71: {  	_ =	shalt  }
0x72: {  	_ =	shalt  }
0x73: {  	_ =	shalt  }
0x74: {  	_ =	shalt  }
0x75: {  	_ =	shalt  }
0x76: {  	_ =	shalt  }
0x77: {  	_ =	shalt  }
0x78: {  	_ =	shalt  }
0x79: {  	_ =	shalt  }
0x7a: {  	_ =	shalt  }
0x7b: {  	_ =	shalt  }
0x7c: {  	_ =	shalt  }
0x7d: {  	_ =	shalt  }
0x7e: {  	_ =	shalt  }
0x7f: {  	_ =	shalt  }
0x80: {  	_ =	shalt  }
0x81: {  	_ =	shalt  }
0x82: {  	_ =	shalt  }
0x83: {  	_ =	shalt  }
0x84: {  	_ =	shalt  }
0x85: {  	_ =	shalt  }
0x86: {  	_ =	shalt  }
0x87: {  	_ =	shalt  }
.Lfunc_end0:
.L_simem_size_0:
called_computation_lowered:
.L_overlay_start_0:
0x88: {  	s2 =	sld [smem:$0x3FD9]  }
0x89: {  	s3 =	sld [smem:$0x3FFE];
	_ =	sdelay $0x1  }
0x8a: {  	s1 =	srdreg.scid  }
0x8b: {  	s0 =	sand.u32 $0x1, s1  }
0x8c: {  	s14 =	sshll.u32 s0, $0xA;
	s2 =	sadd.s32 s3, s2  }
0x8d: {  	s2 =	sadd.s32 s2, s14  }
0x8e: {  	[smem:$0x3FBE] =	sst s2  }
0x8f: {  	_ = 	snop  }
0x90: {  	s2 =	sld [smem:$0x3FD0];
	_ =	sdelay $0x2  }
0x91: {  	s4 =	simm.s32 $0xA;
	s5 =	simm.s32 $0x10;
	s15 =	sld [smem:$0x3FC9]  }
0x92: {  	[smem:s5], [sflag:s4] =	dma.local [hbm:s2], $0x1  }
0x93: {  	_ =	swait.eq [sflag:s4], $0x1  }
0x94: {  	[sflag:s4] =	ssyncset.done $0x0  }
0x95: {  	s16 =	sld [smem:$0x10];
	[sflag:s4] =	ssyncadd.s32 $0xFFFFFFFF  }
0x96: {  	s17 =	sld [smem:$0x11];
	(tm) =	ssettm $0x1  }
0x97: {  	s18 =	sld [smem:$0x3FFB];
	_ =	sdelay $0x3  }
0x98: {  	_ =	strace s18  }
0x99: {  	s5 =	sld [smem:$0x3FFC];
	_ =	sdelay $0x3  }
0x9a: {  	_ =	strace s5  }
0x9b: {  	s5 =	sld [smem:$0x3FFD];
	_ =	sdelay $0x3  }
0x9c: {  	_ =	strace s5  }
0x9d: {  	_ =	strace $0x8FFFFFFF  }
0x9e: {  	s19 =	sld [smem:$0x3FDB];
	_ =	sdelay $0x1  }
0x9f: {  	s6 =	simm.s32 $_scs_section_size  }
0xa0: {  	s7 =	simm.s32 $_size__tile_overlayer_lowered;
	s8 =	simm.s32 $_tile_overlayer_lowered  }
0xa1: {  	s22 =	simm.s32 $0x1BFF;
	s21 =	sshll.u32 s8, $0x1;
	s5 =	sadd.s32 s6, s19  }
0xa2: {  	s9 =	simm.s32 $0x0;
	s20 =	sshll.u32 s7, $0x1;
	s7 =	sadd.s32 s21, s5  }
0xa3: {  	[timem:s9], [sflag:s22] =	dma.local [hbm:s7], s20  }
0xa4: {  	_ =	swait.ge [sflag:s22], s20  }
0xa5: {  	s6 =	ssub.s32 $0x0, s20;
	[sflag:s22] =	ssyncset.done $0x0  }
0xa6: {  	[sflag:s22] =	ssyncadd.s32 s6;
	_ =	sdelay $0x1  }
0xa7: {  	s23 =	simm.s32 $0x1B8B  }
0xa8: {  	_ =	swait.ge [sflag:s23], $0x1  }
0xa9: {  	[sflag:s23] =	ssyncset.done $0x0  }
0xaa: {  	s25 =	simm.s32 $0x1B8E;
	s24 =	sld [smem:$0x3FFE];
	[sflag:s23] =	ssyncadd.s32 $0xFFFFFFFF  }
0xab: {  	s26 =	simm.s32 $execute0_lowered;
	[smem:$0x3FD2] =	sst s25  }
0xac: {  	s7 =	sshll.u32 s26, $0x1;
	_ =	strace $0x80000046;
	[dreg:$0x1] =	wrdreg $0xFFFFFFFF  }
0xad: {  	s28 =	simm.s32 $_size_execute0_lowered;
	s5 =	sadd.s32 s5, s7;
	[dreg:$0x0] =	wrdreg $0x0  }
0xae: {  	s7 =	sshll.u32 s28, $0x1;
	[dreg:$0x2] =	wrdreg s5  }
0xaf: {  	[dreg:$0x3] =	wrdreg s7  }
0xb0: {  	[dreg:$0x4] =	wrdreg $0xC0  }
0xb1: {  	_ =	task [dreg:s9], $0x5FFFF  }
0xb2: {  	[dreg:$0x1] =	wrdreg $0xFFFFFFFF  }
0xb3: {  	[dreg:$0x0] =	wrdreg $0x60  }
0xb4: {  	[dreg:$0x2] =	wrdreg s15  }
0xb5: {  	[dreg:$0x3] =	wrdreg s16  }
0xb6: {  	[dreg:$0x4] =	wrdreg s24  }
0xb7: {  	[dreg:$0x5] =	wrdreg s17  }
0xb8: {  	[dreg:$0x6] =	wrdreg $0x0  }
0xb9: {  	[dreg:$0x7] =	wrdreg $0x140000  }
0xba: {  	[dreg:$0x8] =	wrdreg $0x9  }
0xbb: {  	_ =	task.clear_ibuf [dreg:s9], $0x9FFFF;
	_ =	strace $0x90000046  }
0xbc: {  	s29 =	simm.s32 $0x9;
	_ =	strace $0x80000048  }
0xbd: {  	_ =	swait.ge [sflag:s29], $0x1  }
0xbe: {  	[sflag:s29] =	ssyncadd.s32 $0xFFFFFFFF  }
0xbf: {  	_ =	strace $0x90000048  }
0xc0: {  	_ =	sfence  }
0xc1: {  	s30 =	sld [smem:$0x0];
	_ =	sdelay $0x2  }
0xc2: {  	s31 =	sshll.u32 s1, $0xD;
	s1 =	sshrl.u32 s1, $0x2  }
0xc3: {  	s3 =	sand.u32 $0x4000, s31;
	s1 =	sadd.s32 s1, s30  }
0xc4: {  	s0 =	sor.u32 s3, s0;
	s1 =	sshll.u32 s1, $0x11  }
0xc5: {  	s0 =	sor.u32 s1, s0  }
0xc6: {  	s0 =	sadd.s32 $0x8F2B, s0  }
0xc7: {  	[sflag:s0] =	ssyncadd.remote.s32 $0x1  }
0xc8: {  	_ =	sfence.sel $0xFFFF  }
0xc9: {  	[dreg:$0x0] =	wrdreg $0xFFFFFFFF;
	(pc) =	sbr.abs _section_cstart, $3  }
0xca: {  	[dreg:$0x1] =	wrdreg $0xFFFFFFFF  }
0xcb: {  	_ =	task.clear_ibuf [dreg:s9], $0x2FFFF;
	_ =	strace $0x9FFFFFFF  }
0xcc: {  	(tm) =	ssettm $0x7FFFFFFF  }
0xcd: {  	_ =	shalt  }
tec
execute0_lowered:
.L_overlay_start_1:
0x0: {  	(tag) =	ssettag $0x1  }
0x1: {  	s0 =	rddreg [dreg:$0x0]  }
0x2: {  	s1 =	rddreg [dreg:$0x1]  }
0x3: {  	s3 =	rddreg [dreg:$0x2]  }
0x4: {  	s5 =	rddreg [dreg:$0x3]  }
0x5: {  	s2 =	rddreg [dreg:$0x4]  }
0x6: {  	s4 =	rddreg [dreg:$0x5];
	s11 =	stileid.u32  }
0x7: {  	s6 =	srdreg.scid;
	s9 =	simm.s32 $0x0;
	s8 =	smul.u32 $0x14000, s11  }
0x8: {  	s28 =	simm.s32 $0x1;
	s29 =	simm.s32 $0x16F80;
	s12 =	smul.u32 $0x280, s11  }
0x9: {  	s30 =	simm.s32 $0x1F080;
	s31 =	simm.s32 $0x2;
	s10 =	smul.u32 $0x50000, s11  }
0xa: {  	s13 =	sand.u32 $0x1, s6;
	[smem:$0x7FF] =	sst s9;
	s18 =	smul.u32 $0x500, s11  }
0xb: {  	s6 =	smul.u32 $0x140000, s13;
	s7 =	sshll.u32 s13, $0x4;
	s19 =	ssub.s32 $0x2, s13  }
0xc: {  	_ =	strace $0x80000047;
	s26 =	sshll.u32 s13, $0x7;
	s7 =	sor.u32 s11, s7  }
0xd: {  	s20 =	sshrl.u32 s19, $0x1;
	s21 =	sshrl.u32 s10, $0x2;
	s14 =	sadd.s32 $0x80, s12  }
0xe: {  	s15 =	sadd.s32 $0x100, s12;
	s16 =	sadd.s32 $0x180, s12;
	s17 =	sadd.s32 $0x200, s12  }
0xf: {  	s12 =	sadd.s32 s12, s4;
	s7 =	smul.u32 $0x580, s7;
	s6 =	sadd.s32 s8, s6  }
0x10: {  	s19 =	ssub.s32 s19, s20;
	s22 =	sshll.u32 s14, $0x7;
	s23 =	sshll.u32 s15, $0x7  }
0x11: {  	s24 =	sshll.u32 s16, $0x7;
	s25 =	sshll.u32 s17, $0x7;
	s13 =	sadd.s32 s14, s4  }
0x12: {  	s14 =	sadd.s32 s15, s4;
	s15 =	sadd.s32 s16, s4;
	s16 =	sadd.s32 s17, s4  }
0x13: {  	s8 =	simm.s32 $0x10;
	s6 =	sshrl.u32 s6, $0x3;
	s9 =	sadd.s32 s23, s2  }
0x14: {  	s10 =	sadd.s32 s24, s2;
	s11 =	sadd.s32 s25, s2;
	s19 =	smax.u32 s19, $0x1  }
0x15: {  	s23 =	simm.s32 $0x80;
	s24 =	simm.s32 $0x16E80;
	s25 =	simm.s32 $0x16F00  }
0x16: {  	s3 =	sadd.s32 s6, s3;
	s1 =	sadd.s32 s1, s7;
	s7 =	sadd.s32 s21, s2  }
0x17: {  	s21 =	simm.s32 $0x3;
	[dreg:$0x7] =	wrdreg s1;
	s1 =	sadd.s32 s22, s2  }
0x18: {  	s17 =	sadd.s32 $0x2A00, s3;
	[dreg:$0x8] =	wrdreg s1;
	s1 =	sor.u32 s26, s18  }
0x19: {  	s22 =	simm.s32 $0x17080;
	s26 =	simm.s32 $0x1B080;
	s1 =	sshrl.u32 s1, $0x3  }
0x1a: {  	v0 =	vimm.f32 $0.0e+00;
	v1 =	vimm.f32 $1.000000000e+00;
	s18 =	sadd.s32 s5, s1;
	s1 =	simm.s32 $0x17000;
	s5 =	simm.s32 $0x0  }
.LBB2_1:
0x1b: {  	s3 =	simm.s32 $0x0;
	s20 =	simm.s32 $0x14280;
	s6 =	rddreg [dreg:$0x7]  }
0x1c: {  	[tilespmem:s20], [sflag:$0x3] =	stream.linear.gather [hbm4b:s6+s3], $0x2880, $0x38;
	[tilespmem:$0x1F100] =	vst v63  }
0x1d: {  	_ =	swait.ge [sflag:s21], $0x2880  }
0x1e: {  	[sflag:s21] =	ssyncset.done $0x0  }
0x1f: {  	s3 =	simm.s32 $0x0;
	s20 =	simm.s32 $0x200;
	[sflag:s21] =	ssyncadd.s32 $0xFFFFD780  }
.LBB2_2:
0x20: {  	p0 =	sne.s32 s20, $0xFE00;
	[tilespmem:s3+$0x170F0] =	vst v0  }
0x21: {  	[tilespmem:s3+$0x17080] =	vst v0  }
0x22: {  	[tilespmem:s3+$0x17090] =	vst v0  }
.Ltmp0:
0x23: {  	[tilespmem:s3+$0x170A0] =	vst v0;
	(pc) =	sbr.rel @p0 .LBB2_2-.Ltmp0, $4  }
0x24: {  	[tilespmem:s3+$0x170B0] =	vst v0  }
0x25: {  	[tilespmem:s3+$0x170C0] =	vst v0  }
0x26: {  	[tilespmem:s3+$0x170D0] =	vst v0  }
0x27: {  	[tilespmem:s3+$0x170E0] =	vst v0;
	s3 =	sshra.s32 s20, $0x2;
	s20 =	sadd.s32 $0x200, s20  }
0x28: {  	[tilespmem:s3+$0x170F0] =	vst v0  }
0x29: {  	[tilespmem:s3+$0x17080] =	vst v0  }
0x2a: {  	[tilespmem:s3+$0x17090] =	vst v0  }
0x2b: {  	[tilespmem:s3+$0x170A0] =	vst v0  }
0x2c: {  	[tilespmem:s3+$0x170B0] =	vst v0  }
0x2d: {  	[tilespmem:s3+$0x170C0] =	vst v0  }
0x2e: {  	[tilespmem:s3+$0x170D0] =	vst v0  }
0x2f: {  	[tilespmem:s3+$0x170E0] =	vst v0  }
0x30: {  	[tilespmem:$0x1F080] =	vst v1  }
0x31: {  	[tilespmem:$0x1F090] =	vst v1  }
0x32: {  	[tilespmem:$0x1F0A0] =	vst v1  }
0x33: {  	[tilespmem:$0x1F0B0] =	vst v1  }
0x34: {  	[tilespmem:$0x1F0C0] =	vst v1  }
0x35: {  	[tilespmem:$0x1F0D0] =	vst v1  }
0x36: {  	[tilespmem:$0x1F0E0] =	vst v1  }
0x37: {  	[tilespmem:$0x1F0F0] =	vst v1  }
0x38: {  	[spmem:s7] =	stream.linear.scatter [tilespmem:s22], [sflag:$0x3], $0x4000, $0x38;
	[tilespmem:$0x1F100] =	vst v63  }
0x39: {  	_ =	swait.ge [sflag:s21], $0x4000  }
0x3a: {  	[sflag:s21] =	ssyncset.done $0x0  }
0x3b: {  	s20 =	rddreg [dreg:$0x8];
	[sflag:s21] =	ssyncadd.s32 $0xFFFFC000  }
0x3c: {  	[spmem:s20] =	stream.linear.scatter [tilespmem:s22], [sflag:$0x3], $0x4000, $0x38;
	[tilespmem:$0x1F100] =	vst v63  }
0x3d: {  	_ =	swait.ge [sflag:s21], $0x4000  }
0x3e: {  	[sflag:s21] =	ssyncset.done $0x0  }
0x3f: {  	[sflag:s21] =	ssyncadd.s32 $0xFFFFC000  }
0x40: {  	[spmem:s9] =	stream.linear.scatter [tilespmem:s22], [sflag:$0x3], $0x4000, $0x38;
	[tilespmem:$0x1F100] =	vst v63  }
0x41: {  	_ =	swait.ge [sflag:s21], $0x4000  }
0x42: {  	[sflag:s21] =	ssyncset.done $0x0  }
0x43: {  	[sflag:s21] =	ssyncadd.s32 $0xFFFFC000  }
0x44: {  	[spmem:s10] =	stream.linear.scatter [tilespmem:s22], [sflag:$0x3], $0x4000, $0x38;
	[tilespmem:$0x1F100] =	vst v63  }
0x45: {  	_ =	swait.ge [sflag:s21], $0x4000  }
0x46: {  	[sflag:s21] =	ssyncset.done $0x0  }
0x47: {  	[sflag:s21] =	ssyncadd.s32 $0xFFFFC000  }
0x48: {  	[spmem:s11] =	stream.linear.scatter [tilespmem:s22], [sflag:$0x3], $0x4000, $0x38;
	[tilespmem:$0x1F100] =	vst v63  }
0x49: {  	_ =	swait.ge [sflag:s21], $0x4000  }
0x4a: {  	[sflag:s21] =	ssyncset.done $0x0  }
0x4b: {  	[sflag:s21] =	ssyncadd.s32 $0xFFFFC000  }
0x4c: {  	[spmem:s12] =	stream.linear.scatter [tilespmem:s22], [sflag:$0x3], $0x80, $0x38;
	[tilespmem:$0x1F100] =	vst v63  }
0x4d: {  	_ =	swait.ge [sflag:s21], $0x80  }
0x4e: {  	[sflag:s21] =	ssyncset.done $0x0  }
0x4f: {  	[sflag:s21] =	ssyncadd.s32 $0xFFFFFF80  }
0x50: {  	[spmem:s13] =	stream.linear.scatter [tilespmem:s22], [sflag:$0x3], $0x80, $0x38;
	[tilespmem:$0x1F100] =	vst v63  }
0x51: {  	_ =	swait.ge [sflag:s21], $0x80  }
0x52: {  	[sflag:s21] =	ssyncset.done $0x0  }
0x53: {  	[sflag:s21] =	ssyncadd.s32 $0xFFFFFF80  }
0x54: {  	[spmem:s14] =	stream.linear.scatter [tilespmem:s22], [sflag:$0x3], $0x80, $0x38;
	[tilespmem:$0x1F100] =	vst v63  }
0x55: {  	_ =	swait.ge [sflag:s21], $0x80  }
0x56: {  	[sflag:s21] =	ssyncset.done $0x0  }
0x57: {  	[sflag:s21] =	ssyncadd.s32 $0xFFFFFF80  }
0x58: {  	[spmem:s15] =	stream.linear.scatter [tilespmem:s22], [sflag:$0x3], $0x80, $0x38;
	[tilespmem:$0x1F100] =	vst v63  }
0x59: {  	_ =	swait.ge [sflag:s21], $0x80  }
0x5a: {  	[sflag:s21] =	ssyncset.done $0x0  }
0x5b: {  	[sflag:s21] =	ssyncadd.s32 $0xFFFFFF80  }
0x5c: {  	[spmem:s16] =	stream.linear.scatter [tilespmem:s22], [sflag:$0x3], $0x80, $0x38;
	[tilespmem:$0x1F100] =	vst v63  }
0x5d: {  	_ =	swait.ge [sflag:s21], $0x80  }
0x5e: {  	[sflag:s21] =	ssyncset.done $0x0  }
0x5f: {  	[sflag:s21] =	ssyncadd.s32 $0xFFFFFF80  }
0x60: {  	[bflag:$0x0] =	sbarrier.arrive $0xFFFF  }
0x61: {  	v2 =	vld [tilespmem:$0x14280];
	_ =	sdelay $0x1  }
0x62: {  	v3 =	vld [tilespmem:$0x14290];
	_ =	sdelay $0x1  }
0x63: {  	v4 =	vld [tilespmem:$0x142A0]  }
0x64: {  	v5 =	vand.u32 $0xFFFF, v2  }
0x65: {  	v61 =	vld [tilespmem:$0x142B0];
	v2 =	vshrl.u32 v2, $0x10;
	[tilespmem:$0x16E80] =	vst v5  }
0x66: {  	[tilespmem:$0x16F80] =	vst v2;
	v2 =	vand.u32 $0xFFFF, v3  }
0x67: {  	[tilespmem:$0x16E90] =	vst v2;
	v2 =	vshrl.u32 v3, $0x10;
	v3 =	vld [tilespmem:$0x142C0]  }
0x68: {  	[tilespmem:$0x16F90] =	vst v2;
	v2 =	vand.u32 $0xFFFF, v4  }
0x69: {  	v62 =	vld [tilespmem:$0x142D0];
	[tilespmem:$0x16EA0] =	vst v2;
	v2 =	vshrl.u32 v4, $0x10  }
0x6a: {  	[tilespmem:$0x16FA0] =	vst v2;
	v2 =	vand.u32 $0xFFFF, v61  }
0x6b: {  	v63 =	vld [tilespmem:$0x142E0];
	[tilespmem:$0x16EB0] =	vst v2;
	v2 =	vshrl.u32 v61, $0x10  }
0x6c: {  	[tilespmem:$0x16FB0] =	vst v2;
	v2 =	vand.u32 $0xFFFF, v3  }
0x6d: {  	[tilespmem:$0x16EC0] =	vst v2;
	v2 =	vshrl.u32 v3, $0x10;
	v3 =	vld [tilespmem:$0x142F0]  }
0x6e: {  	[tilespmem:$0x16FC0] =	vst v2;
	v2 =	vand.u32 $0xFFFF, v62  }
0x6f: {  	[tilespmem:$0x16ED0] =	vst v2;
	v2 =	vshrl.u32 v62, $0x10  }
0x70: {  	[tilespmem:$0x16FD0] =	vst v2;
	v2 =	vand.u32 $0xFFFF, v63  }
0x71: {  	[tilespmem:$0x16EE0] =	vst v2;
	v2 =	vshrl.u32 v63, $0x10  }
0x72: {  	[tilespmem:$0x16FE0] =	vst v2;
	v2 =	vand.u32 $0xFFFF, v3  }
0x73: {  	[tilespmem:$0x16EF0] =	vst v2;
	v2 =	vshrl.u32 v3, $0x10  }
0x74: {  	s6 =	simm.s32 $0x0;
	[tilespmem:$0x16FF0] =	vst v2  }
0x75: {  	[tilespmem:s22], [sflag:$0x1] =	stream.indirect.gather [hbm4b:s0+s23], $0x80, s24, s23, $0xb8;
	[tilespmem:$0x1F100] =	vst v63  }
0x76: {  	v2 =	vld [tilespmem:s6+$0x14300];
	_ =	sdelay $0x4  }
0x77: {  	v3 =	vand.u32 $0xFFFF, v2  }
0x78: {  	v2 =	vshrl.u32 v2, $0x10;
	[tilespmem:$0x16F00] =	vst v3  }
0x79: {  	[tilespmem:$0x17000] =	vst v2  }
0x7a: {  	v2 =	vld [tilespmem:s6+$0x14310];
	_ =	sdelay $0x4  }
0x7b: {  	v3 =	vand.u32 $0xFFFF, v2  }
0x7c: {  	v2 =	vshrl.u32 v2, $0x10;
	[tilespmem:$0x16F10] =	vst v3  }
0x7d: {  	[tilespmem:$0x17010] =	vst v2  }
0x7e: {  	v2 =	vld [tilespmem:s6+$0x14320];
	_ =	sdelay $0x4  }
0x7f: {  	v3 =	vand.u32 $0xFFFF, v2  }
0x80: {  	v2 =	vshrl.u32 v2, $0x10;
	[tilespmem:$0x16F20] =	vst v3  }
0x81: {  	[tilespmem:$0x17020] =	vst v2  }
0x82: {  	v2 =	vld [tilespmem:s6+$0x14330];
	_ =	sdelay $0x4  }
0x83: {  	v3 =	vand.u32 $0xFFFF, v2  }
0x84: {  	v2 =	vshrl.u32 v2, $0x10;
	[tilespmem:$0x16F30] =	vst v3  }
0x85: {  	[tilespmem:$0x17030] =	vst v2  }
0x86: {  	v2 =	vld [tilespmem:s6+$0x14340];
	_ =	sdelay $0x4  }
0x87: {  	v3 =	vand.u32 $0xFFFF, v2  }
0x88: {  	v2 =	vshrl.u32 v2, $0x10;
	[tilespmem:$0x16F40] =	vst v3  }
0x89: {  	[tilespmem:$0x17040] =	vst v2  }
0x8a: {  	v2 =	vld [tilespmem:s6+$0x14350];
	_ =	sdelay $0x4  }
0x8b: {  	v3 =	vand.u32 $0xFFFF, v2  }
0x8c: {  	v2 =	vshrl.u32 v2, $0x10;
	[tilespmem:$0x16F50] =	vst v3  }
0x8d: {  	[tilespmem:$0x17050] =	vst v2  }
0x8e: {  	v2 =	vld [tilespmem:s6+$0x14360];
	_ =	sdelay $0x4  }
0x8f: {  	v3 =	vand.u32 $0xFFFF, v2  }
0x90: {  	v2 =	vshrl.u32 v2, $0x10;
	[tilespmem:$0x16F60] =	vst v3  }
0x91: {  	[tilespmem:$0x17060] =	vst v2  }
0x92: {  	v2 =	vld [tilespmem:s6+$0x14370];
	_ =	sdelay $0x4  }
0x93: {  	v3 =	vand.u32 $0xFFFF, v2  }
0x94: {  	v2 =	vshrl.u32 v2, $0x10;
	[tilespmem:$0x16F70] =	vst v3  }
0x95: {  	[tilespmem:$0x17070] =	vst v2  }
0x96: {  	[tilespmem:s26], [sflag:$0x2] =	stream.indirect.gather [hbm4b:s0+s23], $0x80, s25, s23, $0xb8;
	[tilespmem:$0x1F100] =	vst v63  }
0x97: {  	_ =	swait.ge [sflag:s28], $0x4000  }
0x98: {  	[sflag:s28] =	ssyncset.done $0x0  }
0x99: {  	[sflag:s28] =	ssyncadd.s32 $0xFFFFC000  }
0x9a: {  	[spmem:s2] =	stream.indirect.scatter.add.f32 [tilespmem:s22], [sflag:$0x3], $0x80, s29, s23, $0xb8;
	[tilespmem:$0x1F100] =	vst v63  }
0x9b: {  	_ =	swait.ge [sflag:s21], $0x4000  }
0x9c: {  	[sflag:s21] =	ssyncset.done $0x0  }
0x9d: {  	[sflag:s21] =	ssyncadd.s32 $0xFFFFC000  }
0x9e: {  	[spmem:s4] =	stream.indirect.scatter.add.f32 [tilespmem:s30], [sflag:$0x3], $0x1, s29, s23, $0xb8;
	[tilespmem:$0x1F100] =	vst v63  }
0x9f: {  	_ =	swait.ge [sflag:s21], $0x80  }
0xa0: {  	[sflag:s21] =	ssyncset.done $0x0  }
0xa1: {  	[sflag:s21] =	ssyncadd.s32 $0xFFFFFF80  }
0xa2: {  	v2 =	vld [tilespmem:s6+$0x14380];
	_ =	sdelay $0x4  }
0xa3: {  	v3 =	vand.u32 $0xFFFF, v2  }
0xa4: {  	v2 =	vshrl.u32 v2, $0x10;
	[tilespmem:$0x16E80] =	vst v3  }
0xa5: {  	[tilespmem:$0x16F80] =	vst v2  }
0xa6: {  	v2 =	vld [tilespmem:s6+$0x14390];
	_ =	sdelay $0x4  }
0xa7: {  	v3 =	vand.u32 $0xFFFF, v2  }
0xa8: {  	v2 =	vshrl.u32 v2, $0x10;
	[tilespmem:$0x16E90] =	vst v3  }
0xa9: {  	[tilespmem:$0x16F90] =	vst v2  }
0xaa: {  	v2 =	vld [tilespmem:s6+$0x143A0];
	_ =	sdelay $0x4  }
0xab: {  	v3 =	vand.u32 $0xFFFF, v2  }
0xac: {  	v2 =	vshrl.u32 v2, $0x10;
	[tilespmem:$0x16EA0] =	vst v3  }
0xad: {  	[tilespmem:$0x16FA0] =	vst v2  }
0xae: {  	v2 =	vld [tilespmem:s6+$0x143B0];
	_ =	sdelay $0x4  }
0xaf: {  	v3 =	vand.u32 $0xFFFF, v2  }
0xb0: {  	v2 =	vshrl.u32 v2, $0x10;
	[tilespmem:$0x16EB0] =	vst v3  }
0xb1: {  	[tilespmem:$0x16FB0] =	vst v2  }
0xb2: {  	v2 =	vld [tilespmem:s6+$0x143C0];
	_ =	sdelay $0x4  }
0xb3: {  	v3 =	vand.u32 $0xFFFF, v2  }
0xb4: {  	v2 =	vshrl.u32 v2, $0x10;
	[tilespmem:$0x16EC0] =	vst v3  }
0xb5: {  	[tilespmem:$0x16FC0] =	vst v2  }
0xb6: {  	v2 =	vld [tilespmem:s6+$0x143D0];
	_ =	sdelay $0x4  }
0xb7: {  	v3 =	vand.u32 $0xFFFF, v2  }
0xb8: {  	v2 =	vshrl.u32 v2, $0x10;
	[tilespmem:$0x16ED0] =	vst v3  }
0xb9: {  	[tilespmem:$0x16FD0] =	vst v2  }
0xba: {  	v2 =	vld [tilespmem:s6+$0x143E0];
	_ =	sdelay $0x4  }
0xbb: {  	v3 =	vand.u32 $0xFFFF, v2  }
0xbc: {  	v2 =	vshrl.u32 v2, $0x10;
	[tilespmem:$0x16EE0] =	vst v3  }
0xbd: {  	[tilespmem:$0x16FE0] =	vst v2  }
0xbe: {  	s20 =	simm.s32 $0x400;
	v2 =	vld [tilespmem:s6+$0x143F0]  }
.LBB2_4:
0xbf: {  	_ =	sdelay $0x1  }
0xc0: {  	p0 =	sne.s32 s20, $0x9C00;
	s3 =	smov.u32 s20;
	s20 =	sadd.s32 $0x400, s20  }
0xc1: {  	_ = 	snop  }
0xc2: {  	v3 =	vand.u32 $0xFFFF, v2;
	v2 =	vshrl.u32 v2, $0x10  }
0xc3: {  	[tilespmem:$0x16EF0] =	vst v3  }
0xc4: {  	[tilespmem:$0x16FF0] =	vst v2  }
0xc5: {  	[tilespmem:s22], [sflag:$0x1] =	stream.indirect.gather [hbm4b:s0+s23], $0x80, s24, s23, $0xb8;
	[tilespmem:$0x1F100] =	vst v63  }
0xc6: {  	_ =	swait.ge [sflag:s31], $0x4000  }
0xc7: {  	[sflag:s31] =	ssyncset.done $0x0  }
0xc8: {  	[sflag:s31] =	ssyncadd.s32 $0xFFFFC000  }
0xc9: {  	[spmem:s2] =	stream.indirect.scatter.add.f32 [tilespmem:s26], [sflag:$0x3], $0x80, s1, s23, $0xb8;
	[tilespmem:$0x1F100] =	vst v63  }
0xca: {  	_ =	swait.ge [sflag:s21], $0x4000  }
0xcb: {  	[sflag:s21] =	ssyncset.done $0x0  }
0xcc: {  	[sflag:s21] =	ssyncadd.s32 $0xFFFFC000  }
0xcd: {  	[spmem:s4] =	stream.indirect.scatter.add.f32 [tilespmem:s30], [sflag:$0x3], $0x1, s1, s23, $0xb8;
	[tilespmem:$0x1F100] =	vst v63  }
0xce: {  	_ =	swait.ge [sflag:s21], $0x80  }
0xcf: {  	[sflag:s21] =	ssyncset.done $0x0  }
0xd0: {  	s3 =	sshra.s32 s3, $0x2;
	[sflag:s21] =	ssyncadd.s32 $0xFFFFFF80  }
0xd1: {  	v2 =	vld [tilespmem:s3+$0x14300];
	_ =	sdelay $0x4  }
0xd2: {  	v3 =	vand.u32 $0xFFFF, v2;
	v2 =	vshrl.u32 v2, $0x10  }
0xd3: {  	[tilespmem:$0x16F00] =	vst v3  }
0xd4: {  	[tilespmem:$0x17000] =	vst v2  }
0xd5: {  	v2 =	vld [tilespmem:s3+$0x14310];
	_ =	sdelay $0x4  }
0xd6: {  	v3 =	vand.u32 $0xFFFF, v2;
	v2 =	vshrl.u32 v2, $0x10  }
0xd7: {  	[tilespmem:$0x16F10] =	vst v3  }
0xd8: {  	[tilespmem:$0x17010] =	vst v2  }
0xd9: {  	v2 =	vld [tilespmem:s3+$0x14320];
	_ =	sdelay $0x4  }
0xda: {  	v3 =	vand.u32 $0xFFFF, v2;
	v2 =	vshrl.u32 v2, $0x10  }
0xdb: {  	[tilespmem:$0x16F20] =	vst v3  }
0xdc: {  	[tilespmem:$0x17020] =	vst v2  }
0xdd: {  	v2 =	vld [tilespmem:s3+$0x14330];
	_ =	sdelay $0x4  }
0xde: {  	v3 =	vand.u32 $0xFFFF, v2;
	v2 =	vshrl.u32 v2, $0x10  }
0xdf: {  	[tilespmem:$0x16F30] =	vst v3  }
0xe0: {  	[tilespmem:$0x17030] =	vst v2  }
0xe1: {  	v2 =	vld [tilespmem:s3+$0x14340];
	_ =	sdelay $0x4  }
0xe2: {  	v3 =	vand.u32 $0xFFFF, v2;
	v2 =	vshrl.u32 v2, $0x10  }
0xe3: {  	[tilespmem:$0x16F40] =	vst v3  }
0xe4: {  	[tilespmem:$0x17040] =	vst v2  }
0xe5: {  	v2 =	vld [tilespmem:s3+$0x14350];
	_ =	sdelay $0x4  }
0xe6: {  	v3 =	vand.u32 $0xFFFF, v2;
	v2 =	vshrl.u32 v2, $0x10  }
0xe7: {  	[tilespmem:$0x16F50] =	vst v3  }
0xe8: {  	[tilespmem:$0x17050] =	vst v2  }
0xe9: {  	v2 =	vld [tilespmem:s3+$0x14360];
	_ =	sdelay $0x4  }
0xea: {  	v3 =	vand.u32 $0xFFFF, v2;
	v2 =	vshrl.u32 v2, $0x10  }
0xeb: {  	[tilespmem:$0x16F60] =	vst v3  }
0xec: {  	[tilespmem:$0x17060] =	vst v2  }
0xed: {  	v2 =	vld [tilespmem:s3+$0x14370];
	_ =	sdelay $0x4  }
0xee: {  	v3 =	vand.u32 $0xFFFF, v2;
	v2 =	vshrl.u32 v2, $0x10  }
0xef: {  	[tilespmem:$0x16F70] =	vst v3  }
0xf0: {  	[tilespmem:$0x17070] =	vst v2  }
0xf1: {  	[tilespmem:s26], [sflag:$0x2] =	stream.indirect.gather [hbm4b:s0+s23], $0x80, s25, s23, $0xb8;
	[tilespmem:$0x1F100] =	vst v63  }
0xf2: {  	_ =	swait.ge [sflag:s28], $0x4000  }
0xf3: {  	[sflag:s28] =	ssyncset.done $0x0  }
0xf4: {  	[sflag:s28] =	ssyncadd.s32 $0xFFFFC000  }
0xf5: {  	[spmem:s2] =	stream.indirect.scatter.add.f32 [tilespmem:s22], [sflag:$0x3], $0x80, s29, s23, $0xb8;
	[tilespmem:$0x1F100] =	vst v63  }
0xf6: {  	_ =	swait.ge [sflag:s21], $0x4000  }
0xf7: {  	[sflag:s21] =	ssyncset.done $0x0  }
0xf8: {  	[sflag:s21] =	ssyncadd.s32 $0xFFFFC000  }
0xf9: {  	[spmem:s4] =	stream.indirect.scatter.add.f32 [tilespmem:s30], [sflag:$0x3], $0x1, s29, s23, $0xb8;
	[tilespmem:$0x1F100] =	vst v63  }
0xfa: {  	_ =	swait.ge [sflag:s21], $0x80  }
0xfb: {  	[sflag:s21] =	ssyncset.done $0x0  }
0xfc: {  	[sflag:s21] =	ssyncadd.s32 $0xFFFFFF80  }
0xfd: {  	v2 =	vld [tilespmem:s3+$0x14380];
	_ =	sdelay $0x4  }
0xfe: {  	v3 =	vand.u32 $0xFFFF, v2;
	v2 =	vshrl.u32 v2, $0x10  }
0xff: {  	[tilespmem:$0x16E80] =	vst v3  }
0x100: {  	[tilespmem:$0x16F80] =	vst v2  }
0x101: {  	v2 =	vld [tilespmem:s3+$0x14390];
	_ =	sdelay $0x4  }
0x102: {  	v3 =	vand.u32 $0xFFFF, v2;
	v2 =	vshrl.u32 v2, $0x10  }
0x103: {  	[tilespmem:$0x16E90] =	vst v3  }
0x104: {  	[tilespmem:$0x16F90] =	vst v2  }
0x105: {  	v2 =	vld [tilespmem:s3+$0x143A0];
	_ =	sdelay $0x4  }
0x106: {  	v3 =	vand.u32 $0xFFFF, v2;
	v2 =	vshrl.u32 v2, $0x10  }
0x107: {  	[tilespmem:$0x16EA0] =	vst v3  }
0x108: {  	[tilespmem:$0x16FA0] =	vst v2  }
0x109: {  	v2 =	vld [tilespmem:s3+$0x143B0];
	_ =	sdelay $0x4  }
0x10a: {  	v3 =	vand.u32 $0xFFFF, v2;
	v2 =	vshrl.u32 v2, $0x10  }
0x10b: {  	[tilespmem:$0x16EB0] =	vst v3  }
0x10c: {  	[tilespmem:$0x16FB0] =	vst v2  }
0x10d: {  	v2 =	vld [tilespmem:s3+$0x143C0];
	_ =	sdelay $0x4  }
0x10e: {  	v3 =	vand.u32 $0xFFFF, v2;
	v2 =	vshrl.u32 v2, $0x10  }
0x10f: {  	[tilespmem:$0x16EC0] =	vst v3  }
0x110: {  	[tilespmem:$0x16FC0] =	vst v2  }
0x111: {  	v2 =	vld [tilespmem:s3+$0x143D0];
	_ =	sdelay $0x4  }
0x112: {  	v3 =	vand.u32 $0xFFFF, v2;
	v2 =	vshrl.u32 v2, $0x10  }
0x113: {  	[tilespmem:$0x16ED0] =	vst v3  }
0x114: {  	[tilespmem:$0x16FD0] =	vst v2  }
0x115: {  	v2 =	vld [tilespmem:s3+$0x143E0];
	_ =	sdelay $0x3  }
.Ltmp1:
0x116: {  	(pc) =	sbr.rel @p0 .LBB2_4-.Ltmp1, $4  }
0x117: {  	v3 =	vand.u32 $0xFFFF, v2;
	v2 =	vshrl.u32 v2, $0x10  }
0x118: {  	[tilespmem:$0x16EE0] =	vst v3  }
0x119: {  	[tilespmem:$0x16FE0] =	vst v2  }
0x11a: {  	v2 =	vld [tilespmem:s3+$0x143F0]  }
0x11b: {  	_ =	sdelay $0x3  }
0x11c: {  	v3 =	vand.u32 $0xFFFF, v2  }
0x11d: {  	v2 =	vshrl.u32 v2, $0x10;
	[tilespmem:$0x16EF0] =	vst v3  }
0x11e: {  	[tilespmem:$0x16FF0] =	vst v2  }
0x11f: {  	[tilespmem:s22], [sflag:$0x1] =	stream.indirect.gather [hbm4b:s0+s23], $0x80, s24, s23, $0xb8;
	[tilespmem:$0x1F100] =	vst v63  }
0x120: {  	_ =	swait.ge [sflag:s31], $0x4000  }
0x121: {  	[sflag:s31] =	ssyncset.done $0x0  }
0x122: {  	[sflag:s31] =	ssyncadd.s32 $0xFFFFC000  }
0x123: {  	[spmem:s2] =	stream.indirect.scatter.add.f32 [tilespmem:s26], [sflag:$0x3], $0x80, s1, s23, $0xb8;
	[tilespmem:$0x1F100] =	vst v63  }
0x124: {  	_ =	swait.ge [sflag:s21], $0x4000  }
0x125: {  	[sflag:s21] =	ssyncset.done $0x0  }
0x126: {  	[sflag:s21] =	ssyncadd.s32 $0xFFFFC000  }
0x127: {  	[spmem:s4] =	stream.indirect.scatter.add.f32 [tilespmem:s30], [sflag:$0x3], $0x1, s1, s23, $0xb8;
	[tilespmem:$0x1F100] =	vst v63  }
0x128: {  	_ =	swait.ge [sflag:s21], $0x80  }
0x129: {  	[sflag:s21] =	ssyncset.done $0x0  }
0x12a: {  	[sflag:s21] =	ssyncadd.s32 $0xFFFFFF80  }
0x12b: {  	_ =	swait.ge [sflag:s28], $0x4000  }
0x12c: {  	s3 =	stileid.u32;
	[sflag:s28] =	ssyncset.done $0x0  }
0x12d: {  	s3 =	sshll.u32 s3, $0x6;
	[sflag:s28] =	ssyncadd.s32 $0xFFFFC000  }
0x12e: {  	s20 =	sshrl.u32 s7, $0x3;
	s3 =	sor.u32 $0x1C03, s3;
	[bflag:$0x0] =	sbarrier.arrive $0xFFFF  }
0x12f: {  	[hbm:s17], [sflag:s3] =	dma.local [spmem:s20], $0x2800  }
0x130: {  	s5 =	sadd.s32 $0x1, s5;
	_ =	swait.ge [sflag:s21], $0x2800  }
0x131: {  	s6 =	simm.s32 $0x20;
	p0 =	sne.s32 s5, s19;
	[sflag:s21] =	ssyncset.done $0x0  }
.Ltmp2:
0x132: {  	s20 =	sshrl.u32 s12, $0x3;
	[sflag:s21] =	ssyncadd.s32 $0xFFFFD800;
	(pc) =	sbr.rel @p0 .LBB2_1-.Ltmp2, $4  }
0x133: {  	[hbm:s18@s6], [sflag:s3] =	dma.strided [spmem:s20@s8], $0x50, s28, $0x10   }
0x134: {  	_ =	swait.ge [sflag:s21], $0x50  }
0x135: {  	[sflag:s21] =	ssyncset.done $0x0  }
0x136: {  	[sflag:s21] =	ssyncadd.s32 $0xFFFFFFB0  }
0x137: {  	_ =	sfence.sel $0x180000  }
0x138: {  	[bflag:$0x0] =	sbarrier.arrive $0xFFFF  }
0x139: {  	_ =	strace $0x90000047  }
0x13a: {  	s0 =	stileid.u32;
	[bflag:$0x2] =	sbarrier.arrive $0xFFFF  }
0x13b: {  	p0 =	sne.s32 s0, $0x0;
	s0 =	rddreg [dreg:$0x6]  }
0x13c: {  	s0 =	sadd.s32 @!p0 $0x100000, s0  }
0x13d: {  	[sflag:s0] =	ssyncadd.tile.s32 @!p0 $0x1;
	_ =	shalt  }
.Lfunc_end2:
_tile_overlayer_lowered:
.L_overlay_start_2:
0x13e: {  	(tag) =	ssettag $0x2  }
0x13f: {  	s0 =	rddreg [dreg:$0x0];
	s2 =	stileid.u32  }
0x140: {  	s1 =	rddreg [dreg:$0x1];
	p0 =	sne.s32 s2, $0x0  }
0x141: {  	s3 =	rddreg [dreg:$0x2];
	[bflag:$0x3] =	sbarrier.arrive $0xFFFF;
	s2 =	simm.s32 @!p0 $0x1C03  }
0x142: {  	[timem:s3], [sflag:s2] =	dma.local @!p0 [hbm:s0], s1  }
0x143: {  	s0 =	simm.s32 @!p0 $0x3  }
0x144: {  	_ =	swait.ge @!p0 [sflag:s0], s1  }
0x145: {  	s1 =	ssub.s32 @!p0 $0x0, s1;
	[sflag:s0] =	ssyncset.done @!p0 $0x0  }
0x146: {  	[sflag:s0] =	ssyncadd.s32 @!p0 s1  }
0x147: {  	[bflag:$0x3] =	sbarrier.arrive $0xFFFF  }
0x148: {  	_ =	shalt  }

</sc_bundles>
